<compile_context>
chip_gen: v7x
topology: tpu7x:2x2x1
jax: 0.10.2.dev20260603
libtpu: 0.0.44.dev20260713+nightly
codegen_flags: <defaults>
</compile_context>

<pallas_src>
import jax
import jax.numpy as jnp
from jax import lax
from jax.experimental import pallas as pl
from jax.experimental.pallas import tpu as pltpu
from jax.experimental.pallas import tpu_sc as plsc

_B = 1024
_K = 27
_R1 = 50176
_R2 = 27648
_R3M = 4096
_R3G = _R3M * _K
_EPAD = 32768


def _cdiv(a, b):
    return (a + b - 1) // b



def _dense_first(x, w, b=_B):
    np_, ci = x.shape
    o = w.shape[1]

    def body(x_ref, w_ref, y_ref):
        y_ref[...] = jnp.dot(x_ref[...], w_ref[...],
                             preferred_element_type=jnp.float32)

    return pl.pallas_call(
        body,
        grid=(np_ // b,),
        in_specs=[
            pl.BlockSpec((b, ci), lambda i: (i, 0)),
            pl.BlockSpec((ci, o), lambda i: (0, 0)),
        ],
        out_specs=pl.BlockSpec((b, o), lambda i: (i, 0)),
        out_shape=jax.ShapeDtypeStruct((np_, o), jnp.float32),
    )(x, w)


def _stats_core(m, gb_ref, n_ref, f_ref):
    s = jnp.sum(m, axis=0, keepdims=True)
    q = jnp.sum(m * m, axis=0, keepdims=True)
    sq = jnp.dot(jnp.concatenate([s, q], axis=0), f_ref[...],
                 preferred_element_type=jnp.float32)
    n = n_ref[0, 0]
    mu = sq[0, :] / n
    var = sq[1, :] / n - mu * mu
    sc = gb_ref[0, :] * lax.rsqrt(var + 1e-5)
    return sc, gb_ref[1, :] - mu * sc


def _stats_from_a8(a8_ref, gb_ref, n_ref, f_ref, r8):
    m = a8_ref[0, : r8 - 1, :] + a8_ref[1, : r8 - 1, :]
    return _stats_core(m, gb_ref, n_ref, f_ref)


def _dense_mid(a, gb, nn, w, b=_B, zero_last=False):
    _, r, c = a.shape
    o = w.shape[1]
    r8 = r // 8
    a8 = a.reshape(2, r8, 8 * c)
    fold = jnp.tile(jnp.eye(c, dtype=jnp.float32), (8, 1))

    def body(a_ref, a8_ref, gb_ref, n_ref, f_ref, w_ref, y_ref, ss_ref):
        i = pl.program_id(0)

        @pl.when(i == 0)
        def _():
            sc, sh = _stats_from_a8(a8_ref, gb_ref, n_ref, f_ref, r8)
            ss_ref[0, :] = sc
            ss_ref[1, :] = sh

        xb = a_ref[0] + a_ref[1]
        xb = jnp.maximum(xb * ss_ref[0, :] + ss_ref[1, :], 0.0)
        y_ref[...] = jnp.dot(xb, w_ref[...],
                             preferred_element_type=jnp.float32)
        if zero_last:
            @pl.when(i == r // b - 1)
            def _():
                y_ref[b - 8 :, :] = jnp.zeros((8, o), jnp.float32)

    y, ss = pl.pallas_call(
        body,
        grid=(r // b,),
        in_specs=[
            pl.BlockSpec((2, b, c), lambda i: (0, i, 0)),
            pl.BlockSpec((2, r8, 8 * c), lambda i: (0, 0, 0)),
            pl.BlockSpec((2, c), lambda i: (0, 0)),
            pl.BlockSpec((1, 1), lambda i: (0, 0)),
            pl.BlockSpec((8 * c, c), lambda i: (0, 0)),
            pl.BlockSpec((c, o), lambda i: (0, 0)),
        ],
        out_specs=[pl.BlockSpec((b, o), lambda i: (i, 0)),
                   pl.BlockSpec((2, c), lambda i: (0, 0))],
        out_shape=[jax.ShapeDtypeStruct((r, o), jnp.float32),
                   jax.ShapeDtypeStruct((2, c), jnp.float32)],
    )(a, a8, gb, nn, fold, w)
    return y, ss


def _dense_two(aa, gba, nna, ab, ssb, wa, wb, b=_B):
    _, r, ca = aa.shape
    cb = ab.shape[2]
    o = wa.shape[1]
    r8 = r // 8
    aa8 = aa.reshape(2, r8, 8 * ca)
    fold = jnp.tile(jnp.eye(ca, dtype=jnp.float32), (8, 1))

    def body(aa_ref, aa8_ref, gba_ref, na_ref, f_ref, ab_ref, sb_ref,
             wa_ref, wb_ref, y_ref, sa_ref):
        i = pl.program_id(0)

        @pl.when(i == 0)
        def _():
            sc, sh = _stats_from_a8(aa8_ref, gba_ref, na_ref, f_ref, r8)
            sa_ref[0, :] = sc
            sa_ref[1, :] = sh

        xa = aa_ref[0] + aa_ref[1]
        xa = jnp.maximum(xa * sa_ref[0, :] + sa_ref[1, :], 0.0)
        xb = ab_ref[0] + ab_ref[1]
        xb = xb * sb_ref[0, :] + sb_ref[1, :]
        y_ref[...] = (
            jnp.dot(xa, wa_ref[...], preferred_element_type=jnp.float32)
            + jnp.dot(xb, wb_ref[...], preferred_element_type=jnp.float32))

    return pl.pallas_call(
        body,
        grid=(r // b,),
        in_specs=[
            pl.BlockSpec((2, b, ca), lambda i: (0, i, 0)),
            pl.BlockSpec((2, r8, 8 * ca), lambda i: (0, 0, 0)),
            pl.BlockSpec((2, ca), lambda i: (0, 0)),
            pl.BlockSpec((1, 1), lambda i: (0, 0)),
            pl.BlockSpec((8 * ca, ca), lambda i: (0, 0)),
            pl.BlockSpec((2, b, cb), lambda i: (0, i, 0)),
            pl.BlockSpec((2, cb), lambda i: (0, 0)),
            pl.BlockSpec((ca, o), lambda i: (0, 0)),
            pl.BlockSpec((cb, o), lambda i: (0, 0)),
        ],
        out_specs=pl.BlockSpec((b, o), lambda i: (i, 0)),
        out_shape=jax.ShapeDtypeStruct((r, o), jnp.float32),
        scratch_shapes=[pltpu.VMEM((2, ca), jnp.float32)],
    )(aa, aa8, gba, nna, fold, ab, ssb, wa, wb)


def _mm_pair(a, w, b):
    _, r, ci = a.shape
    o = w.shape[1]

    def body(a_ref, w_ref, y_ref):
        y_ref[...] = jnp.dot(a_ref[0] + a_ref[1], w_ref[...],
                             preferred_element_type=jnp.float32)

    return pl.pallas_call(
        body,
        grid=(r // b,),
        in_specs=[
            pl.BlockSpec((2, b, ci), lambda i: (0, i, 0)),
            pl.BlockSpec((ci, o), lambda i: (0, 0)),
        ],
        out_specs=pl.BlockSpec((b, o), lambda i: (i, 0)),
        out_shape=jax.ShapeDtypeStruct((r, o), jnp.float32),
    )(a, w)


def _dense_mid1(a, gb, nn, w, b, drop8=True):
    r, c = a.shape
    o = w.shape[1]
    r8 = r // 8
    a8 = a.reshape(r8, 8 * c)
    fold = jnp.tile(jnp.eye(c, dtype=jnp.float32), (8, 1))

    def body(a_ref, a8_ref, gb_ref, n_ref, f_ref, w_ref, y_ref, ss_ref):
        i = pl.program_id(0)

        @pl.when(i == 0)
        def _():
            sc, sh = _stats_core(a8_ref[: r8 - 1 if drop8 else r8, :],
                                 gb_ref, n_ref, f_ref)
            ss_ref[0, :] = sc
            ss_ref[1, :] = sh

        xb = jnp.maximum(a_ref[...] * ss_ref[0, :] + ss_ref[1, :], 0.0)
        y_ref[...] = jnp.dot(xb, w_ref[...],
                             preferred_element_type=jnp.float32)

    y, _ = pl.pallas_call(
        body,
        grid=(r // b,),
        in_specs=[
            pl.BlockSpec((b, c), lambda i: (i, 0)),
            pl.BlockSpec((r8, 8 * c), lambda i: (0, 0)),
            pl.BlockSpec((2, c), lambda i: (0, 0)),
            pl.BlockSpec((1, 1), lambda i: (0, 0)),
            pl.BlockSpec((8 * c, c), lambda i: (0, 0)),
            pl.BlockSpec((c, o), lambda i: (0, 0)),
        ],
        out_specs=[pl.BlockSpec((b, o), lambda i: (i, 0)),
                   pl.BlockSpec((2, c), lambda i: (0, 0))],
        out_shape=[jax.ShapeDtypeStruct((r, o), jnp.float32),
                   jax.ShapeDtypeStruct((2, c), jnp.float32)],
    )(a, a8, gb, nn, fold, w)
    return y



def _sc_scatter(y2d, fidx2, mout2, zrow, r, c):
    ec = fidx2.shape[0]
    cpt = ec // 32
    ng = cpt // 8
    rps = r // 16

    mesh = plsc.VectorSubcoreMesh(core_axis_name="c", subcore_axis_name="s")

    def body(y_hbm, f_hbm, m_hbm, z_hbm, out_hbm, fbuf, mbuf, vals, acc, sem):
        cid = lax.axis_index("c")
        sid = lax.axis_index("s")
        tid = sid * 2 + cid
        pltpu.sync_copy(z_hbm, acc.at[pl.ds(sid * rps, rps)])
        plsc.subcore_barrier()

        base = tid * cpt

        def grp(g, carry):
            r0 = (base + g * 8) * 128
            pltpu.sync_copy(f_hbm.at[pl.ds(r0, 1024)], fbuf)
            pltpu.sync_copy(m_hbm.at[pl.ds(r0, 1024)], mbuf)
            pltpu.async_copy(y_hbm.at[fbuf], vals, sem).wait()
            pltpu.sync_copy(vals, acc.at[mbuf], add=True)
            return carry

        lax.fori_loop(0, ng, grp, 0)
        plsc.subcore_barrier()
        pltpu.sync_copy(acc.at[pl.ds(sid * rps, rps)],
                        out_hbm.at[cid, pl.ds(sid * rps, rps)])

    f = pl.kernel(
        body,
        mesh=mesh,
        compiler_params=pltpu.CompilerParams(use_tc_tiling_on_sc=False),
        out_type=jax.ShapeDtypeStruct((2, r, c), jnp.float32),
        scratch_types=[
            pltpu.VMEM((1024,), jnp.int32),
            pltpu.VMEM((1024,), jnp.int32),
            pltpu.VMEM((1024, c), jnp.float32),
            pltpu.VMEM_SHARED((r, c), jnp.float32),
            pltpu.SemaphoreType.DMA,
        ])
    return f(y2d, fidx2.reshape(-1), mout2.reshape(-1), zrow)


def _edge_prep(m_in, m_out, sp, r, gather_first=False,
               pad_fidx=0, pad_mo=None):
    e = m_in.shape[0]
    epad = _cdiv(e, _EPAD) * _EPAD
    if pad_mo is None:
        pad_mo = r - 1
    eidx = jnp.arange(e, dtype=jnp.int32)
    ke = jnp.sum(eidx[:, None] >= sp[None, 1:_K].astype(jnp.int32),
                 axis=1).astype(jnp.int32)
    if gather_first:
        fidx = m_in.astype(jnp.int32)
        mo = m_out.astype(jnp.int32) * _K + ke
    else:
        fidx = m_in.astype(jnp.int32) * _K + ke
        mo = m_out.astype(jnp.int32)
    fidx = jnp.pad(fidx, (0, epad - e), constant_values=pad_fidx)
    mo = jnp.pad(mo, (0, epad - e), constant_values=pad_mo)
    return fidx.reshape(epad // 128, 128), mo.reshape(epad // 128, 128)


def _wflat(w):
    return w.transpose(1, 0, 2).reshape(w.shape[1], _K * w.shape[2])



def kernel(x, W1, g1, b1, W2, g2, b2, W3, g3, b3, W3t, g3t, b3t,
           W2t, g2t, b2t, Wout, km1_in, km1_out, km1_sp, km2_in, km2_out,
           km2_sp, km3_in, km3_out, km3_sp, km3t_in, km3t_out, km3t_sp,
           km2t_in, km2t_out, km2t_sp, n1, n2, n3):
    f32 = jnp.float32
    nn1 = jnp.asarray(n1, f32).reshape(1, 1)
    nn2 = jnp.asarray(n2, f32).reshape(1, 1)
    nn3 = jnp.asarray(n3, f32).reshape(1, 1)
    gb1 = jnp.stack([g1, b1])
    gb2 = jnp.stack([g2, b2])
    gb3 = jnp.stack([g3, b3])
    gb3t = jnp.stack([g3t, b3t])
    gb2t = jnp.stack([g2t, b2t])

    xp = jnp.pad(x, ((0, _R1 - x.shape[0]), (0, 0)))

    y1 = _dense_first(xp, _wflat(W1))
    f1, m1 = _edge_prep(km1_in, km1_out, km1_sp, _R1)
    a1 = _sc_scatter(y1.reshape(_R1 * _K, 8), f1, m1,
                     jnp.zeros((_R1 // 16, 8), f32), _R1, 8)

    y2, ss1 = _dense_mid(a1, gb1, nn1, _wflat(W2))
    f2, m2 = _edge_prep(km2_in, km2_out, km2_sp, _R2)
    a2 = _sc_scatter(y2.reshape(_R1 * _K, 16), f2, m2,
                     jnp.zeros((_R2 // 16, 16), f32), _R2, 16)

    x2, ss2 = _dense_mid(a2, gb2, nn2, jnp.eye(16, dtype=f32),
                         zero_last=True)
    f3, m3 = _edge_prep(km3_in, km3_out, km3_sp, _R3G, gather_first=True,
                        pad_fidx=_R2 - 1, pad_mo=0)
    s3 = _sc_scatter(x2, f3, m3, jnp.zeros((_R3G // 16, 16), f32), _R3G, 16)
    a3 = _mm_pair(s3.reshape(2, _R3M, _K * 16), W3.reshape(_K * 16, 32), 1024)

    y3t = _dense_mid1(a3, gb3, nn3, _wflat(W3t), b=1024, drop8=False)
    f3t, m3t = _edge_prep(km3t_in, km3t_out, km3t_sp, _R2)
    a3t = _sc_scatter(y3t.reshape(_R3M * _K, 16), f3t, m3t,
                      jnp.zeros((_R2 // 16, 16), f32), _R2, 16)

    w2tf = _wflat(W2t)
    y2t = _dense_two(a3t, gb3t, nn2, a2, ss2, w2tf[:16], w2tf[16:])
    f2t, m2t = _edge_prep(km2t_in, km2t_out, km2t_sp, _R1)
    a2t = _sc_scatter(y2t.reshape(_R2 * _K, 16), f2t, m2t,
                      jnp.zeros((_R1 // 16, 16), f32), _R1, 16)

    out = _dense_two(a2t, gb2t, nn1, a1, ss1, Wout[:16], Wout[16:])
    return out[: x.shape[0]]

# --- scband reference (transcript-rebuilt; emitter-appended) ---
"""Pipeline reference for scband-minkowski-unet-39883066311119 (READ-ONLY COPY).

The authoritative reference and input builder live on the scoring server;
editing this copy changes nothing except your own understanding.
"""

import jax, jax.numpy as jnp
import numpy as np

_OFF = np.array([[i, j, k] for i in (-1, 0, 1) for j in (-1, 0, 1) for k in (-1, 0, 1)], dtype=np.int64)

def _key(c):
    c2 = c + 16
    return (c2[:, 0] * 128 + c2[:, 1]) * 128 + c2[:, 2]

def _build_map(out_coords, in_coords, ts):
    in_key = _key(in_coords)
    order = np.argsort(in_key)
    sk = in_key[order]
    ins = []
    outs = []
    splits = [0]
    for o in (_OFF * ts):
        q = _key(out_coords + o[None, :])
        pos = np.clip(np.searchsorted(sk, q), 0, len(sk) - 1)
        found = sk[pos] == q
        ins.append(order[pos][found])
        outs.append(np.nonzero(found)[0].astype(np.int64))
        splits.append(splits[-1] + int(found.sum()))
    return np.concatenate(ins), np.concatenate(outs), np.array(splits, dtype=np.int64)

def _sconv(x, W, m_in, m_out, sp, n_out):
    out = jnp.zeros((n_out, W.shape[-1]), x.dtype)
    idx = jnp.arange(m_in.shape[0])
    gathered = x[m_in]
    for k in range(W.shape[0]):
        seg = (idx >= sp[k]) & (idx < sp[k + 1])
        vals = jnp.where(seg[:, None], gathered @ W[k], 0)
        out = out.at[m_out].add(vals)
    return out

def _bn(x, g, b, n, mask):
    cnt = jnp.asarray(n, x.dtype)
    m = jnp.sum(x, axis=0) / cnt
    d = x - m
    v = jnp.sum(jnp.where(mask[:, None], d * d, 0), axis=0) / cnt
    return g * (x - m) * jax.lax.rsqrt(v + 1e-5) + b

def setup_inputs(seed: int = 0):
    rng = np.random.default_rng(0)
    flat = rng.choice(64 ** 3, size=50000, replace=False)
    c1 = np.stack(np.unravel_index(flat, (64, 64, 64)), axis=-1).astype(np.int64)
    c2 = np.unique((c1 // 2) * 2, axis=0)
    c3 = np.unique((c2 // 4) * 4, axis=0)
    km1 = _build_map(c1, c1, 1)
    km2 = _build_map(c2, c1, 1)
    km3 = _build_map(c3, c2, 2)
    km3t = _build_map(c2, c3, 2)
    km2t = _build_map(c1, c2, 1)
    key = jax.random.key(seed)
    ks = jax.random.split(key, 8)
    inp = {
        'x': jax.random.normal(ks[0], (50000, 128), dtype=jnp.float32),
        'W1': jax.random.normal(ks[1], (27, 128, 8), dtype=jnp.float32) * 0.05,
        'g1': jnp.ones((8,), jnp.float32), 'b1': jnp.zeros((8,), jnp.float32),
        'W2': jax.random.normal(ks[2], (27, 8, 16), dtype=jnp.float32) * 0.05,
        'g2': jnp.ones((16,), jnp.float32), 'b2': jnp.zeros((16,), jnp.float32),
        'W3': jax.random.normal(ks[3], (27, 16, 32), dtype=jnp.float32) * 0.05,
        'g3': jnp.ones((32,), jnp.float32), 'b3': jnp.zeros((32,), jnp.float32),
        'W3t': jax.random.normal(ks[4], (27, 32, 16), dtype=jnp.float32) * 0.05,
        'g3t': jnp.ones((16,), jnp.float32), 'b3t': jnp.zeros((16,), jnp.float32),
        'W2t': jax.random.normal(ks[5], (27, 32, 16), dtype=jnp.float32) * 0.05,
        'g2t': jnp.ones((16,), jnp.float32), 'b2t': jnp.zeros((16,), jnp.float32),
        'Wout': jax.random.normal(ks[6], (24, 128), dtype=jnp.float32) * 0.05,
        'km1_in': km1[0], 'km1_out': km1[1], 'km1_sp': km1[2],
        'km2_in': km2[0], 'km2_out': km2[1], 'km2_sp': km2[2],
        'km3_in': km3[0], 'km3_out': km3[1], 'km3_sp': km3[2],
        'km3t_in': km3t[0], 'km3t_out': km3t[1], 'km3t_sp': km3t[2],
        'km2t_in': km2t[0], 'km2t_out': km2t[1], 'km2t_sp': km2t[2],
        'n1': int(c1.shape[0]), 'n2': int(c2.shape[0]), 'n3': int(c3.shape[0]),
    }
    return inp

def reference(x, W1, g1, b1, W2, g2, b2, W3, g3, b3, W3t, g3t, b3t, W2t, g2t, b2t, Wout, km1_in, km1_out, km1_sp, km2_in, km2_out, km2_sp, km3_in, km3_out, km3_sp, km3t_in, km3t_out, km3t_sp, km2t_in, km2t_out, km2t_sp, n1, n2, n3):
    npad = x.shape[0]
    rows = jnp.arange(npad)
    mask1 = rows < n1
    mask2 = rows < n2
    mask3 = rows < n3
    out_s1 = _bn(_sconv(x, W1, km1_in, km1_out, km1_sp, npad), g1, b1, n1, mask1)
    out = jax.nn.relu(out_s1)
    out_s2 = _bn(_sconv(out, W2, km2_in, km2_out, km2_sp, npad), g2, b2, n2, mask2)
    out = jax.nn.relu(out_s2)
    out_s4 = _bn(_sconv(out, W3, km3_in, km3_out, km3_sp, npad), g3, b3, n3, mask3)
    out = jax.nn.relu(out_s4)
    out = jax.nn.relu(_bn(_sconv(out, W3t, km3t_in, km3t_out, km3t_sp, npad), g3t, b3t, n2, mask2))
    out = jnp.concatenate([out, out_s2], axis=1)
    out = jax.nn.relu(_bn(_sconv(out, W2t, km2t_in, km2t_out, km2t_sp, npad), g2t, b2t, n1, mask1))
    out = jnp.concatenate([out, out_s1], axis=1)
    return out @ Wout

if __name__ == "__main__":
    import jax
    _d = setup_inputs()
    print(jax.jit(kernel)(*tuple(_d.values())))

</pallas_src>

<mosaic_0001>
#map = affine_map<(d0, d1) -> (0, 0)>
#map1 = affine_map<(d0, d1) -> (0)>
#map2 = affine_map<(d0, d1) -> (0, 0, 0)>
module attributes {stable_mosaic.version = 14 : i64} {
  func.func @body(%arg0: i32, %arg1: i32, %arg2: memref<110592x16xf32, #tpu.memory_space<hbm>>, %arg3: memref<98304xi32, #tpu.memory_space<hbm>>, %arg4: memref<98304xi32, #tpu.memory_space<hbm>>, %arg5: memref<1728x16xf32, #tpu.memory_space<hbm>>, %arg6: memref<2x27648x16xf32, #tpu.memory_space<hbm>>, %arg7: memref<1024xi32, #tpu.memory_space<vmem>>, %arg8: memref<1024xi32, #tpu.memory_space<vmem>>, %arg9: memref<1024x16xf32, #tpu.memory_space<vmem>>, %arg10: memref<27648x16xf32, #tpu.memory_space<vmem_shared>>, %arg11: memref<!tpu.dma_semaphore, #tpu.memory_space<semaphore_mem>>) attributes {dimension_semantics = [#tpu.dimension_semantics<core_parallel>, #tpu.dimension_semantics<subcore_parallel>], iteration_bounds = array<i64: 2, 16>, scalar_prefetch = 0 : i64, scratch_operands = 5 : i64, tpu.core_type = #tpu.core_type<sc_vector_subcore>, window_params = [{transform_indices = #map}, {transform_indices = #map1}, {transform_indices = #map1}, {transform_indices = #map}, {transform_indices = #map2}]} {
    %mul3A = arith.constant 2 : i32
    %mul3A_0 = arith.muli %arg1, %mul3A : i32
    %add3A = arith.addi %mul3A_0, %arg0 : i32
    %mul3A_1 = arith.constant 1728 : i32
    %mul3A_2 = arith.muli %arg1, %mul3A_1 : i32
    "tpu.region"() ({
      %run_scoped3A = tpu.sem_alloc : memref<!tpu.dma_semaphore, #tpu.memory_space<semaphore_mem>>
      %dma_start3A = arith.constant 0 : i32
      %dma_start3A_15 = tpu.memref_slice %arg10[%mul3A_2, %dma_start3A] : memref<27648x16xf32, #tpu.memory_space<vmem_shared>> -> memref<1728x16xf32, #tpu.memory_space<vmem_shared>>
      tpu.enqueue_dma source(%arg5 : memref<1728x16xf32, #tpu.memory_space<hbm>>) target(%dma_start3A_15 : memref<1728x16xf32, #tpu.memory_space<vmem_shared>>) target_semaphore(%run_scoped3A : memref<!tpu.dma_semaphore, #tpu.memory_space<semaphore_mem>>)
      %dma_wait3A = arith.constant 0 : i32
      %dma_wait3A_16 = tpu.memref_slice %arg10[%mul3A_2, %dma_wait3A] : memref<27648x16xf32, #tpu.memory_space<vmem_shared>> -> memref<1728x16xf32, #tpu.memory_space<vmem_shared>>
      tpu.wait_dma2 semaphore(%run_scoped3A : memref<!tpu.dma_semaphore, #tpu.memory_space<semaphore_mem>>) src(%arg5 : memref<1728x16xf32, #tpu.memory_space<hbm>>) dst(%dma_wait3A_16 : memref<1728x16xf32, #tpu.memory_space<vmem_shared>>)
      tpu.yield
    }) : () -> ()
    %barrier3A = arith.constant 0 : index
    tpu.barrier barrier_id(%barrier3A)
    %mul3A_3 = arith.constant 24 : i32
    %mul3A_4 = arith.muli %add3A, %mul3A_3 : i32
    %scan3A = arith.constant 0 : i32
    %scan3A_5 = arith.constant 0 : i32
    %scan3A_6 = arith.constant 3 : i32
    %scan3A_7 = arith.addi %scan3A_5, %scan3A_6 : i32
    %scan3A_8 = arith.constant 1 : i32
    scf.for %scan3A_15 = %scan3A_5 to %scan3A_7 step %scan3A_8  : i32 {
      %mul3A_16 = arith.constant 8 : i32
      %mul3A_17 = arith.muli %scan3A_15, %mul3A_16 : i32
      %add3A_18 = arith.addi %mul3A_4, %mul3A_17 : i32
      %mul3A_19 = arith.constant 128 : i32
      %mul3A_20 = arith.muli %add3A_18, %mul3A_19 : i32
      "tpu.region"() ({
        %run_scoped3A = tpu.sem_alloc : memref<!tpu.dma_semaphore, #tpu.memory_space<semaphore_mem>>
        %dma_start3A_25 = tpu.memref_slice %arg3[%mul3A_20] : memref<98304xi32, #tpu.memory_space<hbm>> -> memref<1024xi32, #tpu.memory_space<hbm>>
        %dma_start3A_26 = tpu.memref_slice %arg3[%mul3A_20] : memref<98304xi32, #tpu.memory_space<hbm>> -> memref<1024xi32, #tpu.memory_space<hbm>>
        tpu.enqueue_dma source(%dma_start3A_26 : memref<1024xi32, #tpu.memory_space<hbm>>) target(%arg7 : memref<1024xi32, #tpu.memory_space<vmem>>) target_semaphore(%run_scoped3A : memref<!tpu.dma_semaphore, #tpu.memory_space<semaphore_mem>>)
        %dma_wait3A_27 = tpu.memref_slice %arg3[%mul3A_20] : memref<98304xi32, #tpu.memory_space<hbm>> -> memref<1024xi32, #tpu.memory_space<hbm>>
        %dma_wait3A_28 = tpu.memref_slice %arg3[%mul3A_20] : memref<98304xi32, #tpu.memory_space<hbm>> -> memref<1024xi32, #tpu.memory_space<hbm>>
        tpu.wait_dma2 semaphore(%run_scoped3A : memref<!tpu.dma_semaphore, #tpu.memory_space<semaphore_mem>>) src(%dma_wait3A_28 : memref<1024xi32, #tpu.memory_space<hbm>>) dst(%arg7 : memref<1024xi32, #tpu.memory_space<vmem>>)
        tpu.yield
      }) : () -> ()
      "tpu.region"() ({
        %run_scoped3A = tpu.sem_alloc : memref<!tpu.dma_semaphore, #tpu.memory_space<semaphore_mem>>
        %dma_start3A_25 = tpu.memref_slice %arg4[%mul3A_20] : memref<98304xi32, #tpu.memory_space<hbm>> -> memref<1024xi32, #tpu.memory_space<hbm>>
        %dma_start3A_26 = tpu.memref_slice %arg4[%mul3A_20] : memref<98304xi32, #tpu.memory_space<hbm>> -> memref<1024xi32, #tpu.memory_space<hbm>>
        tpu.enqueue_dma source(%dma_start3A_26 : memref<1024xi32, #tpu.memory_space<hbm>>) target(%arg8 : memref<1024xi32, #tpu.memory_space<vmem>>) target_semaphore(%run_scoped3A : memref<!tpu.dma_semaphore, #tpu.memory_space<semaphore_mem>>)
        %dma_wait3A_27 = tpu.memref_slice %arg4[%mul3A_20] : memref<98304xi32, #tpu.memory_space<hbm>> -> memref<1024xi32, #tpu.memory_space<hbm>>
        %dma_wait3A_28 = tpu.memref_slice %arg4[%mul3A_20] : memref<98304xi32, #tpu.memory_space<hbm>> -> memref<1024xi32, #tpu.memory_space<hbm>>
        tpu.wait_dma2 semaphore(%run_scoped3A : memref<!tpu.dma_semaphore, #tpu.memory_space<semaphore_mem>>) src(%dma_wait3A_28 : memref<1024xi32, #tpu.memory_space<hbm>>) dst(%arg8 : memref<1024xi32, #tpu.memory_space<vmem>>)
        tpu.yield
      }) : () -> ()
      %dma_start3A = arith.constant 0 : i32
      %dma_start3A_21 = arith.constant 0 : i32
      %dma_start3A_22 = tpu.memref_slice %arg2[%dma_start3A, %dma_start3A_21] : memref<110592x16xf32, #tpu.memory_space<hbm>> -> memref<110592x16xf32, #tpu.memory_space<hbm>>
      tpu.enqueue_indirect_dma source(%dma_start3A_22 : memref<110592x16xf32, #tpu.memory_space<hbm>>) target(%arg9 : memref<1024x16xf32, #tpu.memory_space<vmem>>) offsets(%arg7 : memref<1024xi32, #tpu.memory_space<vmem>>) semaphore(%arg11 : memref<!tpu.dma_semaphore, #tpu.memory_space<semaphore_mem>>)
      %dma_wait3A = arith.constant 0 : i32
      %dma_wait3A_23 = arith.constant 0 : i32
      %dma_wait3A_24 = tpu.memref_slice %arg2[%dma_wait3A, %dma_wait3A_23] : memref<110592x16xf32, #tpu.memory_space<hbm>> -> memref<110592x16xf32, #tpu.memory_space<hbm>>
      tpu.wait_indirect_dma semaphore(%arg11 : memref<!tpu.dma_semaphore, #tpu.memory_space<semaphore_mem>>) src(%dma_wait3A_24 : memref<110592x16xf32, #tpu.memory_space<hbm>>) dst(%arg9 : memref<1024x16xf32, #tpu.memory_space<vmem>>)
      "tpu.region"() ({
        %run_scoped3A = tpu.sem_alloc : memref<!tpu.dma_semaphore, #tpu.memory_space<semaphore_mem>>
        %dma_start3A_25 = arith.constant 0 : i32
        %dma_start3A_26 = arith.constant 0 : i32
        %dma_start3A_27 = tpu.memref_slice %arg10[%dma_start3A_25, %dma_start3A_26] : memref<27648x16xf32, #tpu.memory_space<vmem_shared>> -> memref<27648x16xf32, #tpu.memory_space<vmem_shared>>
        tpu.enqueue_indirect_dma source(%arg9 : memref<1024x16xf32, #tpu.memory_space<vmem>>) target(%dma_start3A_27 : memref<27648x16xf32, #tpu.memory_space<vmem_shared>>) offsets(%arg8 : memref<1024xi32, #tpu.memory_space<vmem>>) semaphore(%run_scoped3A : memref<!tpu.dma_semaphore, #tpu.memory_space<semaphore_mem>>) {add = true}
        %dma_wait3A_28 = arith.constant 0 : i32
        %dma_wait3A_29 = arith.constant 0 : i32
        %dma_wait3A_30 = tpu.memref_slice %arg10[%dma_wait3A_28, %dma_wait3A_29] : memref<27648x16xf32, #tpu.memory_space<vmem_shared>> -> memref<27648x16xf32, #tpu.memory_space<vmem_shared>>
        tpu.wait_indirect_dma semaphore(%run_scoped3A : memref<!tpu.dma_semaphore, #tpu.memory_space<semaphore_mem>>) src(%arg9 : memref<1024x16xf32, #tpu.memory_space<vmem>>) dst(%dma_wait3A_30 : memref<27648x16xf32, #tpu.memory_space<vmem_shared>>)
        tpu.yield
      }) : () -> ()
    }
    %scan3A_9 = arith.constant 3 : i32
    %barrier3A_10 = arith.constant 0 : index
    tpu.barrier barrier_id(%barrier3A_10)
    %mul3A_11 = arith.constant 1728 : i32
    %mul3A_12 = arith.muli %arg1, %mul3A_11 : i32
    %mul3A_13 = arith.constant 1728 : i32
    %mul3A_14 = arith.muli %arg1, %mul3A_13 : i32
    "tpu.region"() ({
      %run_scoped3A = tpu.sem_alloc : memref<!tpu.dma_semaphore, #tpu.memory_space<semaphore_mem>>
      %dma_start3A = arith.constant 0 : i32
      %dma_start3A_15 = tpu.memref_slice %arg6[%arg0, %mul3A_14, %dma_start3A] : memref<2x27648x16xf32, #tpu.memory_space<hbm>> -> memref<1x1728x16xf32, #tpu.memory_space<hbm>>
      %dma_start3A_16 = tpu.memref_squeeze %dma_start3A_15 : memref<1x1728x16xf32, #tpu.memory_space<hbm>> -> memref<1728x16xf32, #tpu.memory_space<hbm>>
      %dma_start3A_17 = arith.constant 0 : i32
      %dma_start3A_18 = tpu.memref_slice %arg10[%mul3A_12, %dma_start3A_17] : memref<27648x16xf32, #tpu.memory_space<vmem_shared>> -> memref<1728x16xf32, #tpu.memory_space<vmem_shared>>
      tpu.enqueue_dma source(%dma_start3A_18 : memref<1728x16xf32, #tpu.memory_space<vmem_shared>>) target(%dma_start3A_16 : memref<1728x16xf32, #tpu.memory_space<hbm>>) target_semaphore(%run_scoped3A : memref<!tpu.dma_semaphore, #tpu.memory_space<semaphore_mem>>)
      %dma_wait3A = arith.constant 0 : i32
      %dma_wait3A_19 = tpu.memref_slice %arg6[%arg0, %mul3A_14, %dma_wait3A] : memref<2x27648x16xf32, #tpu.memory_space<hbm>> -> memref<1x1728x16xf32, #tpu.memory_space<hbm>>
      %dma_wait3A_20 = tpu.memref_squeeze %dma_wait3A_19 : memref<1x1728x16xf32, #tpu.memory_space<hbm>> -> memref<1728x16xf32, #tpu.memory_space<hbm>>
      %dma_wait3A_21 = arith.constant 0 : i32
      %dma_wait3A_22 = tpu.memref_slice %arg10[%mul3A_12, %dma_wait3A_21] : memref<27648x16xf32, #tpu.memory_space<vmem_shared>> -> memref<1728x16xf32, #tpu.memory_space<vmem_shared>>
      tpu.wait_dma2 semaphore(%run_scoped3A : memref<!tpu.dma_semaphore, #tpu.memory_space<semaphore_mem>>) src(%dma_wait3A_22 : memref<1728x16xf32, #tpu.memory_space<vmem_shared>>) dst(%dma_wait3A_20 : memref<1728x16xf32, #tpu.memory_space<hbm>>)
      tpu.yield
    }) : () -> ()
    return
  }
}

#map = affine_map<(d0, d1) -> (0, 0)>
#map1 = affine_map<(d0, d1) -> (0)>
#map2 = affine_map<(d0, d1) -> (0, 0, 0)>
module attributes {stable_mosaic.version = 14 : i64} {
  func.func @body(%arg0: i32, %arg1: i32, %arg2: memref<27648x16xf32, #tpu.memory_space<hbm>>, %arg3: memref<98304xi32, #tpu.memory_space<hbm>>, %arg4: memref<98304xi32, #tpu.memory_space<hbm>>, %arg5: memref<6912x16xf32, #tpu.memory_space<hbm>>, %arg6: memref<2x110592x16xf32, #tpu.memory_space<hbm>>, %arg7: memref<1024xi32, #tpu.memory_space<vmem>>, %arg8: memref<1024xi32, #tpu.memory_space<vmem>>, %arg9: memref<1024x16xf32, #tpu.memory_space<vmem>>, %arg10: memref<110592x16xf32, #tpu.memory_space<vmem_shared>>, %arg11: memref<!tpu.dma_semaphore, #tpu.memory_space<semaphore_mem>>) attributes {dimension_semantics = [#tpu.dimension_semantics<core_parallel>, #tpu.dimension_semantics<subcore_parallel>], iteration_bounds = array<i64: 2, 16>, scalar_prefetch = 0 : i64, scratch_operands = 5 : i64, tpu.core_type = #tpu.core_type<sc_vector_subcore>, window_params = [{transform_indices = #map}, {transform_indices = #map1}, {transform_indices = #map1}, {transform_indices = #map}, {transform_indices = #map2}]} {
    %mul3A = arith.constant 2 : i32
    %mul3A_0 = arith.muli %arg1, %mul3A : i32
    %add3A = arith.addi %mul3A_0, %arg0 : i32
    %mul3A_1 = arith.constant 6912 : i32
    %mul3A_2 = arith.muli %arg1, %mul3A_1 : i32
    "tpu.region"() ({
      %run_scoped3A = tpu.sem_alloc : memref<!tpu.dma_semaphore, #tpu.memory_space<semaphore_mem>>
      %dma_start3A = arith.constant 0 : i32
      %dma_start3A_15 = tpu.memref_slice %arg10[%mul3A_2, %dma_start3A] : memref<110592x16xf32, #tpu.memory_space<vmem_shared>> -> memref<6912x16xf32, #tpu.memory_space<vmem_shared>>
      tpu.enqueue_dma source(%arg5 : memref<6912x16xf32, #tpu.memory_space<hbm>>) target(%dma_start3A_15 : memref<6912x16xf32, #tpu.memory_space<vmem_shared>>) target_semaphore(%run_scoped3A : memref<!tpu.dma_semaphore, #tpu.memory_space<semaphore_mem>>)
      %dma_wait3A = arith.constant 0 : i32
      %dma_wait3A_16 = tpu.memref_slice %arg10[%mul3A_2, %dma_wait3A] : memref<110592x16xf32, #tpu.memory_space<vmem_shared>> -> memref<6912x16xf32, #tpu.memory_space<vmem_shared>>
      tpu.wait_dma2 semaphore(%run_scoped3A : memref<!tpu.dma_semaphore, #tpu.memory_space<semaphore_mem>>) src(%arg5 : memref<6912x16xf32, #tpu.memory_space<hbm>>) dst(%dma_wait3A_16 : memref<6912x16xf32, #tpu.memory_space<vmem_shared>>)
      tpu.yield
    }) : () -> ()
    %barrier3A = arith.constant 0 : index
    tpu.barrier barrier_id(%barrier3A)
    %mul3A_3 = arith.constant 24 : i32
    %mul3A_4 = arith.muli %add3A, %mul3A_3 : i32
    %scan3A = arith.constant 0 : i32
    %scan3A_5 = arith.constant 0 : i32
    %scan3A_6 = arith.constant 3 : i32
    %scan3A_7 = arith.addi %scan3A_5, %scan3A_6 : i32
    %scan3A_8 = arith.constant 1 : i32
    scf.for %scan3A_15 = %scan3A_5 to %scan3A_7 step %scan3A_8  : i32 {
      %mul3A_16 = arith.constant 8 : i32
      %mul3A_17 = arith.muli %scan3A_15, %mul3A_16 : i32
      %add3A_18 = arith.addi %mul3A_4, %mul3A_17 : i32
      %mul3A_19 = arith.constant 128 : i32
      %mul3A_20 = arith.muli %add3A_18, %mul3A_19 : i32
      "tpu.region"() ({
        %run_scoped3A = tpu.sem_alloc : memref<!tpu.dma_semaphore, #tpu.memory_space<semaphore_mem>>
        %dma_start3A_25 = tpu.memref_slice %arg3[%mul3A_20] : memref<98304xi32, #tpu.memory_space<hbm>> -> memref<1024xi32, #tpu.memory_space<hbm>>
        %dma_start3A_26 = tpu.memref_slice %arg3[%mul3A_20] : memref<98304xi32, #tpu.memory_space<hbm>> -> memref<1024xi32, #tpu.memory_space<hbm>>
        tpu.enqueue_dma source(%dma_start3A_26 : memref<1024xi32, #tpu.memory_space<hbm>>) target(%arg7 : memref<1024xi32, #tpu.memory_space<vmem>>) target_semaphore(%run_scoped3A : memref<!tpu.dma_semaphore, #tpu.memory_space<semaphore_mem>>)
        %dma_wait3A_27 = tpu.memref_slice %arg3[%mul3A_20] : memref<98304xi32, #tpu.memory_space<hbm>> -> memref<1024xi32, #tpu.memory_space<hbm>>
        %dma_wait3A_28 = tpu.memref_slice %arg3[%mul3A_20] : memref<98304xi32, #tpu.memory_space<hbm>> -> memref<1024xi32, #tpu.memory_space<hbm>>
        tpu.wait_dma2 semaphore(%run_scoped3A : memref<!tpu.dma_semaphore, #tpu.memory_space<semaphore_mem>>) src(%dma_wait3A_28 : memref<1024xi32, #tpu.memory_space<hbm>>) dst(%arg7 : memref<1024xi32, #tpu.memory_space<vmem>>)
        tpu.yield
      }) : () -> ()
      "tpu.region"() ({
        %run_scoped3A = tpu.sem_alloc : memref<!tpu.dma_semaphore, #tpu.memory_space<semaphore_mem>>
        %dma_start3A_25 = tpu.memref_slice %arg4[%mul3A_20] : memref<98304xi32, #tpu.memory_space<hbm>> -> memref<1024xi32, #tpu.memory_space<hbm>>
        %dma_start3A_26 = tpu.memref_slice %arg4[%mul3A_20] : memref<98304xi32, #tpu.memory_space<hbm>> -> memref<1024xi32, #tpu.memory_space<hbm>>
        tpu.enqueue_dma source(%dma_start3A_26 : memref<1024xi32, #tpu.memory_space<hbm>>) target(%arg8 : memref<1024xi32, #tpu.memory_space<vmem>>) target_semaphore(%run_scoped3A : memref<!tpu.dma_semaphore, #tpu.memory_space<semaphore_mem>>)
        %dma_wait3A_27 = tpu.memref_slice %arg4[%mul3A_20] : memref<98304xi32, #tpu.memory_space<hbm>> -> memref<1024xi32, #tpu.memory_space<hbm>>
        %dma_wait3A_28 = tpu.memref_slice %arg4[%mul3A_20] : memref<98304xi32, #tpu.memory_space<hbm>> -> memref<1024xi32, #tpu.memory_space<hbm>>
        tpu.wait_dma2 semaphore(%run_scoped3A : memref<!tpu.dma_semaphore, #tpu.memory_space<semaphore_mem>>) src(%dma_wait3A_28 : memref<1024xi32, #tpu.memory_space<hbm>>) dst(%arg8 : memref<1024xi32, #tpu.memory_space<vmem>>)
        tpu.yield
      }) : () -> ()
      %dma_start3A = arith.constant 0 : i32
      %dma_start3A_21 = arith.constant 0 : i32
      %dma_start3A_22 = tpu.memref_slice %arg2[%dma_start3A, %dma_start3A_21] : memref<27648x16xf32, #tpu.memory_space<hbm>> -> memref<27648x16xf32, #tpu.memory_space<hbm>>
      tpu.enqueue_indirect_dma source(%dma_start3A_22 : memref<27648x16xf32, #tpu.memory_space<hbm>>) target(%arg9 : memref<1024x16xf32, #tpu.memory_space<vmem>>) offsets(%arg7 : memref<1024xi32, #tpu.memory_space<vmem>>) semaphore(%arg11 : memref<!tpu.dma_semaphore, #tpu.memory_space<semaphore_mem>>)
      %dma_wait3A = arith.constant 0 : i32
      %dma_wait3A_23 = arith.constant 0 : i32
      %dma_wait3A_24 = tpu.memref_slice %arg2[%dma_wait3A, %dma_wait3A_23] : memref<27648x16xf32, #tpu.memory_space<hbm>> -> memref<27648x16xf32, #tpu.memory_space<hbm>>
      tpu.wait_indirect_dma semaphore(%arg11 : memref<!tpu.dma_semaphore, #tpu.memory_space<semaphore_mem>>) src(%dma_wait3A_24 : memref<27648x16xf32, #tpu.memory_space<hbm>>) dst(%arg9 : memref<1024x16xf32, #tpu.memory_space<vmem>>)
      "tpu.region"() ({
        %run_scoped3A = tpu.sem_alloc : memref<!tpu.dma_semaphore, #tpu.memory_space<semaphore_mem>>
        %dma_start3A_25 = arith.constant 0 : i32
        %dma_start3A_26 = arith.constant 0 : i32
        %dma_start3A_27 = tpu.memref_slice %arg10[%dma_start3A_25, %dma_start3A_26] : memref<110592x16xf32, #tpu.memory_space<vmem_shared>> -> memref<110592x16xf32, #tpu.memory_space<vmem_shared>>
        tpu.enqueue_indirect_dma source(%arg9 : memref<1024x16xf32, #tpu.memory_space<vmem>>) target(%dma_start3A_27 : memref<110592x16xf32, #tpu.memory_space<vmem_shared>>) offsets(%arg8 : memref<1024xi32, #tpu.memory_space<vmem>>) semaphore(%run_scoped3A : memref<!tpu.dma_semaphore, #tpu.memory_space<semaphore_mem>>) {add = true}
        %dma_wait3A_28 = arith.constant 0 : i32
        %dma_wait3A_29 = arith.constant 0 : i32
        %dma_wait3A_30 = tpu.memref_slice %arg10[%dma_wait3A_28, %dma_wait3A_29] : memref<110592x16xf32, #tpu.memory_space<vmem_shared>> -> memref<110592x16xf32, #tpu.memory_space<vmem_shared>>
        tpu.wait_indirect_dma semaphore(%run_scoped3A : memref<!tpu.dma_semaphore, #tpu.memory_space<semaphore_mem>>) src(%arg9 : memref<1024x16xf32, #tpu.memory_space<vmem>>) dst(%dma_wait3A_30 : memref<110592x16xf32, #tpu.memory_space<vmem_shared>>)
        tpu.yield
      }) : () -> ()
    }
    %scan3A_9 = arith.constant 3 : i32
    %barrier3A_10 = arith.constant 0 : index
    tpu.barrier barrier_id(%barrier3A_10)
    %mul3A_11 = arith.constant 6912 : i32
    %mul3A_12 = arith.muli %arg1, %mul3A_11 : i32
    %mul3A_13 = arith.constant 6912 : i32
    %mul3A_14 = arith.muli %arg1, %mul3A_13 : i32
    "tpu.region"() ({
      %run_scoped3A = tpu.sem_alloc : memref<!tpu.dma_semaphore, #tpu.memory_space<semaphore_mem>>
      %dma_start3A = arith.constant 0 : i32
      %dma_start3A_15 = tpu.memref_slice %arg6[%arg0, %mul3A_14, %dma_start3A] : memref<2x110592x16xf32, #tpu.memory_space<hbm>> -> memref<1x6912x16xf32, #tpu.memory_space<hbm>>
      %dma_start3A_16 = tpu.memref_squeeze %dma_start3A_15 : memref<1x6912x16xf32, #tpu.memory_space<hbm>> -> memref<6912x16xf32, #tpu.memory_space<hbm>>
      %dma_start3A_17 = arith.constant 0 : i32
      %dma_start3A_18 = tpu.memref_slice %arg10[%mul3A_12, %dma_start3A_17] : memref<110592x16xf32, #tpu.memory_space<vmem_shared>> -> memref<6912x16xf32, #tpu.memory_space<vmem_shared>>
      tpu.enqueue_dma source(%dma_start3A_18 : memref<6912x16xf32, #tpu.memory_space<vmem_shared>>) target(%dma_start3A_16 : memref<6912x16xf32, #tpu.memory_space<hbm>>) target_semaphore(%run_scoped3A : memref<!tpu.dma_semaphore, #tpu.memory_space<semaphore_mem>>)
      %dma_wait3A = arith.constant 0 : i32
      %dma_wait3A_19 = tpu.memref_slice %arg6[%arg0, %mul3A_14, %dma_wait3A] : memref<2x110592x16xf32, #tpu.memory_space<hbm>> -> memref<1x6912x16xf32, #tpu.memory_space<hbm>>
      %dma_wait3A_20 = tpu.memref_squeeze %dma_wait3A_19 : memref<1x6912x16xf32, #tpu.memory_space<hbm>> -> memref<6912x16xf32, #tpu.memory_space<hbm>>
      %dma_wait3A_21 = arith.constant 0 : i32
      %dma_wait3A_22 = tpu.memref_slice %arg10[%mul3A_12, %dma_wait3A_21] : memref<110592x16xf32, #tpu.memory_space<vmem_shared>> -> memref<6912x16xf32, #tpu.memory_space<vmem_shared>>
      tpu.wait_dma2 semaphore(%run_scoped3A : memref<!tpu.dma_semaphore, #tpu.memory_space<semaphore_mem>>) src(%dma_wait3A_22 : memref<6912x16xf32, #tpu.memory_space<vmem_shared>>) dst(%dma_wait3A_20 : memref<6912x16xf32, #tpu.memory_space<hbm>>)
      tpu.yield
    }) : () -> ()
    return
  }
}

#map = affine_map<(d0, d1) -> (0, 0)>
#map1 = affine_map<(d0, d1) -> (0)>
#map2 = affine_map<(d0, d1) -> (0, 0, 0)>
module attributes {stable_mosaic.version = 14 : i64} {
  func.func @body(%arg0: i32, %arg1: i32, %arg2: memref<1354752x16xf32, #tpu.memory_space<hbm>>, %arg3: memref<163840xi32, #tpu.memory_space<hbm>>, %arg4: memref<163840xi32, #tpu.memory_space<hbm>>, %arg5: memref<1728x16xf32, #tpu.memory_space<hbm>>, %arg6: memref<2x27648x16xf32, #tpu.memory_space<hbm>>, %arg7: memref<1024xi32, #tpu.memory_space<vmem>>, %arg8: memref<1024xi32, #tpu.memory_space<vmem>>, %arg9: memref<1024x16xf32, #tpu.memory_space<vmem>>, %arg10: memref<27648x16xf32, #tpu.memory_space<vmem_shared>>, %arg11: memref<!tpu.dma_semaphore, #tpu.memory_space<semaphore_mem>>) attributes {dimension_semantics = [#tpu.dimension_semantics<core_parallel>, #tpu.dimension_semantics<subcore_parallel>], iteration_bounds = array<i64: 2, 16>, scalar_prefetch = 0 : i64, scratch_operands = 5 : i64, tpu.core_type = #tpu.core_type<sc_vector_subcore>, window_params = [{transform_indices = #map}, {transform_indices = #map1}, {transform_indices = #map1}, {transform_indices = #map}, {transform_indices = #map2}]} {
    %mul3A = arith.constant 2 : i32
    %mul3A_0 = arith.muli %arg1, %mul3A : i32
    %add3A = arith.addi %mul3A_0, %arg0 : i32
    %mul3A_1 = arith.constant 1728 : i32
    %mul3A_2 = arith.muli %arg1, %mul3A_1 : i32
    "tpu.region"() ({
      %run_scoped3A = tpu.sem_alloc : memref<!tpu.dma_semaphore, #tpu.memory_space<semaphore_mem>>
      %dma_start3A = arith.constant 0 : i32
      %dma_start3A_15 = tpu.memref_slice %arg10[%mul3A_2, %dma_start3A] : memref<27648x16xf32, #tpu.memory_space<vmem_shared>> -> memref<1728x16xf32, #tpu.memory_space<vmem_shared>>
      tpu.enqueue_dma source(%arg5 : memref<1728x16xf32, #tpu.memory_space<hbm>>) target(%dma_start3A_15 : memref<1728x16xf32, #tpu.memory_space<vmem_shared>>) target_semaphore(%run_scoped3A : memref<!tpu.dma_semaphore, #tpu.memory_space<semaphore_mem>>)
      %dma_wait3A = arith.constant 0 : i32
      %dma_wait3A_16 = tpu.memref_slice %arg10[%mul3A_2, %dma_wait3A] : memref<27648x16xf32, #tpu.memory_space<vmem_shared>> -> memref<1728x16xf32, #tpu.memory_space<vmem_shared>>
      tpu.wait_dma2 semaphore(%run_scoped3A : memref<!tpu.dma_semaphore, #tpu.memory_space<semaphore_mem>>) src(%arg5 : memref<1728x16xf32, #tpu.memory_space<hbm>>) dst(%dma_wait3A_16 : memref<1728x16xf32, #tpu.memory_space<vmem_shared>>)
      tpu.yield
    }) : () -> ()
    %barrier3A = arith.constant 0 : index
    tpu.barrier barrier_id(%barrier3A)
    %mul3A_3 = arith.constant 40 : i32
    %mul3A_4 = arith.muli %add3A, %mul3A_3 : i32
    %scan3A = arith.constant 0 : i32
    %scan3A_5 = arith.constant 0 : i32
    %scan3A_6 = arith.constant 5 : i32
    %scan3A_7 = arith.addi %scan3A_5, %scan3A_6 : i32
    %scan3A_8 = arith.constant 1 : i32
    scf.for %scan3A_15 = %scan3A_5 to %scan3A_7 step %scan3A_8  : i32 {
      %mul3A_16 = arith.constant 8 : i32
      %mul3A_17 = arith.muli %scan3A_15, %mul3A_16 : i32
      %add3A_18 = arith.addi %mul3A_4, %mul3A_17 : i32
      %mul3A_19 = arith.constant 128 : i32
      %mul3A_20 = arith.muli %add3A_18, %mul3A_19 : i32
      "tpu.region"() ({
        %run_scoped3A = tpu.sem_alloc : memref<!tpu.dma_semaphore, #tpu.memory_space<semaphore_mem>>
        %dma_start3A_25 = tpu.memref_slice %arg3[%mul3A_20] : memref<163840xi32, #tpu.memory_space<hbm>> -> memref<1024xi32, #tpu.memory_space<hbm>>
        %dma_start3A_26 = tpu.memref_slice %arg3[%mul3A_20] : memref<163840xi32, #tpu.memory_space<hbm>> -> memref<1024xi32, #tpu.memory_space<hbm>>
        tpu.enqueue_dma source(%dma_start3A_26 : memref<1024xi32, #tpu.memory_space<hbm>>) target(%arg7 : memref<1024xi32, #tpu.memory_space<vmem>>) target_semaphore(%run_scoped3A : memref<!tpu.dma_semaphore, #tpu.memory_space<semaphore_mem>>)
        %dma_wait3A_27 = tpu.memref_slice %arg3[%mul3A_20] : memref<163840xi32, #tpu.memory_space<hbm>> -> memref<1024xi32, #tpu.memory_space<hbm>>
        %dma_wait3A_28 = tpu.memref_slice %arg3[%mul3A_20] : memref<163840xi32, #tpu.memory_space<hbm>> -> memref<1024xi32, #tpu.memory_space<hbm>>
        tpu.wait_dma2 semaphore(%run_scoped3A : memref<!tpu.dma_semaphore, #tpu.memory_space<semaphore_mem>>) src(%dma_wait3A_28 : memref<1024xi32, #tpu.memory_space<hbm>>) dst(%arg7 : memref<1024xi32, #tpu.memory_space<vmem>>)
        tpu.yield
      }) : () -> ()
      "tpu.region"() ({
        %run_scoped3A = tpu.sem_alloc : memref<!tpu.dma_semaphore, #tpu.memory_space<semaphore_mem>>
        %dma_start3A_25 = tpu.memref_slice %arg4[%mul3A_20] : memref<163840xi32, #tpu.memory_space<hbm>> -> memref<1024xi32, #tpu.memory_space<hbm>>
        %dma_start3A_26 = tpu.memref_slice %arg4[%mul3A_20] : memref<163840xi32, #tpu.memory_space<hbm>> -> memref<1024xi32, #tpu.memory_space<hbm>>
        tpu.enqueue_dma source(%dma_start3A_26 : memref<1024xi32, #tpu.memory_space<hbm>>) target(%arg8 : memref<1024xi32, #tpu.memory_space<vmem>>) target_semaphore(%run_scoped3A : memref<!tpu.dma_semaphore, #tpu.memory_space<semaphore_mem>>)
        %dma_wait3A_27 = tpu.memref_slice %arg4[%mul3A_20] : memref<163840xi32, #tpu.memory_space<hbm>> -> memref<1024xi32, #tpu.memory_space<hbm>>
        %dma_wait3A_28 = tpu.memref_slice %arg4[%mul3A_20] : memref<163840xi32, #tpu.memory_space<hbm>> -> memref<1024xi32, #tpu.memory_space<hbm>>
        tpu.wait_dma2 semaphore(%run_scoped3A : memref<!tpu.dma_semaphore, #tpu.memory_space<semaphore_mem>>) src(%dma_wait3A_28 : memref<1024xi32, #tpu.memory_space<hbm>>) dst(%arg8 : memref<1024xi32, #tpu.memory_space<vmem>>)
        tpu.yield
      }) : () -> ()
      %dma_start3A = arith.constant 0 : i32
      %dma_start3A_21 = arith.constant 0 : i32
      %dma_start3A_22 = tpu.memref_slice %arg2[%dma_start3A, %dma_start3A_21] : memref<1354752x16xf32, #tpu.memory_space<hbm>> -> memref<1354752x16xf32, #tpu.memory_space<hbm>>
      tpu.enqueue_indirect_dma source(%dma_start3A_22 : memref<1354752x16xf32, #tpu.memory_space<hbm>>) target(%arg9 : memref<1024x16xf32, #tpu.memory_space<vmem>>) offsets(%arg7 : memref<1024xi32, #tpu.memory_space<vmem>>) semaphore(%arg11 : memref<!tpu.dma_semaphore, #tpu.memory_space<semaphore_mem>>)
      %dma_wait3A = arith.constant 0 : i32
      %dma_wait3A_23 = arith.constant 0 : i32
      %dma_wait3A_24 = tpu.memref_slice %arg2[%dma_wait3A, %dma_wait3A_23] : memref<1354752x16xf32, #tpu.memory_space<hbm>> -> memref<1354752x16xf32, #tpu.memory_space<hbm>>
      tpu.wait_indirect_dma semaphore(%arg11 : memref<!tpu.dma_semaphore, #tpu.memory_space<semaphore_mem>>) src(%dma_wait3A_24 : memref<1354752x16xf32, #tpu.memory_space<hbm>>) dst(%arg9 : memref<1024x16xf32, #tpu.memory_space<vmem>>)
      "tpu.region"() ({
        %run_scoped3A = tpu.sem_alloc : memref<!tpu.dma_semaphore, #tpu.memory_space<semaphore_mem>>
        %dma_start3A_25 = arith.constant 0 : i32
        %dma_start3A_26 = arith.constant 0 : i32
        %dma_start3A_27 = tpu.memref_slice %arg10[%dma_start3A_25, %dma_start3A_26] : memref<27648x16xf32, #tpu.memory_space<vmem_shared>> -> memref<27648x16xf32, #tpu.memory_space<vmem_shared>>
        tpu.enqueue_indirect_dma source(%arg9 : memref<1024x16xf32, #tpu.memory_space<vmem>>) target(%dma_start3A_27 : memref<27648x16xf32, #tpu.memory_space<vmem_shared>>) offsets(%arg8 : memref<1024xi32, #tpu.memory_space<vmem>>) semaphore(%run_scoped3A : memref<!tpu.dma_semaphore, #tpu.memory_space<semaphore_mem>>) {add = true}
        %dma_wait3A_28 = arith.constant 0 : i32
        %dma_wait3A_29 = arith.constant 0 : i32
        %dma_wait3A_30 = tpu.memref_slice %arg10[%dma_wait3A_28, %dma_wait3A_29] : memref<27648x16xf32, #tpu.memory_space<vmem_shared>> -> memref<27648x16xf32, #tpu.memory_space<vmem_shared>>
        tpu.wait_indirect_dma semaphore(%run_scoped3A : memref<!tpu.dma_semaphore, #tpu.memory_space<semaphore_mem>>) src(%arg9 : memref<1024x16xf32, #tpu.memory_space<vmem>>) dst(%dma_wait3A_30 : memref<27648x16xf32, #tpu.memory_space<vmem_shared>>)
        tpu.yield
      }) : () -> ()
    }
    %scan3A_9 = arith.constant 5 : i32
    %barrier3A_10 = arith.constant 0 : index
    tpu.barrier barrier_id(%barrier3A_10)
    %mul3A_11 = arith.constant 1728 : i32
    %mul3A_12 = arith.muli %arg1, %mul3A_11 : i32
    %mul3A_13 = arith.constant 1728 : i32
    %mul3A_14 = arith.muli %arg1, %mul3A_13 : i32
    "tpu.region"() ({
      %run_scoped3A = tpu.sem_alloc : memref<!tpu.dma_semaphore, #tpu.memory_space<semaphore_mem>>
      %dma_start3A = arith.constant 0 : i32
      %dma_start3A_15 = tpu.memref_slice %arg6[%arg0, %mul3A_14, %dma_start3A] : memref<2x27648x16xf32, #tpu.memory_space<hbm>> -> memref<1x1728x16xf32, #tpu.memory_space<hbm>>
      %dma_start3A_16 = tpu.memref_squeeze %dma_start3A_15 : memref<1x1728x16xf32, #tpu.memory_space<hbm>> -> memref<1728x16xf32, #tpu.memory_space<hbm>>
      %dma_start3A_17 = arith.constant 0 : i32
      %dma_start3A_18 = tpu.memref_slice %arg10[%mul3A_12, %dma_start3A_17] : memref<27648x16xf32, #tpu.memory_space<vmem_shared>> -> memref<1728x16xf32, #tpu.memory_space<vmem_shared>>
      tpu.enqueue_dma source(%dma_start3A_18 : memref<1728x16xf32, #tpu.memory_space<vmem_shared>>) target(%dma_start3A_16 : memref<1728x16xf32, #tpu.memory_space<hbm>>) target_semaphore(%run_scoped3A : memref<!tpu.dma_semaphore, #tpu.memory_space<semaphore_mem>>)
      %dma_wait3A = arith.constant 0 : i32
      %dma_wait3A_19 = tpu.memref_slice %arg6[%arg0, %mul3A_14, %dma_wait3A] : memref<2x27648x16xf32, #tpu.memory_space<hbm>> -> memref<1x1728x16xf32, #tpu.memory_space<hbm>>
      %dma_wait3A_20 = tpu.memref_squeeze %dma_wait3A_19 : memref<1x1728x16xf32, #tpu.memory_space<hbm>> -> memref<1728x16xf32, #tpu.memory_space<hbm>>
      %dma_wait3A_21 = arith.constant 0 : i32
      %dma_wait3A_22 = tpu.memref_slice %arg10[%mul3A_12, %dma_wait3A_21] : memref<27648x16xf32, #tpu.memory_space<vmem_shared>> -> memref<1728x16xf32, #tpu.memory_space<vmem_shared>>
      tpu.wait_dma2 semaphore(%run_scoped3A : memref<!tpu.dma_semaphore, #tpu.memory_space<semaphore_mem>>) src(%dma_wait3A_22 : memref<1728x16xf32, #tpu.memory_space<vmem_shared>>) dst(%dma_wait3A_20 : memref<1728x16xf32, #tpu.memory_space<hbm>>)
      tpu.yield
    }) : () -> ()
    return
  }
}

#map = affine_map<(d0, d1) -> (0, 0)>
#map1 = affine_map<(d0, d1) -> (0)>
#map2 = affine_map<(d0, d1) -> (0, 0, 0)>
module attributes {stable_mosaic.version = 14 : i64} {
  func.func @body(%arg0: i32, %arg1: i32, %arg2: memref<1354752x8xf32, #tpu.memory_space<hbm>>, %arg3: memref<294912xi32, #tpu.memory_space<hbm>>, %arg4: memref<294912xi32, #tpu.memory_space<hbm>>, %arg5: memref<3136x8xf32, #tpu.memory_space<hbm>>, %arg6: memref<2x50176x8xf32, #tpu.memory_space<hbm>>, %arg7: memref<1024xi32, #tpu.memory_space<vmem>>, %arg8: memref<1024xi32, #tpu.memory_space<vmem>>, %arg9: memref<1024x8xf32, #tpu.memory_space<vmem>>, %arg10: memref<50176x8xf32, #tpu.memory_space<vmem_shared>>, %arg11: memref<!tpu.dma_semaphore, #tpu.memory_space<semaphore_mem>>) attributes {dimension_semantics = [#tpu.dimension_semantics<core_parallel>, #tpu.dimension_semantics<subcore_parallel>], iteration_bounds = array<i64: 2, 16>, scalar_prefetch = 0 : i64, scratch_operands = 5 : i64, tpu.core_type = #tpu.core_type<sc_vector_subcore>, window_params = [{transform_indices = #map}, {transform_indices = #map1}, {transform_indices = #map1}, {transform_indices = #map}, {transform_indices = #map2}]} {
    %mul3A = arith.constant 2 : i32
    %mul3A_0 = arith.muli %arg1, %mul3A : i32
    %add3A = arith.addi %mul3A_0, %arg0 : i32
    %mul3A_1 = arith.constant 3136 : i32
    %mul3A_2 = arith.muli %arg1, %mul3A_1 : i32
    "tpu.region"() ({
      %run_scoped3A = tpu.sem_alloc : memref<!tpu.dma_semaphore, #tpu.memory_space<semaphore_mem>>
      %dma_start3A = arith.constant 0 : i32
      %dma_start3A_15 = tpu.memref_slice %arg10[%mul3A_2, %dma_start3A] : memref<50176x8xf32, #tpu.memory_space<vmem_shared>> -> memref<3136x8xf32, #tpu.memory_space<vmem_shared>>
      tpu.enqueue_dma source(%arg5 : memref<3136x8xf32, #tpu.memory_space<hbm>>) target(%dma_start3A_15 : memref<3136x8xf32, #tpu.memory_space<vmem_shared>>) target_semaphore(%run_scoped3A : memref<!tpu.dma_semaphore, #tpu.memory_space<semaphore_mem>>)
      %dma_wait3A = arith.constant 0 : i32
      %dma_wait3A_16 = tpu.memref_slice %arg10[%mul3A_2, %dma_wait3A] : memref<50176x8xf32, #tpu.memory_space<vmem_shared>> -> memref<3136x8xf32, #tpu.memory_space<vmem_shared>>
      tpu.wait_dma2 semaphore(%run_scoped3A : memref<!tpu.dma_semaphore, #tpu.memory_space<semaphore_mem>>) src(%arg5 : memref<3136x8xf32, #tpu.memory_space<hbm>>) dst(%dma_wait3A_16 : memref<3136x8xf32, #tpu.memory_space<vmem_shared>>)
      tpu.yield
    }) : () -> ()
    %barrier3A = arith.constant 0 : index
    tpu.barrier barrier_id(%barrier3A)
    %mul3A_3 = arith.constant 72 : i32
    %mul3A_4 = arith.muli %add3A, %mul3A_3 : i32
    %scan3A = arith.constant 0 : i32
    %scan3A_5 = arith.constant 0 : i32
    %scan3A_6 = arith.constant 9 : i32
    %scan3A_7 = arith.addi %scan3A_5, %scan3A_6 : i32
    %scan3A_8 = arith.constant 1 : i32
    scf.for %scan3A_15 = %scan3A_5 to %scan3A_7 step %scan3A_8  : i32 {
      %mul3A_16 = arith.constant 8 : i32
      %mul3A_17 = arith.muli %scan3A_15, %mul3A_16 : i32
      %add3A_18 = arith.addi %mul3A_4, %mul3A_17 : i32
      %mul3A_19 = arith.constant 128 : i32
      %mul3A_20 = arith.muli %add3A_18, %mul3A_19 : i32
      "tpu.region"() ({
        %run_scoped3A = tpu.sem_alloc : memref<!tpu.dma_semaphore, #tpu.memory_space<semaphore_mem>>
        %dma_start3A_25 = tpu.memref_slice %arg3[%mul3A_20] : memref<294912xi32, #tpu.memory_space<hbm>> -> memref<1024xi32, #tpu.memory_space<hbm>>
        %dma_start3A_26 = tpu.memref_slice %arg3[%mul3A_20] : memref<294912xi32, #tpu.memory_space<hbm>> -> memref<1024xi32, #tpu.memory_space<hbm>>
        tpu.enqueue_dma source(%dma_start3A_26 : memref<1024xi32, #tpu.memory_space<hbm>>) target(%arg7 : memref<1024xi32, #tpu.memory_space<vmem>>) target_semaphore(%run_scoped3A : memref<!tpu.dma_semaphore, #tpu.memory_space<semaphore_mem>>)
        %dma_wait3A_27 = tpu.memref_slice %arg3[%mul3A_20] : memref<294912xi32, #tpu.memory_space<hbm>> -> memref<1024xi32, #tpu.memory_space<hbm>>
        %dma_wait3A_28 = tpu.memref_slice %arg3[%mul3A_20] : memref<294912xi32, #tpu.memory_space<hbm>> -> memref<1024xi32, #tpu.memory_space<hbm>>
        tpu.wait_dma2 semaphore(%run_scoped3A : memref<!tpu.dma_semaphore, #tpu.memory_space<semaphore_mem>>) src(%dma_wait3A_28 : memref<1024xi32, #tpu.memory_space<hbm>>) dst(%arg7 : memref<1024xi32, #tpu.memory_space<vmem>>)
        tpu.yield
      }) : () -> ()
      "tpu.region"() ({
        %run_scoped3A = tpu.sem_alloc : memref<!tpu.dma_semaphore, #tpu.memory_space<semaphore_mem>>
        %dma_start3A_25 = tpu.memref_slice %arg4[%mul3A_20] : memref<294912xi32, #tpu.memory_space<hbm>> -> memref<1024xi32, #tpu.memory_space<hbm>>
        %dma_start3A_26 = tpu.memref_slice %arg4[%mul3A_20] : memref<294912xi32, #tpu.memory_space<hbm>> -> memref<1024xi32, #tpu.memory_space<hbm>>
        tpu.enqueue_dma source(%dma_start3A_26 : memref<1024xi32, #tpu.memory_space<hbm>>) target(%arg8 : memref<1024xi32, #tpu.memory_space<vmem>>) target_semaphore(%run_scoped3A : memref<!tpu.dma_semaphore, #tpu.memory_space<semaphore_mem>>)
        %dma_wait3A_27 = tpu.memref_slice %arg4[%mul3A_20] : memref<294912xi32, #tpu.memory_space<hbm>> -> memref<1024xi32, #tpu.memory_space<hbm>>
        %dma_wait3A_28 = tpu.memref_slice %arg4[%mul3A_20] : memref<294912xi32, #tpu.memory_space<hbm>> -> memref<1024xi32, #tpu.memory_space<hbm>>
        tpu.wait_dma2 semaphore(%run_scoped3A : memref<!tpu.dma_semaphore, #tpu.memory_space<semaphore_mem>>) src(%dma_wait3A_28 : memref<1024xi32, #tpu.memory_space<hbm>>) dst(%arg8 : memref<1024xi32, #tpu.memory_space<vmem>>)
        tpu.yield
      }) : () -> ()
      %dma_start3A = arith.constant 0 : i32
      %dma_start3A_21 = arith.constant 0 : i32
      %dma_start3A_22 = tpu.memref_slice %arg2[%dma_start3A, %dma_start3A_21] : memref<1354752x8xf32, #tpu.memory_space<hbm>> -> memref<1354752x8xf32, #tpu.memory_space<hbm>>
      tpu.enqueue_indirect_dma source(%dma_start3A_22 : memref<1354752x8xf32, #tpu.memory_space<hbm>>) target(%arg9 : memref<1024x8xf32, #tpu.memory_space<vmem>>) offsets(%arg7 : memref<1024xi32, #tpu.memory_space<vmem>>) semaphore(%arg11 : memref<!tpu.dma_semaphore, #tpu.memory_space<semaphore_mem>>)
      %dma_wait3A = arith.constant 0 : i32
      %dma_wait3A_23 = arith.constant 0 : i32
      %dma_wait3A_24 = tpu.memref_slice %arg2[%dma_wait3A, %dma_wait3A_23] : memref<1354752x8xf32, #tpu.memory_space<hbm>> -> memref<1354752x8xf32, #tpu.memory_space<hbm>>
      tpu.wait_indirect_dma semaphore(%arg11 : memref<!tpu.dma_semaphore, #tpu.memory_space<semaphore_mem>>) src(%dma_wait3A_24 : memref<1354752x8xf32, #tpu.memory_space<hbm>>) dst(%arg9 : memref<1024x8xf32, #tpu.memory_space<vmem>>)
      "tpu.region"() ({
        %run_scoped3A = tpu.sem_alloc : memref<!tpu.dma_semaphore, #tpu.memory_space<semaphore_mem>>
        %dma_start3A_25 = arith.constant 0 : i32
        %dma_start3A_26 = arith.constant 0 : i32
        %dma_start3A_27 = tpu.memref_slice %arg10[%dma_start3A_25, %dma_start3A_26] : memref<50176x8xf32, #tpu.memory_space<vmem_shared>> -> memref<50176x8xf32, #tpu.memory_space<vmem_shared>>
        tpu.enqueue_indirect_dma source(%arg9 : memref<1024x8xf32, #tpu.memory_space<vmem>>) target(%dma_start3A_27 : memref<50176x8xf32, #tpu.memory_space<vmem_shared>>) offsets(%arg8 : memref<1024xi32, #tpu.memory_space<vmem>>) semaphore(%run_scoped3A : memref<!tpu.dma_semaphore, #tpu.memory_space<semaphore_mem>>) {add = true}
        %dma_wait3A_28 = arith.constant 0 : i32
        %dma_wait3A_29 = arith.constant 0 : i32
        %dma_wait3A_30 = tpu.memref_slice %arg10[%dma_wait3A_28, %dma_wait3A_29] : memref<50176x8xf32, #tpu.memory_space<vmem_shared>> -> memref<50176x8xf32, #tpu.memory_space<vmem_shared>>
        tpu.wait_indirect_dma semaphore(%run_scoped3A : memref<!tpu.dma_semaphore, #tpu.memory_space<semaphore_mem>>) src(%arg9 : memref<1024x8xf32, #tpu.memory_space<vmem>>) dst(%dma_wait3A_30 : memref<50176x8xf32, #tpu.memory_space<vmem_shared>>)
        tpu.yield
      }) : () -> ()
    }
    %scan3A_9 = arith.constant 9 : i32
    %barrier3A_10 = arith.constant 0 : index
    tpu.barrier barrier_id(%barrier3A_10)
    %mul3A_11 = arith.constant 3136 : i32
    %mul3A_12 = arith.muli %arg1, %mul3A_11 : i32
    %mul3A_13 = arith.constant 3136 : i32
    %mul3A_14 = arith.muli %arg1, %mul3A_13 : i32
    "tpu.region"() ({
      %run_scoped3A = tpu.sem_alloc : memref<!tpu.dma_semaphore, #tpu.memory_space<semaphore_mem>>
      %dma_start3A = arith.constant 0 : i32
      %dma_start3A_15 = tpu.memref_slice %arg6[%arg0, %mul3A_14, %dma_start3A] : memref<2x50176x8xf32, #tpu.memory_space<hbm>> -> memref<1x3136x8xf32, #tpu.memory_space<hbm>>
      %dma_start3A_16 = tpu.memref_squeeze %dma_start3A_15 : memref<1x3136x8xf32, #tpu.memory_space<hbm>> -> memref<3136x8xf32, #tpu.memory_space<hbm>>
      %dma_start3A_17 = arith.constant 0 : i32
      %dma_start3A_18 = tpu.memref_slice %arg10[%mul3A_12, %dma_start3A_17] : memref<50176x8xf32, #tpu.memory_space<vmem_shared>> -> memref<3136x8xf32, #tpu.memory_space<vmem_shared>>
      tpu.enqueue_dma source(%dma_start3A_18 : memref<3136x8xf32, #tpu.memory_space<vmem_shared>>) target(%dma_start3A_16 : memref<3136x8xf32, #tpu.memory_space<hbm>>) target_semaphore(%run_scoped3A : memref<!tpu.dma_semaphore, #tpu.memory_space<semaphore_mem>>)
      %dma_wait3A = arith.constant 0 : i32
      %dma_wait3A_19 = tpu.memref_slice %arg6[%arg0, %mul3A_14, %dma_wait3A] : memref<2x50176x8xf32, #tpu.memory_space<hbm>> -> memref<1x3136x8xf32, #tpu.memory_space<hbm>>
      %dma_wait3A_20 = tpu.memref_squeeze %dma_wait3A_19 : memref<1x3136x8xf32, #tpu.memory_space<hbm>> -> memref<3136x8xf32, #tpu.memory_space<hbm>>
      %dma_wait3A_21 = arith.constant 0 : i32
      %dma_wait3A_22 = tpu.memref_slice %arg10[%mul3A_12, %dma_wait3A_21] : memref<50176x8xf32, #tpu.memory_space<vmem_shared>> -> memref<3136x8xf32, #tpu.memory_space<vmem_shared>>
      tpu.wait_dma2 semaphore(%run_scoped3A : memref<!tpu.dma_semaphore, #tpu.memory_space<semaphore_mem>>) src(%dma_wait3A_22 : memref<3136x8xf32, #tpu.memory_space<vmem_shared>>) dst(%dma_wait3A_20 : memref<3136x8xf32, #tpu.memory_space<hbm>>)
      tpu.yield
    }) : () -> ()
    return
  }
}

#map = affine_map<(d0, d1) -> (0, 0)>
#map1 = affine_map<(d0, d1) -> (0)>
#map2 = affine_map<(d0, d1) -> (0, 0, 0)>
module attributes {stable_mosaic.version = 14 : i64} {
  func.func @body(%arg0: i32, %arg1: i32, %arg2: memref<746496x16xf32, #tpu.memory_space<hbm>>, %arg3: memref<163840xi32, #tpu.memory_space<hbm>>, %arg4: memref<163840xi32, #tpu.memory_space<hbm>>, %arg5: memref<3136x16xf32, #tpu.memory_space<hbm>>, %arg6: memref<2x50176x16xf32, #tpu.memory_space<hbm>>, %arg7: memref<1024xi32, #tpu.memory_space<vmem>>, %arg8: memref<1024xi32, #tpu.memory_space<vmem>>, %arg9: memref<1024x16xf32, #tpu.memory_space<vmem>>, %arg10: memref<50176x16xf32, #tpu.memory_space<vmem_shared>>, %arg11: memref<!tpu.dma_semaphore, #tpu.memory_space<semaphore_mem>>) attributes {dimension_semantics = [#tpu.dimension_semantics<core_parallel>, #tpu.dimension_semantics<subcore_parallel>], iteration_bounds = array<i64: 2, 16>, scalar_prefetch = 0 : i64, scratch_operands = 5 : i64, tpu.core_type = #tpu.core_type<sc_vector_subcore>, window_params = [{transform_indices = #map}, {transform_indices = #map1}, {transform_indices = #map1}, {transform_indices = #map}, {transform_indices = #map2}]} {
    %mul3A = arith.constant 2 : i32
    %mul3A_0 = arith.muli %arg1, %mul3A : i32
    %add3A = arith.addi %mul3A_0, %arg0 : i32
    %mul3A_1 = arith.constant 3136 : i32
    %mul3A_2 = arith.muli %arg1, %mul3A_1 : i32
    "tpu.region"() ({
      %run_scoped3A = tpu.sem_alloc : memref<!tpu.dma_semaphore, #tpu.memory_space<semaphore_mem>>
      %dma_start3A = arith.constant 0 : i32
      %dma_start3A_15 = tpu.memref_slice %arg10[%mul3A_2, %dma_start3A] : memref<50176x16xf32, #tpu.memory_space<vmem_shared>> -> memref<3136x16xf32, #tpu.memory_space<vmem_shared>>
      tpu.enqueue_dma source(%arg5 : memref<3136x16xf32, #tpu.memory_space<hbm>>) target(%dma_start3A_15 : memref<3136x16xf32, #tpu.memory_space<vmem_shared>>) target_semaphore(%run_scoped3A : memref<!tpu.dma_semaphore, #tpu.memory_space<semaphore_mem>>)
      %dma_wait3A = arith.constant 0 : i32
      %dma_wait3A_16 = tpu.memref_slice %arg10[%mul3A_2, %dma_wait3A] : memref<50176x16xf32, #tpu.memory_space<vmem_shared>> -> memref<3136x16xf32, #tpu.memory_space<vmem_shared>>
      tpu.wait_dma2 semaphore(%run_scoped3A : memref<!tpu.dma_semaphore, #tpu.memory_space<semaphore_mem>>) src(%arg5 : memref<3136x16xf32, #tpu.memory_space<hbm>>) dst(%dma_wait3A_16 : memref<3136x16xf32, #tpu.memory_space<vmem_shared>>)
      tpu.yield
    }) : () -> ()
    %barrier3A = arith.constant 0 : index
    tpu.barrier barrier_id(%barrier3A)
    %mul3A_3 = arith.constant 40 : i32
    %mul3A_4 = arith.muli %add3A, %mul3A_3 : i32
    %scan3A = arith.constant 0 : i32
    %scan3A_5 = arith.constant 0 : i32
    %scan3A_6 = arith.constant 5 : i32
    %scan3A_7 = arith.addi %scan3A_5, %scan3A_6 : i32
    %scan3A_8 = arith.constant 1 : i32
    scf.for %scan3A_15 = %scan3A_5 to %scan3A_7 step %scan3A_8  : i32 {
      %mul3A_16 = arith.constant 8 : i32
      %mul3A_17 = arith.muli %scan3A_15, %mul3A_16 : i32
      %add3A_18 = arith.addi %mul3A_4, %mul3A_17 : i32
      %mul3A_19 = arith.constant 128 : i32
      %mul3A_20 = arith.muli %add3A_18, %mul3A_19 : i32
      "tpu.region"() ({
        %run_scoped3A = tpu.sem_alloc : memref<!tpu.dma_semaphore, #tpu.memory_space<semaphore_mem>>
        %dma_start3A_25 = tpu.memref_slice %arg3[%mul3A_20] : memref<163840xi32, #tpu.memory_space<hbm>> -> memref<1024xi32, #tpu.memory_space<hbm>>
        %dma_start3A_26 = tpu.memref_slice %arg3[%mul3A_20] : memref<163840xi32, #tpu.memory_space<hbm>> -> memref<1024xi32, #tpu.memory_space<hbm>>
        tpu.enqueue_dma source(%dma_start3A_26 : memref<1024xi32, #tpu.memory_space<hbm>>) target(%arg7 : memref<1024xi32, #tpu.memory_space<vmem>>) target_semaphore(%run_scoped3A : memref<!tpu.dma_semaphore, #tpu.memory_space<semaphore_mem>>)
        %dma_wait3A_27 = tpu.memref_slice %arg3[%mul3A_20] : memref<163840xi32, #tpu.memory_space<hbm>> -> memref<1024xi32, #tpu.memory_space<hbm>>
        %dma_wait3A_28 = tpu.memref_slice %arg3[%mul3A_20] : memref<163840xi32, #tpu.memory_space<hbm>> -> memref<1024xi32, #tpu.memory_space<hbm>>
        tpu.wait_dma2 semaphore(%run_scoped3A : memref<!tpu.dma_semaphore, #tpu.memory_space<semaphore_mem>>) src(%dma_wait3A_28 : memref<1024xi32, #tpu.memory_space<hbm>>) dst(%arg7 : memref<1024xi32, #tpu.memory_space<vmem>>)
        tpu.yield
      }) : () -> ()
      "tpu.region"() ({
        %run_scoped3A = tpu.sem_alloc : memref<!tpu.dma_semaphore, #tpu.memory_space<semaphore_mem>>
        %dma_start3A_25 = tpu.memref_slice %arg4[%mul3A_20] : memref<163840xi32, #tpu.memory_space<hbm>> -> memref<1024xi32, #tpu.memory_space<hbm>>
        %dma_start3A_26 = tpu.memref_slice %arg4[%mul3A_20] : memref<163840xi32, #tpu.memory_space<hbm>> -> memref<1024xi32, #tpu.memory_space<hbm>>
        tpu.enqueue_dma source(%dma_start3A_26 : memref<1024xi32, #tpu.memory_space<hbm>>) target(%arg8 : memref<1024xi32, #tpu.memory_space<vmem>>) target_semaphore(%run_scoped3A : memref<!tpu.dma_semaphore, #tpu.memory_space<semaphore_mem>>)
        %dma_wait3A_27 = tpu.memref_slice %arg4[%mul3A_20] : memref<163840xi32, #tpu.memory_space<hbm>> -> memref<1024xi32, #tpu.memory_space<hbm>>
        %dma_wait3A_28 = tpu.memref_slice %arg4[%mul3A_20] : memref<163840xi32, #tpu.memory_space<hbm>> -> memref<1024xi32, #tpu.memory_space<hbm>>
        tpu.wait_dma2 semaphore(%run_scoped3A : memref<!tpu.dma_semaphore, #tpu.memory_space<semaphore_mem>>) src(%dma_wait3A_28 : memref<1024xi32, #tpu.memory_space<hbm>>) dst(%arg8 : memref<1024xi32, #tpu.memory_space<vmem>>)
        tpu.yield
      }) : () -> ()
      %dma_start3A = arith.constant 0 : i32
      %dma_start3A_21 = arith.constant 0 : i32
      %dma_start3A_22 = tpu.memref_slice %arg2[%dma_start3A, %dma_start3A_21] : memref<746496x16xf32, #tpu.memory_space<hbm>> -> memref<746496x16xf32, #tpu.memory_space<hbm>>
      tpu.enqueue_indirect_dma source(%dma_start3A_22 : memref<746496x16xf32, #tpu.memory_space<hbm>>) target(%arg9 : memref<1024x16xf32, #tpu.memory_space<vmem>>) offsets(%arg7 : memref<1024xi32, #tpu.memory_space<vmem>>) semaphore(%arg11 : memref<!tpu.dma_semaphore, #tpu.memory_space<semaphore_mem>>)
      %dma_wait3A = arith.constant 0 : i32
      %dma_wait3A_23 = arith.constant 0 : i32
      %dma_wait3A_24 = tpu.memref_slice %arg2[%dma_wait3A, %dma_wait3A_23] : memref<746496x16xf32, #tpu.memory_space<hbm>> -> memref<746496x16xf32, #tpu.memory_space<hbm>>
      tpu.wait_indirect_dma semaphore(%arg11 : memref<!tpu.dma_semaphore, #tpu.memory_space<semaphore_mem>>) src(%dma_wait3A_24 : memref<746496x16xf32, #tpu.memory_space<hbm>>) dst(%arg9 : memref<1024x16xf32, #tpu.memory_space<vmem>>)
      "tpu.region"() ({
        %run_scoped3A = tpu.sem_alloc : memref<!tpu.dma_semaphore, #tpu.memory_space<semaphore_mem>>
        %dma_start3A_25 = arith.constant 0 : i32
        %dma_start3A_26 = arith.constant 0 : i32
        %dma_start3A_27 = tpu.memref_slice %arg10[%dma_start3A_25, %dma_start3A_26] : memref<50176x16xf32, #tpu.memory_space<vmem_shared>> -> memref<50176x16xf32, #tpu.memory_space<vmem_shared>>
        tpu.enqueue_indirect_dma source(%arg9 : memref<1024x16xf32, #tpu.memory_space<vmem>>) target(%dma_start3A_27 : memref<50176x16xf32, #tpu.memory_space<vmem_shared>>) offsets(%arg8 : memref<1024xi32, #tpu.memory_space<vmem>>) semaphore(%run_scoped3A : memref<!tpu.dma_semaphore, #tpu.memory_space<semaphore_mem>>) {add = true}
        %dma_wait3A_28 = arith.constant 0 : i32
        %dma_wait3A_29 = arith.constant 0 : i32
        %dma_wait3A_30 = tpu.memref_slice %arg10[%dma_wait3A_28, %dma_wait3A_29] : memref<50176x16xf32, #tpu.memory_space<vmem_shared>> -> memref<50176x16xf32, #tpu.memory_space<vmem_shared>>
        tpu.wait_indirect_dma semaphore(%run_scoped3A : memref<!tpu.dma_semaphore, #tpu.memory_space<semaphore_mem>>) src(%arg9 : memref<1024x16xf32, #tpu.memory_space<vmem>>) dst(%dma_wait3A_30 : memref<50176x16xf32, #tpu.memory_space<vmem_shared>>)
        tpu.yield
      }) : () -> ()
    }
    %scan3A_9 = arith.constant 5 : i32
    %barrier3A_10 = arith.constant 0 : index
    tpu.barrier barrier_id(%barrier3A_10)
    %mul3A_11 = arith.constant 3136 : i32
    %mul3A_12 = arith.muli %arg1, %mul3A_11 : i32
    %mul3A_13 = arith.constant 3136 : i32
    %mul3A_14 = arith.muli %arg1, %mul3A_13 : i32
    "tpu.region"() ({
      %run_scoped3A = tpu.sem_alloc : memref<!tpu.dma_semaphore, #tpu.memory_space<semaphore_mem>>
      %dma_start3A = arith.constant 0 : i32
      %dma_start3A_15 = tpu.memref_slice %arg6[%arg0, %mul3A_14, %dma_start3A] : memref<2x50176x16xf32, #tpu.memory_space<hbm>> -> memref<1x3136x16xf32, #tpu.memory_space<hbm>>
      %dma_start3A_16 = tpu.memref_squeeze %dma_start3A_15 : memref<1x3136x16xf32, #tpu.memory_space<hbm>> -> memref<3136x16xf32, #tpu.memory_space<hbm>>
      %dma_start3A_17 = arith.constant 0 : i32
      %dma_start3A_18 = tpu.memref_slice %arg10[%mul3A_12, %dma_start3A_17] : memref<50176x16xf32, #tpu.memory_space<vmem_shared>> -> memref<3136x16xf32, #tpu.memory_space<vmem_shared>>
      tpu.enqueue_dma source(%dma_start3A_18 : memref<3136x16xf32, #tpu.memory_space<vmem_shared>>) target(%dma_start3A_16 : memref<3136x16xf32, #tpu.memory_space<hbm>>) target_semaphore(%run_scoped3A : memref<!tpu.dma_semaphore, #tpu.memory_space<semaphore_mem>>)
      %dma_wait3A = arith.constant 0 : i32
      %dma_wait3A_19 = tpu.memref_slice %arg6[%arg0, %mul3A_14, %dma_wait3A] : memref<2x50176x16xf32, #tpu.memory_space<hbm>> -> memref<1x3136x16xf32, #tpu.memory_space<hbm>>
      %dma_wait3A_20 = tpu.memref_squeeze %dma_wait3A_19 : memref<1x3136x16xf32, #tpu.memory_space<hbm>> -> memref<3136x16xf32, #tpu.memory_space<hbm>>
      %dma_wait3A_21 = arith.constant 0 : i32
      %dma_wait3A_22 = tpu.memref_slice %arg10[%mul3A_12, %dma_wait3A_21] : memref<50176x16xf32, #tpu.memory_space<vmem_shared>> -> memref<3136x16xf32, #tpu.memory_space<vmem_shared>>
      tpu.wait_dma2 semaphore(%run_scoped3A : memref<!tpu.dma_semaphore, #tpu.memory_space<semaphore_mem>>) src(%dma_wait3A_22 : memref<3136x16xf32, #tpu.memory_space<vmem_shared>>) dst(%dma_wait3A_20 : memref<3136x16xf32, #tpu.memory_space<hbm>>)
      tpu.yield
    }) : () -> ()
    return
  }
}

module attributes {stable_mosaic.version = 14 : i64} {
  func.func @body(%arg0: i32, %arg1: memref<1024x128xf32, #tpu.memory_space<vmem>>, %arg2: memref<128x216xf32, #tpu.memory_space<vmem>>, %arg3: memref<1024x216xf32, #tpu.memory_space<vmem>>) attributes {dimension_semantics = [#tpu.dimension_semantics<arbitrary>], iteration_bounds = array<i64: 49>, scalar_prefetch = 0 : i64, scratch_operands = 0 : i64, tpu.core_type = #tpu.core_type<tc>, window_params = [{transform_indices = @transform_0, window_bounds = array<i64: 1024, 128>}, {pipeline_mode = #tpu.pipeline_mode<synchronous>, transform_indices = @transform_1, window_bounds = array<i64: 128, 216>}, {transform_indices = @transform_2, window_bounds = array<i64: 1024, 216>}]} {
    %get3A = arith.constant 0 : index
    %get3A_0 = arith.constant 0 : index
    %get3A_1 = vector.load %arg1[%get3A, %get3A_0] : memref<1024x128xf32, #tpu.memory_space<vmem>>, vector<1024x128xf32>
    %get3A_2 = arith.constant 0 : index
    %get3A_3 = arith.constant 0 : index
    %get3A_4 = vector.load %arg2[%get3A_2, %get3A_3] : memref<128x216xf32, #tpu.memory_space<vmem>>, vector<128x216xf32>
    %dot_general3A = arith.constant dense<0.000000e+00> : vector<1024x216xf32>
    %dot_general3A_5 = tpu.matmul %get3A_1, %get3A_4, %dot_general3A {dimension_numbers = #tpu.dot_dimension_numbers<[1], [0], [0], [1], [0, 0, 1, 1], [], []>, transpose_lhs_hint = false} : vector<1024x128xf32>, vector<128x216xf32>, vector<1024x216xf32> -> vector<1024x216xf32>
    %swap3A = arith.constant 0 : index
    %swap3A_6 = arith.constant 0 : index
    %swap3A_7 = vector.load %arg3[%swap3A, %swap3A_6] : memref<1024x216xf32, #tpu.memory_space<vmem>>, vector<1024x216xf32>
    tpu.vector_store %arg3[%swap3A, %swap3A_6], %dot_general3A_5 {strides = array<i32>} : memref<1024x216xf32, #tpu.memory_space<vmem>>, vector<1024x216xf32>,
    return
  }
  func.func @transform_0(%arg0: i32) -> (i32, i32) {
    %c0_i32 = arith.constant 0 : i32
    %c0_i32_0 = arith.constant 0 : i32
    return %arg0, %c0_i32 : i32, i32
  }
  func.func @transform_1(%arg0: i32) -> (i32, i32) {
    %c0_i32 = arith.constant 0 : i32
    %c0_i32_0 = arith.constant 0 : i32
    %c0_i32_1 = arith.constant 0 : i32
    return %c0_i32, %c0_i32_0 : i32, i32
  }
  func.func @transform_2(%arg0: i32) -> (i32, i32) {
    %c0_i32 = arith.constant 0 : i32
    %c0_i32_0 = arith.constant 0 : i32
    return %arg0, %c0_i32 : i32, i32
  }
}

module attributes {stable_mosaic.version = 14 : i64} {
  func.func @body(%arg0: i32, %arg1: memref<2x1024x8xf32, #tpu.memory_space<vmem>>, %arg2: memref<2x6272x64xf32, #tpu.memory_space<vmem>>, %arg3: memref<2x8xf32, #tpu.memory_space<vmem>>, %arg4: memref<1x1xf32, #tpu.memory_space<vmem>>, %arg5: memref<64x8xf32, #tpu.memory_space<vmem>>, %arg6: memref<8x432xf32, #tpu.memory_space<vmem>>, %arg7: memref<1024x432xf32, #tpu.memory_space<vmem>>, %arg8: memref<2x8xf32, #tpu.memory_space<vmem>>) attributes {dimension_semantics = [#tpu.dimension_semantics<arbitrary>], iteration_bounds = array<i64: 49>, scalar_prefetch = 0 : i64, scratch_operands = 0 : i64, tpu.core_type = #tpu.core_type<tc>, window_params = [{transform_indices = @transform_0, window_bounds = array<i64: 2, 1024, 8>}, {pipeline_mode = #tpu.pipeline_mode<synchronous>, transform_indices = @transform_1, window_bounds = array<i64: 2, 6272, 64>}, {pipeline_mode = #tpu.pipeline_mode<synchronous>, transform_indices = @transform_2, window_bounds = array<i64: 2, 8>}, {pipeline_mode = #tpu.pipeline_mode<synchronous>, transform_indices = @transform_3, window_bounds = array<i64: 1, 1>}, {pipeline_mode = #tpu.pipeline_mode<synchronous>, transform_indices = @transform_4, window_bounds = array<i64: 64, 8>}, {pipeline_mode = #tpu.pipeline_mode<synchronous>, transform_indices = @transform_5, window_bounds = array<i64: 8, 432>}, {transform_indices = @transform_6, window_bounds = array<i64: 1024, 432>}, {pipeline_mode = #tpu.pipeline_mode<synchronous>, transform_indices = @transform_7, window_bounds = array<i64: 2, 8>}]} {
    %eq3A = arith.constant 0 : i32
    %eq3A_0 = arith.cmpi eq, %arg0, %eq3A : i32
    %convert_element_type3A = arith.extui %eq3A_0 : i1 to i32
    %cond3A = arith.constant 0 : i32
    %cond3A_1 = arith.cmpi ne, %convert_element_type3A, %cond3A : i32
    scf.if %cond3A_1 {
      %get3A_31 = arith.constant 0 : index
      %get3A_32 = arith.constant 0 : index
      %get3A_33 = arith.constant 0 : index
      %get3A_34 = vector.load %arg2[%get3A_31, %get3A_32, %get3A_33] : memref<2x6272x64xf32, #tpu.memory_space<vmem>>, vector<1x6271x64xf32>
      %get3A_35 = vector.shape_cast %get3A_34 : vector<1x6271x64xf32> to vector<6271x64xf32>
      %get3A_36 = arith.constant 1 : index
      %get3A_37 = arith.constant 0 : index
      %get3A_38 = arith.constant 0 : index
      %get3A_39 = vector.load %arg2[%get3A_36, %get3A_37, %get3A_38] : memref<2x6272x64xf32, #tpu.memory_space<vmem>>, vector<1x6271x64xf32>
      %get3A_40 = vector.shape_cast %get3A_39 : vector<1x6271x64xf32> to vector<6271x64xf32>
      %add3A_41 = arith.addf %get3A_35, %get3A_40 : vector<6271x64xf32>
      %reduce_sum3A = arith.constant dense<0.000000e+00> : vector<64xf32>
      %reduce_sum3A_42 = vector.multi_reduction <add>, %add3A_41, %reduce_sum3A [0] : vector<6271x64xf32> to vector<64xf32>
      %broadcast_in_dim3A_43 = vector.shape_cast %reduce_sum3A_42 : vector<64xf32> to vector<1x64xf32>
      %mul3A_44 = arith.mulf %add3A_41, %add3A_41 : vector<6271x64xf32>
      %reduce_sum3A_45 = arith.constant dense<0.000000e+00> : vector<64xf32>
      %reduce_sum3A_46 = vector.multi_reduction <add>, %mul3A_44, %reduce_sum3A_45 [0] : vector<6271x64xf32> to vector<64xf32>
      %broadcast_in_dim3A_47 = vector.shape_cast %reduce_sum3A_46 : vector<64xf32> to vector<1x64xf32>
      %concatenate3A = tpu.concatenate %broadcast_in_dim3A_43, %broadcast_in_dim3A_47 in 0 : vector<1x64xf32>, vector<1x64xf32> -> vector<2x64xf32>
      %get3A_48 = arith.constant 0 : index
      %get3A_49 = arith.constant 0 : index
      %get3A_50 = vector.load %arg5[%get3A_48, %get3A_49] : memref<64x8xf32, #tpu.memory_space<vmem>>, vector<64x8xf32>
      %dot_general3A_51 = arith.constant dense<0.000000e+00> : vector<2x8xf32>
      %dot_general3A_52 = tpu.matmul %concatenate3A, %get3A_50, %dot_general3A_51 {dimension_numbers = #tpu.dot_dimension_numbers<[1], [0], [0], [1], [0, 0, 1, 1], [], []>, transpose_lhs_hint = false} : vector<2x64xf32>, vector<64x8xf32>, vector<2x8xf32> -> vector<2x8xf32>
      %get3A_53 = arith.constant 0 : index
      %get3A_54 = arith.constant 0 : index
      %get3A_55 = vector.load %arg4[%get3A_53, %get3A_54] : memref<1x1xf32, #tpu.memory_space<vmem>>, vector<1x1xf32>
      %get3A_56 = vector.extract %get3A_55[0, 0] : f32 from vector<1x1xf32>
      %slice3A = vector.extract_strided_slice %dot_general3A_52 {offsets = [0, 0], sizes = [1, 8], strides = [1, 1]} : vector<2x8xf32> to vector<1x8xf32>
      %squeeze3A = vector.shape_cast %slice3A : vector<1x8xf32> to vector<8xf32>
      %div3A = vector.broadcast %get3A_56 : f32 to vector<8xf32>
      %div3A_57 = arith.divf %squeeze3A, %div3A : vector<8xf32>
      %slice3A_58 = vector.extract_strided_slice %dot_general3A_52 {offsets = [1, 0], sizes = [1, 8], strides = [1, 1]} : vector<2x8xf32> to vector<1x8xf32>
      %squeeze3A_59 = vector.shape_cast %slice3A_58 : vector<1x8xf32> to vector<8xf32>
      %div3A_60 = vector.broadcast %get3A_56 : f32 to vector<8xf32>
      %div3A_61 = arith.divf %squeeze3A_59, %div3A_60 : vector<8xf32>
      %mul3A_62 = arith.mulf %div3A_57, %div3A_57 : vector<8xf32>
      %sub3A = arith.subf %div3A_61, %mul3A_62 : vector<8xf32>
      %get3A_63 = arith.constant 0 : index
      %get3A_64 = arith.constant 0 : index
      %get3A_65 = vector.load %arg3[%get3A_63, %get3A_64] : memref<2x8xf32, #tpu.memory_space<vmem>>, vector<1x8xf32>
      %get3A_66 = vector.shape_cast %get3A_65 : vector<1x8xf32> to vector<8xf32>
      %add3A_67 = arith.constant 9.99999974E-6 : f32
      %add3A_68 = vector.broadcast %add3A_67 : f32 to vector<8xf32>
      %add3A_69 = arith.addf %sub3A, %add3A_68 : vector<8xf32>
      %rsqrt3A = math.rsqrt %add3A_69 : vector<8xf32>
      %mul3A_70 = arith.mulf %get3A_66, %rsqrt3A : vector<8xf32>
      %get3A_71 = arith.constant 1 : index
      %get3A_72 = arith.constant 0 : index
      %get3A_73 = vector.load %arg3[%get3A_71, %get3A_72] : memref<2x8xf32, #tpu.memory_space<vmem>>, vector<1x8xf32>
      %get3A_74 = vector.shape_cast %get3A_73 : vector<1x8xf32> to vector<8xf32>
      %mul3A_75 = arith.mulf %div3A_57, %mul3A_70 : vector<8xf32>
      %sub3A_76 = arith.subf %get3A_74, %mul3A_75 : vector<8xf32>
      %swap3A_77 = arith.constant 0 : index
      %swap3A_78 = arith.constant 0 : index
      %swap3A_79 = vector.load %arg8[%swap3A_77, %swap3A_78] : memref<2x8xf32, #tpu.memory_space<vmem>>, vector<1x8xf32>
      %swap3A_80 = vector.shape_cast %swap3A_79 : vector<1x8xf32> to vector<8xf32>
      %swap3A_81 = vector.shape_cast %mul3A_70 : vector<8xf32> to vector<1x8xf32>
      tpu.vector_store %arg8[%swap3A_77, %swap3A_78], %swap3A_81 {strides = array<i32>} : memref<2x8xf32, #tpu.memory_space<vmem>>, vector<1x8xf32>,
      %swap3A_82 = arith.constant 1 : index
      %swap3A_83 = arith.constant 0 : index
      %swap3A_84 = vector.load %arg8[%swap3A_82, %swap3A_83] : memref<2x8xf32, #tpu.memory_space<vmem>>, vector<1x8xf32>
      %swap3A_85 = vector.shape_cast %swap3A_84 : vector<1x8xf32> to vector<8xf32>
      %swap3A_86 = vector.shape_cast %sub3A_76 : vector<8xf32> to vector<1x8xf32>
      tpu.vector_store %arg8[%swap3A_82, %swap3A_83], %swap3A_86 {strides = array<i32>} : memref<2x8xf32, #tpu.memory_space<vmem>>, vector<1x8xf32>,
    } else {
    }
    %get3A = arith.constant 0 : index
    %get3A_2 = arith.constant 0 : index
    %get3A_3 = arith.constant 0 : index
    %get3A_4 = vector.load %arg1[%get3A, %get3A_2, %get3A_3] : memref<2x1024x8xf32, #tpu.memory_space<vmem>>, vector<1x1024x8xf32>
    %get3A_5 = vector.shape_cast %get3A_4 : vector<1x1024x8xf32> to vector<1024x8xf32>
    %get3A_6 = arith.constant 1 : index
    %get3A_7 = arith.constant 0 : index
    %get3A_8 = arith.constant 0 : index
    %get3A_9 = vector.load %arg1[%get3A_6, %get3A_7, %get3A_8] : memref<2x1024x8xf32, #tpu.memory_space<vmem>>, vector<1x1024x8xf32>
    %get3A_10 = vector.shape_cast %get3A_9 : vector<1x1024x8xf32> to vector<1024x8xf32>
    %add3A = arith.addf %get3A_5, %get3A_10 : vector<1024x8xf32>
    %get3A_11 = arith.constant 0 : index
    %get3A_12 = arith.constant 0 : index
    %get3A_13 = vector.load %arg8[%get3A_11, %get3A_12] : memref<2x8xf32, #tpu.memory_space<vmem>>, vector<1x8xf32>
    %get3A_14 = vector.shape_cast %get3A_13 : vector<1x8xf32> to vector<8xf32>
    %broadcast_in_dim3A = vector.shape_cast %get3A_14 : vector<8xf32> to vector<1x8xf32>
    %mul3A = vector.broadcast %broadcast_in_dim3A : vector<1x8xf32> to vector<1024x8xf32>
    %mul3A_15 = arith.mulf %add3A, %mul3A : vector<1024x8xf32>
    %get3A_16 = arith.constant 1 : index
    %get3A_17 = arith.constant 0 : index
    %get3A_18 = vector.load %arg8[%get3A_16, %get3A_17] : memref<2x8xf32, #tpu.memory_space<vmem>>, vector<1x8xf32>
    %get3A_19 = vector.shape_cast %get3A_18 : vector<1x8xf32> to vector<8xf32>
    %broadcast_in_dim3A_20 = vector.shape_cast %get3A_19 : vector<8xf32> to vector<1x8xf32>
    %add3A_21 = vector.broadcast %broadcast_in_dim3A_20 : vector<1x8xf32> to vector<1024x8xf32>
    %add3A_22 = arith.addf %mul3A_15, %add3A_21 : vector<1024x8xf32>
    %max3A = arith.constant 0.000000e+00 : f32
    %max3A_23 = vector.broadcast %max3A : f32 to vector<1024x8xf32>
    %max3A_24 = arith.maximumf %add3A_22, %max3A_23 : vector<1024x8xf32>
    %get3A_25 = arith.constant 0 : index
    %get3A_26 = arith.constant 0 : index
    %get3A_27 = vector.load %arg6[%get3A_25, %get3A_26] : memref<8x432xf32, #tpu.memory_space<vmem>>, vector<8x432xf32>
    %dot_general3A = arith.constant dense<0.000000e+00> : vector<1024x432xf32>
    %dot_general3A_28 = tpu.matmul %max3A_24, %get3A_27, %dot_general3A {dimension_numbers = #tpu.dot_dimension_numbers<[1], [0], [0], [1], [0, 0, 1, 1], [], []>, transpose_lhs_hint = false} : vector<1024x8xf32>, vector<8x432xf32>, vector<1024x432xf32> -> vector<1024x432xf32>
    %swap3A = arith.constant 0 : index
    %swap3A_29 = arith.constant 0 : index
    %swap3A_30 = vector.load %arg7[%swap3A, %swap3A_29] : memref<1024x432xf32, #tpu.memory_space<vmem>>, vector<1024x432xf32>
    tpu.vector_store %arg7[%swap3A, %swap3A_29], %dot_general3A_28 {strides = array<i32>} : memref<1024x432xf32, #tpu.memory_space<vmem>>, vector<1024x432xf32>,
    return
  }
  func.func @transform_0(%arg0: i32) -> (i32, i32, i32) {
    %c0_i32 = arith.constant 0 : i32
    %c0_i32_0 = arith.constant 0 : i32
    %c0_i32_1 = arith.constant 0 : i32
    return %c0_i32, %arg0, %c0_i32_0 : i32, i32, i32
  }
  func.func @transform_1(%arg0: i32) -> (i32, i32, i32) {
    %c0_i32 = arith.constant 0 : i32
    %c0_i32_0 = arith.constant 0 : i32
    %c0_i32_1 = arith.constant 0 : i32
    %c0_i32_2 = arith.constant 0 : i32
    return %c0_i32, %c0_i32_0, %c0_i32_1 : i32, i32, i32
  }
  func.func @transform_2(%arg0: i32) -> (i32, i32) {
    %c0_i32 = arith.constant 0 : i32
    %c0_i32_0 = arith.constant 0 : i32
    %c0_i32_1 = arith.constant 0 : i32
    return %c0_i32, %c0_i32_0 : i32, i32
  }
  func.func @transform_3(%arg0: i32) -> (i32, i32) {
    %c0_i32 = arith.constant 0 : i32
    %c0_i32_0 = arith.constant 0 : i32
    %c0_i32_1 = arith.constant 0 : i32
    return %c0_i32, %c0_i32_0 : i32, i32
  }
  func.func @transform_4(%arg0: i32) -> (i32, i32) {
    %c0_i32 = arith.constant 0 : i32
    %c0_i32_0 = arith.constant 0 : i32
    %c0_i32_1 = arith.constant 0 : i32
    return %c0_i32, %c0_i32_0 : i32, i32
  }
  func.func @transform_5(%arg0: i32) -> (i32, i32) {
    %c0_i32 = arith.constant 0 : i32
    %c0_i32_0 = arith.constant 0 : i32
    %c0_i32_1 = arith.constant 0 : i32
    return %c0_i32, %c0_i32_0 : i32, i32
  }
  func.func @transform_6(%arg0: i32) -> (i32, i32) {
    %c0_i32 = arith.constant 0 : i32
    %c0_i32_0 = arith.constant 0 : i32
    return %arg0, %c0_i32 : i32, i32
  }
  func.func @transform_7(%arg0: i32) -> (i32, i32) {
    %c0_i32 = arith.constant 0 : i32
    %c0_i32_0 = arith.constant 0 : i32
    %c0_i32_1 = arith.constant 0 : i32
    return %c0_i32, %c0_i32_0 : i32, i32
  }
}

module attributes {stable_mosaic.version = 14 : i64} {
  func.func @body(%arg0: i32, %arg1: memref<2x1024x16xf32, #tpu.memory_space<vmem>>, %arg2: memref<2x3456x128xf32, #tpu.memory_space<vmem>>, %arg3: memref<2x16xf32, #tpu.memory_space<vmem>>, %arg4: memref<1x1xf32, #tpu.memory_space<vmem>>, %arg5: memref<128x16xf32, #tpu.memory_space<vmem>>, %arg6: memref<16x16xf32, #tpu.memory_space<vmem>>, %arg7: memref<1024x16xf32, #tpu.memory_space<vmem>>, %arg8: memref<2x16xf32, #tpu.memory_space<vmem>>) attributes {dimension_semantics = [#tpu.dimension_semantics<arbitrary>], iteration_bounds = array<i64: 27>, scalar_prefetch = 0 : i64, scratch_operands = 0 : i64, tpu.core_type = #tpu.core_type<tc>, window_params = [{transform_indices = @transform_0, window_bounds = array<i64: 2, 1024, 16>}, {pipeline_mode = #tpu.pipeline_mode<synchronous>, transform_indices = @transform_1, window_bounds = array<i64: 2, 3456, 128>}, {pipeline_mode = #tpu.pipeline_mode<synchronous>, transform_indices = @transform_2, window_bounds = array<i64: 2, 16>}, {pipeline_mode = #tpu.pipeline_mode<synchronous>, transform_indices = @transform_3, window_bounds = array<i64: 1, 1>}, {pipeline_mode = #tpu.pipeline_mode<synchronous>, transform_indices = @transform_4, window_bounds = array<i64: 128, 16>}, {pipeline_mode = #tpu.pipeline_mode<synchronous>, transform_indices = @transform_5, window_bounds = array<i64: 16, 16>}, {transform_indices = @transform_6, window_bounds = array<i64: 1024, 16>}, {pipeline_mode = #tpu.pipeline_mode<synchronous>, transform_indices = @transform_7, window_bounds = array<i64: 2, 16>}]} {
    %eq3A = arith.constant 0 : i32
    %eq3A_0 = arith.cmpi eq, %arg0, %eq3A : i32
    %convert_element_type3A = arith.extui %eq3A_0 : i1 to i32
    %cond3A = arith.constant 0 : i32
    %cond3A_1 = arith.cmpi ne, %convert_element_type3A, %cond3A : i32
    scf.if %cond3A_1 {
      %get3A_36 = arith.constant 0 : index
      %get3A_37 = arith.constant 0 : index
      %get3A_38 = arith.constant 0 : index
      %get3A_39 = vector.load %arg2[%get3A_36, %get3A_37, %get3A_38] : memref<2x3456x128xf32, #tpu.memory_space<vmem>>, vector<1x3455x128xf32>
      %get3A_40 = vector.shape_cast %get3A_39 : vector<1x3455x128xf32> to vector<3455x128xf32>
      %get3A_41 = arith.constant 1 : index
      %get3A_42 = arith.constant 0 : index
      %get3A_43 = arith.constant 0 : index
      %get3A_44 = vector.load %arg2[%get3A_41, %get3A_42, %get3A_43] : memref<2x3456x128xf32, #tpu.memory_space<vmem>>, vector<1x3455x128xf32>
      %get3A_45 = vector.shape_cast %get3A_44 : vector<1x3455x128xf32> to vector<3455x128xf32>
      %add3A_46 = arith.addf %get3A_40, %get3A_45 : vector<3455x128xf32>
      %reduce_sum3A = arith.constant dense<0.000000e+00> : vector<128xf32>
      %reduce_sum3A_47 = vector.multi_reduction <add>, %add3A_46, %reduce_sum3A [0] : vector<3455x128xf32> to vector<128xf32>
      %broadcast_in_dim3A_48 = vector.shape_cast %reduce_sum3A_47 : vector<128xf32> to vector<1x128xf32>
      %mul3A_49 = arith.mulf %add3A_46, %add3A_46 : vector<3455x128xf32>
      %reduce_sum3A_50 = arith.constant dense<0.000000e+00> : vector<128xf32>
      %reduce_sum3A_51 = vector.multi_reduction <add>, %mul3A_49, %reduce_sum3A_50 [0] : vector<3455x128xf32> to vector<128xf32>
      %broadcast_in_dim3A_52 = vector.shape_cast %reduce_sum3A_51 : vector<128xf32> to vector<1x128xf32>
      %concatenate3A = tpu.concatenate %broadcast_in_dim3A_48, %broadcast_in_dim3A_52 in 0 : vector<1x128xf32>, vector<1x128xf32> -> vector<2x128xf32>
      %get3A_53 = arith.constant 0 : index
      %get3A_54 = arith.constant 0 : index
      %get3A_55 = vector.load %arg5[%get3A_53, %get3A_54] : memref<128x16xf32, #tpu.memory_space<vmem>>, vector<128x16xf32>
      %dot_general3A_56 = arith.constant dense<0.000000e+00> : vector<2x16xf32>
      %dot_general3A_57 = tpu.matmul %concatenate3A, %get3A_55, %dot_general3A_56 {dimension_numbers = #tpu.dot_dimension_numbers<[1], [0], [0], [1], [0, 0, 1, 1], [], []>, transpose_lhs_hint = false} : vector<2x128xf32>, vector<128x16xf32>, vector<2x16xf32> -> vector<2x16xf32>
      %get3A_58 = arith.constant 0 : index
      %get3A_59 = arith.constant 0 : index
      %get3A_60 = vector.load %arg4[%get3A_58, %get3A_59] : memref<1x1xf32, #tpu.memory_space<vmem>>, vector<1x1xf32>
      %get3A_61 = vector.extract %get3A_60[0, 0] : f32 from vector<1x1xf32>
      %slice3A = vector.extract_strided_slice %dot_general3A_57 {offsets = [0, 0], sizes = [1, 16], strides = [1, 1]} : vector<2x16xf32> to vector<1x16xf32>
      %squeeze3A = vector.shape_cast %slice3A : vector<1x16xf32> to vector<16xf32>
      %div3A = vector.broadcast %get3A_61 : f32 to vector<16xf32>
      %div3A_62 = arith.divf %squeeze3A, %div3A : vector<16xf32>
      %slice3A_63 = vector.extract_strided_slice %dot_general3A_57 {offsets = [1, 0], sizes = [1, 16], strides = [1, 1]} : vector<2x16xf32> to vector<1x16xf32>
      %squeeze3A_64 = vector.shape_cast %slice3A_63 : vector<1x16xf32> to vector<16xf32>
      %div3A_65 = vector.broadcast %get3A_61 : f32 to vector<16xf32>
      %div3A_66 = arith.divf %squeeze3A_64, %div3A_65 : vector<16xf32>
      %mul3A_67 = arith.mulf %div3A_62, %div3A_62 : vector<16xf32>
      %sub3A = arith.subf %div3A_66, %mul3A_67 : vector<16xf32>
      %get3A_68 = arith.constant 0 : index
      %get3A_69 = arith.constant 0 : index
      %get3A_70 = vector.load %arg3[%get3A_68, %get3A_69] : memref<2x16xf32, #tpu.memory_space<vmem>>, vector<1x16xf32>
      %get3A_71 = vector.shape_cast %get3A_70 : vector<1x16xf32> to vector<16xf32>
      %add3A_72 = arith.constant 9.99999974E-6 : f32
      %add3A_73 = vector.broadcast %add3A_72 : f32 to vector<16xf32>
      %add3A_74 = arith.addf %sub3A, %add3A_73 : vector<16xf32>
      %rsqrt3A = math.rsqrt %add3A_74 : vector<16xf32>
      %mul3A_75 = arith.mulf %get3A_71, %rsqrt3A : vector<16xf32>
      %get3A_76 = arith.constant 1 : index
      %get3A_77 = arith.constant 0 : index
      %get3A_78 = vector.load %arg3[%get3A_76, %get3A_77] : memref<2x16xf32, #tpu.memory_space<vmem>>, vector<1x16xf32>
      %get3A_79 = vector.shape_cast %get3A_78 : vector<1x16xf32> to vector<16xf32>
      %mul3A_80 = arith.mulf %div3A_62, %mul3A_75 : vector<16xf32>
      %sub3A_81 = arith.subf %get3A_79, %mul3A_80 : vector<16xf32>
      %swap3A_82 = arith.constant 0 : index
      %swap3A_83 = arith.constant 0 : index
      %swap3A_84 = vector.load %arg8[%swap3A_82, %swap3A_83] : memref<2x16xf32, #tpu.memory_space<vmem>>, vector<1x16xf32>
      %swap3A_85 = vector.shape_cast %swap3A_84 : vector<1x16xf32> to vector<16xf32>
      %swap3A_86 = vector.shape_cast %mul3A_75 : vector<16xf32> to vector<1x16xf32>
      tpu.vector_store %arg8[%swap3A_82, %swap3A_83], %swap3A_86 {strides = array<i32>} : memref<2x16xf32, #tpu.memory_space<vmem>>, vector<1x16xf32>,
      %swap3A_87 = arith.constant 1 : index
      %swap3A_88 = arith.constant 0 : index
      %swap3A_89 = vector.load %arg8[%swap3A_87, %swap3A_88] : memref<2x16xf32, #tpu.memory_space<vmem>>, vector<1x16xf32>
      %swap3A_90 = vector.shape_cast %swap3A_89 : vector<1x16xf32> to vector<16xf32>
      %swap3A_91 = vector.shape_cast %sub3A_81 : vector<16xf32> to vector<1x16xf32>
      tpu.vector_store %arg8[%swap3A_87, %swap3A_88], %swap3A_91 {strides = array<i32>} : memref<2x16xf32, #tpu.memory_space<vmem>>, vector<1x16xf32>,
    } else {
    }
    %get3A = arith.constant 0 : index
    %get3A_2 = arith.constant 0 : index
    %get3A_3 = arith.constant 0 : index
    %get3A_4 = vector.load %arg1[%get3A, %get3A_2, %get3A_3] : memref<2x1024x16xf32, #tpu.memory_space<vmem>>, vector<1x1024x16xf32>
    %get3A_5 = vector.shape_cast %get3A_4 : vector<1x1024x16xf32> to vector<1024x16xf32>
    %get3A_6 = arith.constant 1 : index
    %get3A_7 = arith.constant 0 : index
    %get3A_8 = arith.constant 0 : index
    %get3A_9 = vector.load %arg1[%get3A_6, %get3A_7, %get3A_8] : memref<2x1024x16xf32, #tpu.memory_space<vmem>>, vector<1x1024x16xf32>
    %get3A_10 = vector.shape_cast %get3A_9 : vector<1x1024x16xf32> to vector<1024x16xf32>
    %add3A = arith.addf %get3A_5, %get3A_10 : vector<1024x16xf32>
    %get3A_11 = arith.constant 0 : index
    %get3A_12 = arith.constant 0 : index
    %get3A_13 = vector.load %arg8[%get3A_11, %get3A_12] : memref<2x16xf32, #tpu.memory_space<vmem>>, vector<1x16xf32>
    %get3A_14 = vector.shape_cast %get3A_13 : vector<1x16xf32> to vector<16xf32>
    %broadcast_in_dim3A = vector.shape_cast %get3A_14 : vector<16xf32> to vector<1x16xf32>
    %mul3A = vector.broadcast %broadcast_in_dim3A : vector<1x16xf32> to vector<1024x16xf32>
    %mul3A_15 = arith.mulf %add3A, %mul3A : vector<1024x16xf32>
    %get3A_16 = arith.constant 1 : index
    %get3A_17 = arith.constant 0 : index
    %get3A_18 = vector.load %arg8[%get3A_16, %get3A_17] : memref<2x16xf32, #tpu.memory_space<vmem>>, vector<1x16xf32>
    %get3A_19 = vector.shape_cast %get3A_18 : vector<1x16xf32> to vector<16xf32>
    %broadcast_in_dim3A_20 = vector.shape_cast %get3A_19 : vector<16xf32> to vector<1x16xf32>
    %add3A_21 = vector.broadcast %broadcast_in_dim3A_20 : vector<1x16xf32> to vector<1024x16xf32>
    %add3A_22 = arith.addf %mul3A_15, %add3A_21 : vector<1024x16xf32>
    %max3A = arith.constant 0.000000e+00 : f32
    %max3A_23 = vector.broadcast %max3A : f32 to vector<1024x16xf32>
    %max3A_24 = arith.maximumf %add3A_22, %max3A_23 : vector<1024x16xf32>
    %get3A_25 = arith.constant 0 : index
    %get3A_26 = arith.constant 0 : index
    %get3A_27 = vector.load %arg6[%get3A_25, %get3A_26] : memref<16x16xf32, #tpu.memory_space<vmem>>, vector<16x16xf32>
    %dot_general3A = arith.constant dense<0.000000e+00> : vector<1024x16xf32>
    %dot_general3A_28 = tpu.matmul %max3A_24, %get3A_27, %dot_general3A {dimension_numbers = #tpu.dot_dimension_numbers<[1], [0], [0], [1], [0, 0, 1, 1], [], []>, transpose_lhs_hint = false} : vector<1024x16xf32>, vector<16x16xf32>, vector<1024x16xf32> -> vector<1024x16xf32>
    %swap3A = arith.constant 0 : index
    %swap3A_29 = arith.constant 0 : index
    %swap3A_30 = vector.load %arg7[%swap3A, %swap3A_29] : memref<1024x16xf32, #tpu.memory_space<vmem>>, vector<1024x16xf32>
    tpu.vector_store %arg7[%swap3A, %swap3A_29], %dot_general3A_28 {strides = array<i32>} : memref<1024x16xf32, #tpu.memory_space<vmem>>, vector<1024x16xf32>,
    %eq3A_31 = arith.constant 26 : i32
    %eq3A_32 = arith.cmpi eq, %arg0, %eq3A_31 : i32
    %convert_element_type3A_33 = arith.extui %eq3A_32 : i1 to i32
    %cond3A_34 = arith.constant 0 : i32
    %cond3A_35 = arith.cmpi ne, %convert_element_type3A_33, %cond3A_34 : i32
    scf.if %cond3A_35 {
      %broadcast_in_dim3A_36 = arith.constant 0.000000e+00 : f32
      %broadcast_in_dim3A_37 = vector.broadcast %broadcast_in_dim3A_36 : f32 to vector<8x16xf32>
      %swap3A_38 = arith.constant 1016 : index
      %swap3A_39 = arith.constant 0 : index
      %swap3A_40 = vector.load %arg7[%swap3A_38, %swap3A_39] : memref<1024x16xf32, #tpu.memory_space<vmem>>, vector<8x16xf32>
      tpu.vector_store %arg7[%swap3A_38, %swap3A_39], %broadcast_in_dim3A_37 {strides = array<i32>} : memref<1024x16xf32, #tpu.memory_space<vmem>>, vector<8x16xf32>,
    } else {
    }
    return
  }
  func.func @transform_0(%arg0: i32) -> (i32, i32, i32) {
    %c0_i32 = arith.constant 0 : i32
    %c0_i32_0 = arith.constant 0 : i32
    %c0_i32_1 = arith.constant 0 : i32
    return %c0_i32, %arg0, %c0_i32_0 : i32, i32, i32
  }
  func.func @transform_1(%arg0: i32) -> (i32, i32, i32) {
    %c0_i32 = arith.constant 0 : i32
    %c0_i32_0 = arith.constant 0 : i32
    %c0_i32_1 = arith.constant 0 : i32
    %c0_i32_2 = arith.constant 0 : i32
    return %c0_i32, %c0_i32_0, %c0_i32_1 : i32, i32, i32
  }
  func.func @transform_2(%arg0: i32) -> (i32, i32) {
    %c0_i32 = arith.constant 0 : i32
    %c0_i32_0 = arith.constant 0 : i32
    %c0_i32_1 = arith.constant 0 : i32
    return %c0_i32, %c0_i32_0 : i32, i32
  }
  func.func @transform_3(%arg0: i32) -> (i32, i32) {
    %c0_i32 = arith.constant 0 : i32
    %c0_i32_0 = arith.constant 0 : i32
    %c0_i32_1 = arith.constant 0 : i32
    return %c0_i32, %c0_i32_0 : i32, i32
  }
  func.func @transform_4(%arg0: i32) -> (i32, i32) {
    %c0_i32 = arith.constant 0 : i32
    %c0_i32_0 = arith.constant 0 : i32
    %c0_i32_1 = arith.constant 0 : i32
    return %c0_i32, %c0_i32_0 : i32, i32
  }
  func.func @transform_5(%arg0: i32) -> (i32, i32) {
    %c0_i32 = arith.constant 0 : i32
    %c0_i32_0 = arith.constant 0 : i32
    %c0_i32_1 = arith.constant 0 : i32
    return %c0_i32, %c0_i32_0 : i32, i32
  }
  func.func @transform_6(%arg0: i32) -> (i32, i32) {
    %c0_i32 = arith.constant 0 : i32
    %c0_i32_0 = arith.constant 0 : i32
    return %arg0, %c0_i32 : i32, i32
  }
  func.func @transform_7(%arg0: i32) -> (i32, i32) {
    %c0_i32 = arith.constant 0 : i32
    %c0_i32_0 = arith.constant 0 : i32
    %c0_i32_1 = arith.constant 0 : i32
    return %c0_i32, %c0_i32_0 : i32, i32
  }
}

module attributes {stable_mosaic.version = 14 : i64} {
  func.func @body(%arg0: i32, %arg1: memref<2x1024x432xf32, #tpu.memory_space<vmem>>, %arg2: memref<432x32xf32, #tpu.memory_space<vmem>>, %arg3: memref<1024x32xf32, #tpu.memory_space<vmem>>) attributes {dimension_semantics = [#tpu.dimension_semantics<arbitrary>], iteration_bounds = array<i64: 4>, scalar_prefetch = 0 : i64, scratch_operands = 0 : i64, tpu.core_type = #tpu.core_type<tc>, window_params = [{transform_indices = @transform_0, window_bounds = array<i64: 2, 1024, 432>}, {pipeline_mode = #tpu.pipeline_mode<synchronous>, transform_indices = @transform_1, window_bounds = array<i64: 432, 32>}, {transform_indices = @transform_2, window_bounds = array<i64: 1024, 32>}]} {
    %get3A = arith.constant 0 : index
    %get3A_0 = arith.constant 0 : index
    %get3A_1 = arith.constant 0 : index
    %get3A_2 = vector.load %arg1[%get3A, %get3A_0, %get3A_1] : memref<2x1024x432xf32, #tpu.memory_space<vmem>>, vector<1x1024x432xf32>
    %get3A_3 = vector.shape_cast %get3A_2 : vector<1x1024x432xf32> to vector<1024x432xf32>
    %get3A_4 = arith.constant 1 : index
    %get3A_5 = arith.constant 0 : index
    %get3A_6 = arith.constant 0 : index
    %get3A_7 = vector.load %arg1[%get3A_4, %get3A_5, %get3A_6] : memref<2x1024x432xf32, #tpu.memory_space<vmem>>, vector<1x1024x432xf32>
    %get3A_8 = vector.shape_cast %get3A_7 : vector<1x1024x432xf32> to vector<1024x432xf32>
    %add3A = arith.addf %get3A_3, %get3A_8 : vector<1024x432xf32>
    %get3A_9 = arith.constant 0 : index
    %get3A_10 = arith.constant 0 : index
    %get3A_11 = vector.load %arg2[%get3A_9, %get3A_10] : memref<432x32xf32, #tpu.memory_space<vmem>>, vector<432x32xf32>
    %dot_general3A = arith.constant dense<0.000000e+00> : vector<1024x32xf32>
    %dot_general3A_12 = tpu.matmul %add3A, %get3A_11, %dot_general3A {dimension_numbers = #tpu.dot_dimension_numbers<[1], [0], [0], [1], [0, 0, 1, 1], [], []>, transpose_lhs_hint = false} : vector<1024x432xf32>, vector<432x32xf32>, vector<1024x32xf32> -> vector<1024x32xf32>
    %swap3A = arith.constant 0 : index
    %swap3A_13 = arith.constant 0 : index
    %swap3A_14 = vector.load %arg3[%swap3A, %swap3A_13] : memref<1024x32xf32, #tpu.memory_space<vmem>>, vector<1024x32xf32>
    tpu.vector_store %arg3[%swap3A, %swap3A_13], %dot_general3A_12 {strides = array<i32>} : memref<1024x32xf32, #tpu.memory_space<vmem>>, vector<1024x32xf32>,
    return
  }
  func.func @transform_0(%arg0: i32) -> (i32, i32, i32) {
    %c0_i32 = arith.constant 0 : i32
    %c0_i32_0 = arith.constant 0 : i32
    %c0_i32_1 = arith.constant 0 : i32
    return %c0_i32, %arg0, %c0_i32_0 : i32, i32, i32
  }
  func.func @transform_1(%arg0: i32) -> (i32, i32) {
    %c0_i32 = arith.constant 0 : i32
    %c0_i32_0 = arith.constant 0 : i32
    %c0_i32_1 = arith.constant 0 : i32
    return %c0_i32, %c0_i32_0 : i32, i32
  }
  func.func @transform_2(%arg0: i32) -> (i32, i32) {
    %c0_i32 = arith.constant 0 : i32
    %c0_i32_0 = arith.constant 0 : i32
    return %arg0, %c0_i32 : i32, i32
  }
}

module attributes {stable_mosaic.version = 14 : i64} {
  func.func @body(%arg0: i32, %arg1: memref<1024x32xf32, #tpu.memory_space<vmem>>, %arg2: memref<512x256xf32, #tpu.memory_space<vmem>>, %arg3: memref<2x32xf32, #tpu.memory_space<vmem>>, %arg4: memref<1x1xf32, #tpu.memory_space<vmem>>, %arg5: memref<256x32xf32, #tpu.memory_space<vmem>>, %arg6: memref<32x432xf32, #tpu.memory_space<vmem>>, %arg7: memref<1024x432xf32, #tpu.memory_space<vmem>>, %arg8: memref<2x32xf32, #tpu.memory_space<vmem>>) attributes {dimension_semantics = [#tpu.dimension_semantics<arbitrary>], iteration_bounds = array<i64: 4>, scalar_prefetch = 0 : i64, scratch_operands = 0 : i64, tpu.core_type = #tpu.core_type<tc>, window_params = [{transform_indices = @transform_0, window_bounds = array<i64: 1024, 32>}, {pipeline_mode = #tpu.pipeline_mode<synchronous>, transform_indices = @transform_1, window_bounds = array<i64: 512, 256>}, {pipeline_mode = #tpu.pipeline_mode<synchronous>, transform_indices = @transform_2, window_bounds = array<i64: 2, 32>}, {pipeline_mode = #tpu.pipeline_mode<synchronous>, transform_indices = @transform_3, window_bounds = array<i64: 1, 1>}, {pipeline_mode = #tpu.pipeline_mode<synchronous>, transform_indices = @transform_4, window_bounds = array<i64: 256, 32>}, {pipeline_mode = #tpu.pipeline_mode<synchronous>, transform_indices = @transform_5, window_bounds = array<i64: 32, 432>}, {transform_indices = @transform_6, window_bounds = array<i64: 1024, 432>}, {pipeline_mode = #tpu.pipeline_mode<synchronous>, transform_indices = @transform_7, window_bounds = array<i64: 2, 32>}]} {
    %eq3A = arith.constant 0 : i32
    %eq3A_0 = arith.cmpi eq, %arg0, %eq3A : i32
    %convert_element_type3A = arith.extui %eq3A_0 : i1 to i32
    %cond3A = arith.constant 0 : i32
    %cond3A_1 = arith.cmpi ne, %convert_element_type3A, %cond3A : i32
    scf.if %cond3A_1 {
      %get3A_23 = arith.constant 0 : index
      %get3A_24 = arith.constant 0 : index
      %get3A_25 = vector.load %arg2[%get3A_23, %get3A_24] : memref<512x256xf32, #tpu.memory_space<vmem>>, vector<512x256xf32>
      %reduce_sum3A = arith.constant dense<0.000000e+00> : vector<256xf32>
      %reduce_sum3A_26 = vector.multi_reduction <add>, %get3A_25, %reduce_sum3A [0] : vector<512x256xf32> to vector<256xf32>
      %broadcast_in_dim3A_27 = vector.shape_cast %reduce_sum3A_26 : vector<256xf32> to vector<1x256xf32>
      %mul3A_28 = arith.mulf %get3A_25, %get3A_25 : vector<512x256xf32>
      %reduce_sum3A_29 = arith.constant dense<0.000000e+00> : vector<256xf32>
      %reduce_sum3A_30 = vector.multi_reduction <add>, %mul3A_28, %reduce_sum3A_29 [0] : vector<512x256xf32> to vector<256xf32>
      %broadcast_in_dim3A_31 = vector.shape_cast %reduce_sum3A_30 : vector<256xf32> to vector<1x256xf32>
      %concatenate3A = tpu.concatenate %broadcast_in_dim3A_27, %broadcast_in_dim3A_31 in 0 : vector<1x256xf32>, vector<1x256xf32> -> vector<2x256xf32>
      %get3A_32 = arith.constant 0 : index
      %get3A_33 = arith.constant 0 : index
      %get3A_34 = vector.load %arg5[%get3A_32, %get3A_33] : memref<256x32xf32, #tpu.memory_space<vmem>>, vector<256x32xf32>
      %dot_general3A_35 = arith.constant dense<0.000000e+00> : vector<2x32xf32>
      %dot_general3A_36 = tpu.matmul %concatenate3A, %get3A_34, %dot_general3A_35 {dimension_numbers = #tpu.dot_dimension_numbers<[1], [0], [0], [1], [0, 0, 1, 1], [], []>, transpose_lhs_hint = false} : vector<2x256xf32>, vector<256x32xf32>, vector<2x32xf32> -> vector<2x32xf32>
      %get3A_37 = arith.constant 0 : index
      %get3A_38 = arith.constant 0 : index
      %get3A_39 = vector.load %arg4[%get3A_37, %get3A_38] : memref<1x1xf32, #tpu.memory_space<vmem>>, vector<1x1xf32>
      %get3A_40 = vector.extract %get3A_39[0, 0] : f32 from vector<1x1xf32>
      %slice3A = vector.extract_strided_slice %dot_general3A_36 {offsets = [0, 0], sizes = [1, 32], strides = [1, 1]} : vector<2x32xf32> to vector<1x32xf32>
      %squeeze3A = vector.shape_cast %slice3A : vector<1x32xf32> to vector<32xf32>
      %div3A = vector.broadcast %get3A_40 : f32 to vector<32xf32>
      %div3A_41 = arith.divf %squeeze3A, %div3A : vector<32xf32>
      %slice3A_42 = vector.extract_strided_slice %dot_general3A_36 {offsets = [1, 0], sizes = [1, 32], strides = [1, 1]} : vector<2x32xf32> to vector<1x32xf32>
      %squeeze3A_43 = vector.shape_cast %slice3A_42 : vector<1x32xf32> to vector<32xf32>
      %div3A_44 = vector.broadcast %get3A_40 : f32 to vector<32xf32>
      %div3A_45 = arith.divf %squeeze3A_43, %div3A_44 : vector<32xf32>
      %mul3A_46 = arith.mulf %div3A_41, %div3A_41 : vector<32xf32>
      %sub3A = arith.subf %div3A_45, %mul3A_46 : vector<32xf32>
      %get3A_47 = arith.constant 0 : index
      %get3A_48 = arith.constant 0 : index
      %get3A_49 = vector.load %arg3[%get3A_47, %get3A_48] : memref<2x32xf32, #tpu.memory_space<vmem>>, vector<1x32xf32>
      %get3A_50 = vector.shape_cast %get3A_49 : vector<1x32xf32> to vector<32xf32>
      %add3A_51 = arith.constant 9.99999974E-6 : f32
      %add3A_52 = vector.broadcast %add3A_51 : f32 to vector<32xf32>
      %add3A_53 = arith.addf %sub3A, %add3A_52 : vector<32xf32>
      %rsqrt3A = math.rsqrt %add3A_53 : vector<32xf32>
      %mul3A_54 = arith.mulf %get3A_50, %rsqrt3A : vector<32xf32>
      %get3A_55 = arith.constant 1 : index
      %get3A_56 = arith.constant 0 : index
      %get3A_57 = vector.load %arg3[%get3A_55, %get3A_56] : memref<2x32xf32, #tpu.memory_space<vmem>>, vector<1x32xf32>
      %get3A_58 = vector.shape_cast %get3A_57 : vector<1x32xf32> to vector<32xf32>
      %mul3A_59 = arith.mulf %div3A_41, %mul3A_54 : vector<32xf32>
      %sub3A_60 = arith.subf %get3A_58, %mul3A_59 : vector<32xf32>
      %swap3A_61 = arith.constant 0 : index
      %swap3A_62 = arith.constant 0 : index
      %swap3A_63 = vector.load %arg8[%swap3A_61, %swap3A_62] : memref<2x32xf32, #tpu.memory_space<vmem>>, vector<1x32xf32>
      %swap3A_64 = vector.shape_cast %swap3A_63 : vector<1x32xf32> to vector<32xf32>
      %swap3A_65 = vector.shape_cast %mul3A_54 : vector<32xf32> to vector<1x32xf32>
      tpu.vector_store %arg8[%swap3A_61, %swap3A_62], %swap3A_65 {strides = array<i32>} : memref<2x32xf32, #tpu.memory_space<vmem>>, vector<1x32xf32>,
      %swap3A_66 = arith.constant 1 : index
      %swap3A_67 = arith.constant 0 : index
      %swap3A_68 = vector.load %arg8[%swap3A_66, %swap3A_67] : memref<2x32xf32, #tpu.memory_space<vmem>>, vector<1x32xf32>
      %swap3A_69 = vector.shape_cast %swap3A_68 : vector<1x32xf32> to vector<32xf32>
      %swap3A_70 = vector.shape_cast %sub3A_60 : vector<32xf32> to vector<1x32xf32>
      tpu.vector_store %arg8[%swap3A_66, %swap3A_67], %swap3A_70 {strides = array<i32>} : memref<2x32xf32, #tpu.memory_space<vmem>>, vector<1x32xf32>,
    } else {
    }
    %get3A = arith.constant 0 : index
    %get3A_2 = arith.constant 0 : index
    %get3A_3 = vector.load %arg1[%get3A, %get3A_2] : memref<1024x32xf32, #tpu.memory_space<vmem>>, vector<1024x32xf32>
    %get3A_4 = arith.constant 0 : index
    %get3A_5 = arith.constant 0 : index
    %get3A_6 = vector.load %arg8[%get3A_4, %get3A_5] : memref<2x32xf32, #tpu.memory_space<vmem>>, vector<1x32xf32>
    %get3A_7 = vector.shape_cast %get3A_6 : vector<1x32xf32> to vector<32xf32>
    %broadcast_in_dim3A = vector.shape_cast %get3A_7 : vector<32xf32> to vector<1x32xf32>
    %mul3A = vector.broadcast %broadcast_in_dim3A : vector<1x32xf32> to vector<1024x32xf32>
    %mul3A_8 = arith.mulf %get3A_3, %mul3A : vector<1024x32xf32>
    %get3A_9 = arith.constant 1 : index
    %get3A_10 = arith.constant 0 : index
    %get3A_11 = vector.load %arg8[%get3A_9, %get3A_10] : memref<2x32xf32, #tpu.memory_space<vmem>>, vector<1x32xf32>
    %get3A_12 = vector.shape_cast %get3A_11 : vector<1x32xf32> to vector<32xf32>
    %broadcast_in_dim3A_13 = vector.shape_cast %get3A_12 : vector<32xf32> to vector<1x32xf32>
    %add3A = vector.broadcast %broadcast_in_dim3A_13 : vector<1x32xf32> to vector<1024x32xf32>
    %add3A_14 = arith.addf %mul3A_8, %add3A : vector<1024x32xf32>
    %max3A = arith.constant 0.000000e+00 : f32
    %max3A_15 = vector.broadcast %max3A : f32 to vector<1024x32xf32>
    %max3A_16 = arith.maximumf %add3A_14, %max3A_15 : vector<1024x32xf32>
    %get3A_17 = arith.constant 0 : index
    %get3A_18 = arith.constant 0 : index
    %get3A_19 = vector.load %arg6[%get3A_17, %get3A_18] : memref<32x432xf32, #tpu.memory_space<vmem>>, vector<32x432xf32>
    %dot_general3A = arith.constant dense<0.000000e+00> : vector<1024x432xf32>
    %dot_general3A_20 = tpu.matmul %max3A_16, %get3A_19, %dot_general3A {dimension_numbers = #tpu.dot_dimension_numbers<[1], [0], [0], [1], [0, 0, 1, 1], [], []>, transpose_lhs_hint = false} : vector<1024x32xf32>, vector<32x432xf32>, vector<1024x432xf32> -> vector<1024x432xf32>
    %swap3A = arith.constant 0 : index
    %swap3A_21 = arith.constant 0 : index
    %swap3A_22 = vector.load %arg7[%swap3A, %swap3A_21] : memref<1024x432xf32, #tpu.memory_space<vmem>>, vector<1024x432xf32>
    tpu.vector_store %arg7[%swap3A, %swap3A_21], %dot_general3A_20 {strides = array<i32>} : memref<1024x432xf32, #tpu.memory_space<vmem>>, vector<1024x432xf32>,
    return
  }
  func.func @transform_0(%arg0: i32) -> (i32, i32) {
    %c0_i32 = arith.constant 0 : i32
    %c0_i32_0 = arith.constant 0 : i32
    return %arg0, %c0_i32 : i32, i32
  }
  func.func @transform_1(%arg0: i32) -> (i32, i32) {
    %c0_i32 = arith.constant 0 : i32
    %c0_i32_0 = arith.constant 0 : i32
    %c0_i32_1 = arith.constant 0 : i32
    return %c0_i32, %c0_i32_0 : i32, i32
  }
  func.func @transform_2(%arg0: i32) -> (i32, i32) {
    %c0_i32 = arith.constant 0 : i32
    %c0_i32_0 = arith.constant 0 : i32
    %c0_i32_1 = arith.constant 0 : i32
    return %c0_i32, %c0_i32_0 : i32, i32
  }
  func.func @transform_3(%arg0: i32) -> (i32, i32) {
    %c0_i32 = arith.constant 0 : i32
    %c0_i32_0 = arith.constant 0 : i32
    %c0_i32_1 = arith.constant 0 : i32
    return %c0_i32, %c0_i32_0 : i32, i32
  }
  func.func @transform_4(%arg0: i32) -> (i32, i32) {
    %c0_i32 = arith.constant 0 : i32
    %c0_i32_0 = arith.constant 0 : i32
    %c0_i32_1 = arith.constant 0 : i32
    return %c0_i32, %c0_i32_0 : i32, i32
  }
  func.func @transform_5(%arg0: i32) -> (i32, i32) {
    %c0_i32 = arith.constant 0 : i32
    %c0_i32_0 = arith.constant 0 : i32
    %c0_i32_1 = arith.constant 0 : i32
    return %c0_i32, %c0_i32_0 : i32, i32
  }
  func.func @transform_6(%arg0: i32) -> (i32, i32) {
    %c0_i32 = arith.constant 0 : i32
    %c0_i32_0 = arith.constant 0 : i32
    return %arg0, %c0_i32 : i32, i32
  }
  func.func @transform_7(%arg0: i32) -> (i32, i32) {
    %c0_i32 = arith.constant 0 : i32
    %c0_i32_0 = arith.constant 0 : i32
    %c0_i32_1 = arith.constant 0 : i32
    return %c0_i32, %c0_i32_0 : i32, i32
  }
}

module attributes {stable_mosaic.version = 14 : i64} {
  func.func @body(%arg0: i32, %arg1: memref<2x1024x16xf32, #tpu.memory_space<vmem>>, %arg2: memref<2x3456x128xf32, #tpu.memory_space<vmem>>, %arg3: memref<2x16xf32, #tpu.memory_space<vmem>>, %arg4: memref<1x1xf32, #tpu.memory_space<vmem>>, %arg5: memref<128x16xf32, #tpu.memory_space<vmem>>, %arg6: memref<2x1024x16xf32, #tpu.memory_space<vmem>>, %arg7: memref<2x16xf32, #tpu.memory_space<vmem>>, %arg8: memref<16x432xf32, #tpu.memory_space<vmem>>, %arg9: memref<16x432xf32, #tpu.memory_space<vmem>>, %arg10: memref<1024x432xf32, #tpu.memory_space<vmem>>, %arg11: memref<2x16xf32, #tpu.memory_space<vmem>>) attributes {dimension_semantics = [#tpu.dimension_semantics<arbitrary>], iteration_bounds = array<i64: 27>, scalar_prefetch = 0 : i64, scratch_operands = 1 : i64, tpu.core_type = #tpu.core_type<tc>, window_params = [{transform_indices = @transform_0, window_bounds = array<i64: 2, 1024, 16>}, {pipeline_mode = #tpu.pipeline_mode<synchronous>, transform_indices = @transform_1, window_bounds = array<i64: 2, 3456, 128>}, {pipeline_mode = #tpu.pipeline_mode<synchronous>, transform_indices = @transform_2, window_bounds = array<i64: 2, 16>}, {pipeline_mode = #tpu.pipeline_mode<synchronous>, transform_indices = @transform_3, window_bounds = array<i64: 1, 1>}, {pipeline_mode = #tpu.pipeline_mode<synchronous>, transform_indices = @transform_4, window_bounds = array<i64: 128, 16>}, {transform_indices = @transform_5, window_bounds = array<i64: 2, 1024, 16>}, {pipeline_mode = #tpu.pipeline_mode<synchronous>, transform_indices = @transform_6, window_bounds = array<i64: 2, 16>}, {pipeline_mode = #tpu.pipeline_mode<synchronous>, transform_indices = @transform_7, window_bounds = array<i64: 16, 432>}, {pipeline_mode = #tpu.pipeline_mode<synchronous>, transform_indices = @transform_8, window_bounds = array<i64: 16, 432>}, {transform_indices = @transform_9, window_bounds = array<i64: 1024, 432>}]} {
    %eq3A = arith.constant 0 : i32
    %eq3A_0 = arith.cmpi eq, %arg0, %eq3A : i32
    %convert_element_type3A = arith.extui %eq3A_0 : i1 to i32
    %cond3A = arith.constant 0 : i32
    %cond3A_1 = arith.cmpi ne, %convert_element_type3A, %cond3A : i32
    scf.if %cond3A_1 {
      %get3A_62 = arith.constant 0 : index
      %get3A_63 = arith.constant 0 : index
      %get3A_64 = arith.constant 0 : index
      %get3A_65 = vector.load %arg2[%get3A_62, %get3A_63, %get3A_64] : memref<2x3456x128xf32, #tpu.memory_space<vmem>>, vector<1x3455x128xf32>
      %get3A_66 = vector.shape_cast %get3A_65 : vector<1x3455x128xf32> to vector<3455x128xf32>
      %get3A_67 = arith.constant 1 : index
      %get3A_68 = arith.constant 0 : index
      %get3A_69 = arith.constant 0 : index
      %get3A_70 = vector.load %arg2[%get3A_67, %get3A_68, %get3A_69] : memref<2x3456x128xf32, #tpu.memory_space<vmem>>, vector<1x3455x128xf32>
      %get3A_71 = vector.shape_cast %get3A_70 : vector<1x3455x128xf32> to vector<3455x128xf32>
      %add3A_72 = arith.addf %get3A_66, %get3A_71 : vector<3455x128xf32>
      %reduce_sum3A = arith.constant dense<0.000000e+00> : vector<128xf32>
      %reduce_sum3A_73 = vector.multi_reduction <add>, %add3A_72, %reduce_sum3A [0] : vector<3455x128xf32> to vector<128xf32>
      %broadcast_in_dim3A_74 = vector.shape_cast %reduce_sum3A_73 : vector<128xf32> to vector<1x128xf32>
      %mul3A_75 = arith.mulf %add3A_72, %add3A_72 : vector<3455x128xf32>
      %reduce_sum3A_76 = arith.constant dense<0.000000e+00> : vector<128xf32>
      %reduce_sum3A_77 = vector.multi_reduction <add>, %mul3A_75, %reduce_sum3A_76 [0] : vector<3455x128xf32> to vector<128xf32>
      %broadcast_in_dim3A_78 = vector.shape_cast %reduce_sum3A_77 : vector<128xf32> to vector<1x128xf32>
      %concatenate3A = tpu.concatenate %broadcast_in_dim3A_74, %broadcast_in_dim3A_78 in 0 : vector<1x128xf32>, vector<1x128xf32> -> vector<2x128xf32>
      %get3A_79 = arith.constant 0 : index
      %get3A_80 = arith.constant 0 : index
      %get3A_81 = vector.load %arg5[%get3A_79, %get3A_80] : memref<128x16xf32, #tpu.memory_space<vmem>>, vector<128x16xf32>
      %dot_general3A_82 = arith.constant dense<0.000000e+00> : vector<2x16xf32>
      %dot_general3A_83 = tpu.matmul %concatenate3A, %get3A_81, %dot_general3A_82 {dimension_numbers = #tpu.dot_dimension_numbers<[1], [0], [0], [1], [0, 0, 1, 1], [], []>, transpose_lhs_hint = false} : vector<2x128xf32>, vector<128x16xf32>, vector<2x16xf32> -> vector<2x16xf32>
      %get3A_84 = arith.constant 0 : index
      %get3A_85 = arith.constant 0 : index
      %get3A_86 = vector.load %arg4[%get3A_84, %get3A_85] : memref<1x1xf32, #tpu.memory_space<vmem>>, vector<1x1xf32>
      %get3A_87 = vector.extract %get3A_86[0, 0] : f32 from vector<1x1xf32>
      %slice3A = vector.extract_strided_slice %dot_general3A_83 {offsets = [0, 0], sizes = [1, 16], strides = [1, 1]} : vector<2x16xf32> to vector<1x16xf32>
      %squeeze3A = vector.shape_cast %slice3A : vector<1x16xf32> to vector<16xf32>
      %div3A = vector.broadcast %get3A_87 : f32 to vector<16xf32>
      %div3A_88 = arith.divf %squeeze3A, %div3A : vector<16xf32>
      %slice3A_89 = vector.extract_strided_slice %dot_general3A_83 {offsets = [1, 0], sizes = [1, 16], strides = [1, 1]} : vector<2x16xf32> to vector<1x16xf32>
      %squeeze3A_90 = vector.shape_cast %slice3A_89 : vector<1x16xf32> to vector<16xf32>
      %div3A_91 = vector.broadcast %get3A_87 : f32 to vector<16xf32>
      %div3A_92 = arith.divf %squeeze3A_90, %div3A_91 : vector<16xf32>
      %mul3A_93 = arith.mulf %div3A_88, %div3A_88 : vector<16xf32>
      %sub3A = arith.subf %div3A_92, %mul3A_93 : vector<16xf32>
      %get3A_94 = arith.constant 0 : index
      %get3A_95 = arith.constant 0 : index
      %get3A_96 = vector.load %arg3[%get3A_94, %get3A_95] : memref<2x16xf32, #tpu.memory_space<vmem>>, vector<1x16xf32>
      %get3A_97 = vector.shape_cast %get3A_96 : vector<1x16xf32> to vector<16xf32>
      %add3A_98 = arith.constant 9.99999974E-6 : f32
      %add3A_99 = vector.broadcast %add3A_98 : f32 to vector<16xf32>
      %add3A_100 = arith.addf %sub3A, %add3A_99 : vector<16xf32>
      %rsqrt3A = math.rsqrt %add3A_100 : vector<16xf32>
      %mul3A_101 = arith.mulf %get3A_97, %rsqrt3A : vector<16xf32>
      %get3A_102 = arith.constant 1 : index
      %get3A_103 = arith.constant 0 : index
      %get3A_104 = vector.load %arg3[%get3A_102, %get3A_103] : memref<2x16xf32, #tpu.memory_space<vmem>>, vector<1x16xf32>
      %get3A_105 = vector.shape_cast %get3A_104 : vector<1x16xf32> to vector<16xf32>
      %mul3A_106 = arith.mulf %div3A_88, %mul3A_101 : vector<16xf32>
      %sub3A_107 = arith.subf %get3A_105, %mul3A_106 : vector<16xf32>
      %swap3A_108 = arith.constant 0 : index
      %swap3A_109 = arith.constant 0 : index
      %swap3A_110 = vector.load %arg11[%swap3A_108, %swap3A_109] : memref<2x16xf32, #tpu.memory_space<vmem>>, vector<1x16xf32>
      %swap3A_111 = vector.shape_cast %swap3A_110 : vector<1x16xf32> to vector<16xf32>
      %swap3A_112 = vector.shape_cast %mul3A_101 : vector<16xf32> to vector<1x16xf32>
      tpu.vector_store %arg11[%swap3A_108, %swap3A_109], %swap3A_112 {strides = array<i32>} : memref<2x16xf32, #tpu.memory_space<vmem>>, vector<1x16xf32>,
      %swap3A_113 = arith.constant 1 : index
      %swap3A_114 = arith.constant 0 : index
      %swap3A_115 = vector.load %arg11[%swap3A_113, %swap3A_114] : memref<2x16xf32, #tpu.memory_space<vmem>>, vector<1x16xf32>
      %swap3A_116 = vector.shape_cast %swap3A_115 : vector<1x16xf32> to vector<16xf32>
      %swap3A_117 = vector.shape_cast %sub3A_107 : vector<16xf32> to vector<1x16xf32>
      tpu.vector_store %arg11[%swap3A_113, %swap3A_114], %swap3A_117 {strides = array<i32>} : memref<2x16xf32, #tpu.memory_space<vmem>>, vector<1x16xf32>,
    } else {
    }
    %get3A = arith.constant 0 : index
    %get3A_2 = arith.constant 0 : index
    %get3A_3 = arith.constant 0 : index
    %get3A_4 = vector.load %arg1[%get3A, %get3A_2, %get3A_3] : memref<2x1024x16xf32, #tpu.memory_space<vmem>>, vector<1x1024x16xf32>
    %get3A_5 = vector.shape_cast %get3A_4 : vector<1x1024x16xf32> to vector<1024x16xf32>
    %get3A_6 = arith.constant 1 : index
    %get3A_7 = arith.constant 0 : index
    %get3A_8 = arith.constant 0 : index
    %get3A_9 = vector.load %arg1[%get3A_6, %get3A_7, %get3A_8] : memref<2x1024x16xf32, #tpu.memory_space<vmem>>, vector<1x1024x16xf32>
    %get3A_10 = vector.shape_cast %get3A_9 : vector<1x1024x16xf32> to vector<1024x16xf32>
    %add3A = arith.addf %get3A_5, %get3A_10 : vector<1024x16xf32>
    %get3A_11 = arith.constant 0 : index
    %get3A_12 = arith.constant 0 : index
    %get3A_13 = vector.load %arg11[%get3A_11, %get3A_12] : memref<2x16xf32, #tpu.memory_space<vmem>>, vector<1x16xf32>
    %get3A_14 = vector.shape_cast %get3A_13 : vector<1x16xf32> to vector<16xf32>
    %broadcast_in_dim3A = vector.shape_cast %get3A_14 : vector<16xf32> to vector<1x16xf32>
    %mul3A = vector.broadcast %broadcast_in_dim3A : vector<1x16xf32> to vector<1024x16xf32>
    %mul3A_15 = arith.mulf %add3A, %mul3A : vector<1024x16xf32>
    %get3A_16 = arith.constant 1 : index
    %get3A_17 = arith.constant 0 : index
    %get3A_18 = vector.load %arg11[%get3A_16, %get3A_17] : memref<2x16xf32, #tpu.memory_space<vmem>>, vector<1x16xf32>
    %get3A_19 = vector.shape_cast %get3A_18 : vector<1x16xf32> to vector<16xf32>
    %broadcast_in_dim3A_20 = vector.shape_cast %get3A_19 : vector<16xf32> to vector<1x16xf32>
    %add3A_21 = vector.broadcast %broadcast_in_dim3A_20 : vector<1x16xf32> to vector<1024x16xf32>
    %add3A_22 = arith.addf %mul3A_15, %add3A_21 : vector<1024x16xf32>
    %max3A = arith.constant 0.000000e+00 : f32
    %max3A_23 = vector.broadcast %max3A : f32 to vector<1024x16xf32>
    %max3A_24 = arith.maximumf %add3A_22, %max3A_23 : vector<1024x16xf32>
    %get3A_25 = arith.constant 0 : index
    %get3A_26 = arith.constant 0 : index
    %get3A_27 = arith.constant 0 : index
    %get3A_28 = vector.load %arg6[%get3A_25, %get3A_26, %get3A_27] : memref<2x1024x16xf32, #tpu.memory_space<vmem>>, vector<1x1024x16xf32>
    %get3A_29 = vector.shape_cast %get3A_28 : vector<1x1024x16xf32> to vector<1024x16xf32>
    %get3A_30 = arith.constant 1 : index
    %get3A_31 = arith.constant 0 : index
    %get3A_32 = arith.constant 0 : index
    %get3A_33 = vector.load %arg6[%get3A_30, %get3A_31, %get3A_32] : memref<2x1024x16xf32, #tpu.memory_space<vmem>>, vector<1x1024x16xf32>
    %get3A_34 = vector.shape_cast %get3A_33 : vector<1x1024x16xf32> to vector<1024x16xf32>
    %add3A_35 = arith.addf %get3A_29, %get3A_34 : vector<1024x16xf32>
    %get3A_36 = arith.constant 0 : index
    %get3A_37 = arith.constant 0 : index
    %get3A_38 = vector.load %arg7[%get3A_36, %get3A_37] : memref<2x16xf32, #tpu.memory_space<vmem>>, vector<1x16xf32>
    %get3A_39 = vector.shape_cast %get3A_38 : vector<1x16xf32> to vector<16xf32>
    %broadcast_in_dim3A_40 = vector.shape_cast %get3A_39 : vector<16xf32> to vector<1x16xf32>
    %mul3A_41 = vector.broadcast %broadcast_in_dim3A_40 : vector<1x16xf32> to vector<1024x16xf32>
    %mul3A_42 = arith.mulf %add3A_35, %mul3A_41 : vector<1024x16xf32>
    %get3A_43 = arith.constant 1 : index
    %get3A_44 = arith.constant 0 : index
    %get3A_45 = vector.load %arg7[%get3A_43, %get3A_44] : memref<2x16xf32, #tpu.memory_space<vmem>>, vector<1x16xf32>
    %get3A_46 = vector.shape_cast %get3A_45 : vector<1x16xf32> to vector<16xf32>
    %broadcast_in_dim3A_47 = vector.shape_cast %get3A_46 : vector<16xf32> to vector<1x16xf32>
    %add3A_48 = vector.broadcast %broadcast_in_dim3A_47 : vector<1x16xf32> to vector<1024x16xf32>
    %add3A_49 = arith.addf %mul3A_42, %add3A_48 : vector<1024x16xf32>
    %get3A_50 = arith.constant 0 : index
    %get3A_51 = arith.constant 0 : index
    %get3A_52 = vector.load %arg8[%get3A_50, %get3A_51] : memref<16x432xf32, #tpu.memory_space<vmem>>, vector<16x432xf32>
    %dot_general3A = arith.constant dense<0.000000e+00> : vector<1024x432xf32>
    %dot_general3A_53 = tpu.matmul %max3A_24, %get3A_52, %dot_general3A {dimension_numbers = #tpu.dot_dimension_numbers<[1], [0], [0], [1], [0, 0, 1, 1], [], []>, transpose_lhs_hint = false} : vector<1024x16xf32>, vector<16x432xf32>, vector<1024x432xf32> -> vector<1024x432xf32>
    %get3A_54 = arith.constant 0 : index
    %get3A_55 = arith.constant 0 : index
    %get3A_56 = vector.load %arg9[%get3A_54, %get3A_55] : memref<16x432xf32, #tpu.memory_space<vmem>>, vector<16x432xf32>
    %dot_general3A_57 = arith.constant dense<0.000000e+00> : vector<1024x432xf32>
    %dot_general3A_58 = tpu.matmul %add3A_49, %get3A_56, %dot_general3A_57 {dimension_numbers = #tpu.dot_dimension_numbers<[1], [0], [0], [1], [0, 0, 1, 1], [], []>, transpose_lhs_hint = false} : vector<1024x16xf32>, vector<16x432xf32>, vector<1024x432xf32> -> vector<1024x432xf32>
    %add3A_59 = arith.addf %dot_general3A_53, %dot_general3A_58 : vector<1024x432xf32>
    %swap3A = arith.constant 0 : index
    %swap3A_60 = arith.constant 0 : index
    %swap3A_61 = vector.load %arg10[%swap3A, %swap3A_60] : memref<1024x432xf32, #tpu.memory_space<vmem>>, vector<1024x432xf32>
    tpu.vector_store %arg10[%swap3A, %swap3A_60], %add3A_59 {strides = array<i32>} : memref<1024x432xf32, #tpu.memory_space<vmem>>, vector<1024x432xf32>,
    return
  }
  func.func @transform_0(%arg0: i32) -> (i32, i32, i32) {
    %c0_i32 = arith.constant 0 : i32
    %c0_i32_0 = arith.constant 0 : i32
    %c0_i32_1 = arith.constant 0 : i32
    return %c0_i32, %arg0, %c0_i32_0 : i32, i32, i32
  }
  func.func @transform_1(%arg0: i32) -> (i32, i32, i32) {
    %c0_i32 = arith.constant 0 : i32
    %c0_i32_0 = arith.constant 0 : i32
    %c0_i32_1 = arith.constant 0 : i32
    %c0_i32_2 = arith.constant 0 : i32
    return %c0_i32, %c0_i32_0, %c0_i32_1 : i32, i32, i32
  }
  func.func @transform_2(%arg0: i32) -> (i32, i32) {
    %c0_i32 = arith.constant 0 : i32
    %c0_i32_0 = arith.constant 0 : i32
    %c0_i32_1 = arith.constant 0 : i32
    return %c0_i32, %c0_i32_0 : i32, i32
  }
  func.func @transform_3(%arg0: i32) -> (i32, i32) {
    %c0_i32 = arith.constant 0 : i32
    %c0_i32_0 = arith.constant 0 : i32
    %c0_i32_1 = arith.constant 0 : i32
    return %c0_i32, %c0_i32_0 : i32, i32
  }
  func.func @transform_4(%arg0: i32) -> (i32, i32) {
    %c0_i32 = arith.constant 0 : i32
    %c0_i32_0 = arith.constant 0 : i32
    %c0_i32_1 = arith.constant 0 : i32
    return %c0_i32, %c0_i32_0 : i32, i32
  }
  func.func @transform_5(%arg0: i32) -> (i32, i32, i32) {
    %c0_i32 = arith.constant 0 : i32
    %c0_i32_0 = arith.constant 0 : i32
    %c0_i32_1 = arith.constant 0 : i32
    return %c0_i32, %arg0, %c0_i32_0 : i32, i32, i32
  }
  func.func @transform_6(%arg0: i32) -> (i32, i32) {
    %c0_i32 = arith.constant 0 : i32
    %c0_i32_0 = arith.constant 0 : i32
    %c0_i32_1 = arith.constant 0 : i32
    return %c0_i32, %c0_i32_0 : i32, i32
  }
  func.func @transform_7(%arg0: i32) -> (i32, i32) {
    %c0_i32 = arith.constant 0 : i32
    %c0_i32_0 = arith.constant 0 : i32
    %c0_i32_1 = arith.constant 0 : i32
    return %c0_i32, %c0_i32_0 : i32, i32
  }
  func.func @transform_8(%arg0: i32) -> (i32, i32) {
    %c0_i32 = arith.constant 0 : i32
    %c0_i32_0 = arith.constant 0 : i32
    %c0_i32_1 = arith.constant 0 : i32
    return %c0_i32, %c0_i32_0 : i32, i32
  }
  func.func @transform_9(%arg0: i32) -> (i32, i32) {
    %c0_i32 = arith.constant 0 : i32
    %c0_i32_0 = arith.constant 0 : i32
    return %arg0, %c0_i32 : i32, i32
  }
}

module attributes {stable_mosaic.version = 14 : i64} {
  func.func @body(%arg0: i32, %arg1: memref<2x1024x16xf32, #tpu.memory_space<vmem>>, %arg2: memref<2x6272x128xf32, #tpu.memory_space<vmem>>, %arg3: memref<2x16xf32, #tpu.memory_space<vmem>>, %arg4: memref<1x1xf32, #tpu.memory_space<vmem>>, %arg5: memref<128x16xf32, #tpu.memory_space<vmem>>, %arg6: memref<2x1024x8xf32, #tpu.memory_space<vmem>>, %arg7: memref<2x8xf32, #tpu.memory_space<vmem>>, %arg8: memref<16x128xf32, #tpu.memory_space<vmem>>, %arg9: memref<8x128xf32, #tpu.memory_space<vmem>>, %arg10: memref<1024x128xf32, #tpu.memory_space<vmem>>, %arg11: memref<2x16xf32, #tpu.memory_space<vmem>>) attributes {dimension_semantics = [#tpu.dimension_semantics<arbitrary>], iteration_bounds = array<i64: 49>, scalar_prefetch = 0 : i64, scratch_operands = 1 : i64, tpu.core_type = #tpu.core_type<tc>, window_params = [{transform_indices = @transform_0, window_bounds = array<i64: 2, 1024, 16>}, {pipeline_mode = #tpu.pipeline_mode<synchronous>, transform_indices = @transform_1, window_bounds = array<i64: 2, 6272, 128>}, {pipeline_mode = #tpu.pipeline_mode<synchronous>, transform_indices = @transform_2, window_bounds = array<i64: 2, 16>}, {pipeline_mode = #tpu.pipeline_mode<synchronous>, transform_indices = @transform_3, window_bounds = array<i64: 1, 1>}, {pipeline_mode = #tpu.pipeline_mode<synchronous>, transform_indices = @transform_4, window_bounds = array<i64: 128, 16>}, {transform_indices = @transform_5, window_bounds = array<i64: 2, 1024, 8>}, {pipeline_mode = #tpu.pipeline_mode<synchronous>, transform_indices = @transform_6, window_bounds = array<i64: 2, 8>}, {pipeline_mode = #tpu.pipeline_mode<synchronous>, transform_indices = @transform_7, window_bounds = array<i64: 16, 128>}, {pipeline_mode = #tpu.pipeline_mode<synchronous>, transform_indices = @transform_8, window_bounds = array<i64: 8, 128>}, {transform_indices = @transform_9, window_bounds = array<i64: 1024, 128>}]} {
    %eq3A = arith.constant 0 : i32
    %eq3A_0 = arith.cmpi eq, %arg0, %eq3A : i32
    %convert_element_type3A = arith.extui %eq3A_0 : i1 to i32
    %cond3A = arith.constant 0 : i32
    %cond3A_1 = arith.cmpi ne, %convert_element_type3A, %cond3A : i32
    scf.if %cond3A_1 {
      %get3A_62 = arith.constant 0 : index
      %get3A_63 = arith.constant 0 : index
      %get3A_64 = arith.constant 0 : index
      %get3A_65 = vector.load %arg2[%get3A_62, %get3A_63, %get3A_64] : memref<2x6272x128xf32, #tpu.memory_space<vmem>>, vector<1x6271x128xf32>
      %get3A_66 = vector.shape_cast %get3A_65 : vector<1x6271x128xf32> to vector<6271x128xf32>
      %get3A_67 = arith.constant 1 : index
      %get3A_68 = arith.constant 0 : index
      %get3A_69 = arith.constant 0 : index
      %get3A_70 = vector.load %arg2[%get3A_67, %get3A_68, %get3A_69] : memref<2x6272x128xf32, #tpu.memory_space<vmem>>, vector<1x6271x128xf32>
      %get3A_71 = vector.shape_cast %get3A_70 : vector<1x6271x128xf32> to vector<6271x128xf32>
      %add3A_72 = arith.addf %get3A_66, %get3A_71 : vector<6271x128xf32>
      %reduce_sum3A = arith.constant dense<0.000000e+00> : vector<128xf32>
      %reduce_sum3A_73 = vector.multi_reduction <add>, %add3A_72, %reduce_sum3A [0] : vector<6271x128xf32> to vector<128xf32>
      %broadcast_in_dim3A_74 = vector.shape_cast %reduce_sum3A_73 : vector<128xf32> to vector<1x128xf32>
      %mul3A_75 = arith.mulf %add3A_72, %add3A_72 : vector<6271x128xf32>
      %reduce_sum3A_76 = arith.constant dense<0.000000e+00> : vector<128xf32>
      %reduce_sum3A_77 = vector.multi_reduction <add>, %mul3A_75, %reduce_sum3A_76 [0] : vector<6271x128xf32> to vector<128xf32>
      %broadcast_in_dim3A_78 = vector.shape_cast %reduce_sum3A_77 : vector<128xf32> to vector<1x128xf32>
      %concatenate3A = tpu.concatenate %broadcast_in_dim3A_74, %broadcast_in_dim3A_78 in 0 : vector<1x128xf32>, vector<1x128xf32> -> vector<2x128xf32>
      %get3A_79 = arith.constant 0 : index
      %get3A_80 = arith.constant 0 : index
      %get3A_81 = vector.load %arg5[%get3A_79, %get3A_80] : memref<128x16xf32, #tpu.memory_space<vmem>>, vector<128x16xf32>
      %dot_general3A_82 = arith.constant dense<0.000000e+00> : vector<2x16xf32>
      %dot_general3A_83 = tpu.matmul %concatenate3A, %get3A_81, %dot_general3A_82 {dimension_numbers = #tpu.dot_dimension_numbers<[1], [0], [0], [1], [0, 0, 1, 1], [], []>, transpose_lhs_hint = false} : vector<2x128xf32>, vector<128x16xf32>, vector<2x16xf32> -> vector<2x16xf32>
      %get3A_84 = arith.constant 0 : index
      %get3A_85 = arith.constant 0 : index
      %get3A_86 = vector.load %arg4[%get3A_84, %get3A_85] : memref<1x1xf32, #tpu.memory_space<vmem>>, vector<1x1xf32>
      %get3A_87 = vector.extract %get3A_86[0, 0] : f32 from vector<1x1xf32>
      %slice3A = vector.extract_strided_slice %dot_general3A_83 {offsets = [0, 0], sizes = [1, 16], strides = [1, 1]} : vector<2x16xf32> to vector<1x16xf32>
      %squeeze3A = vector.shape_cast %slice3A : vector<1x16xf32> to vector<16xf32>
      %div3A = vector.broadcast %get3A_87 : f32 to vector<16xf32>
      %div3A_88 = arith.divf %squeeze3A, %div3A : vector<16xf32>
      %slice3A_89 = vector.extract_strided_slice %dot_general3A_83 {offsets = [1, 0], sizes = [1, 16], strides = [1, 1]} : vector<2x16xf32> to vector<1x16xf32>
      %squeeze3A_90 = vector.shape_cast %slice3A_89 : vector<1x16xf32> to vector<16xf32>
      %div3A_91 = vector.broadcast %get3A_87 : f32 to vector<16xf32>
      %div3A_92 = arith.divf %squeeze3A_90, %div3A_91 : vector<16xf32>
      %mul3A_93 = arith.mulf %div3A_88, %div3A_88 : vector<16xf32>
      %sub3A = arith.subf %div3A_92, %mul3A_93 : vector<16xf32>
      %get3A_94 = arith.constant 0 : index
      %get3A_95 = arith.constant 0 : index
      %get3A_96 = vector.load %arg3[%get3A_94, %get3A_95] : memref<2x16xf32, #tpu.memory_space<vmem>>, vector<1x16xf32>
      %get3A_97 = vector.shape_cast %get3A_96 : vector<1x16xf32> to vector<16xf32>
      %add3A_98 = arith.constant 9.99999974E-6 : f32
      %add3A_99 = vector.broadcast %add3A_98 : f32 to vector<16xf32>
      %add3A_100 = arith.addf %sub3A, %add3A_99 : vector<16xf32>
      %rsqrt3A = math.rsqrt %add3A_100 : vector<16xf32>
      %mul3A_101 = arith.mulf %get3A_97, %rsqrt3A : vector<16xf32>
      %get3A_102 = arith.constant 1 : index
      %get3A_103 = arith.constant 0 : index
      %get3A_104 = vector.load %arg3[%get3A_102, %get3A_103] : memref<2x16xf32, #tpu.memory_space<vmem>>, vector<1x16xf32>
      %get3A_105 = vector.shape_cast %get3A_104 : vector<1x16xf32> to vector<16xf32>
      %mul3A_106 = arith.mulf %div3A_88, %mul3A_101 : vector<16xf32>
      %sub3A_107 = arith.subf %get3A_105, %mul3A_106 : vector<16xf32>
      %swap3A_108 = arith.constant 0 : index
      %swap3A_109 = arith.constant 0 : index
      %swap3A_110 = vector.load %arg11[%swap3A_108, %swap3A_109] : memref<2x16xf32, #tpu.memory_space<vmem>>, vector<1x16xf32>
      %swap3A_111 = vector.shape_cast %swap3A_110 : vector<1x16xf32> to vector<16xf32>
      %swap3A_112 = vector.shape_cast %mul3A_101 : vector<16xf32> to vector<1x16xf32>
      tpu.vector_store %arg11[%swap3A_108, %swap3A_109], %swap3A_112 {strides = array<i32>} : memref<2x16xf32, #tpu.memory_space<vmem>>, vector<1x16xf32>,
      %swap3A_113 = arith.constant 1 : index
      %swap3A_114 = arith.constant 0 : index
      %swap3A_115 = vector.load %arg11[%swap3A_113, %swap3A_114] : memref<2x16xf32, #tpu.memory_space<vmem>>, vector<1x16xf32>
      %swap3A_116 = vector.shape_cast %swap3A_115 : vector<1x16xf32> to vector<16xf32>
      %swap3A_117 = vector.shape_cast %sub3A_107 : vector<16xf32> to vector<1x16xf32>
      tpu.vector_store %arg11[%swap3A_113, %swap3A_114], %swap3A_117 {strides = array<i32>} : memref<2x16xf32, #tpu.memory_space<vmem>>, vector<1x16xf32>,
    } else {
    }
    %get3A = arith.constant 0 : index
    %get3A_2 = arith.constant 0 : index
    %get3A_3 = arith.constant 0 : index
    %get3A_4 = vector.load %arg1[%get3A, %get3A_2, %get3A_3] : memref<2x1024x16xf32, #tpu.memory_space<vmem>>, vector<1x1024x16xf32>
    %get3A_5 = vector.shape_cast %get3A_4 : vector<1x1024x16xf32> to vector<1024x16xf32>
    %get3A_6 = arith.constant 1 : index
    %get3A_7 = arith.constant 0 : index
    %get3A_8 = arith.constant 0 : index
    %get3A_9 = vector.load %arg1[%get3A_6, %get3A_7, %get3A_8] : memref<2x1024x16xf32, #tpu.memory_space<vmem>>, vector<1x1024x16xf32>
    %get3A_10 = vector.shape_cast %get3A_9 : vector<1x1024x16xf32> to vector<1024x16xf32>
    %add3A = arith.addf %get3A_5, %get3A_10 : vector<1024x16xf32>
    %get3A_11 = arith.constant 0 : index
    %get3A_12 = arith.constant 0 : index
    %get3A_13 = vector.load %arg11[%get3A_11, %get3A_12] : memref<2x16xf32, #tpu.memory_space<vmem>>, vector<1x16xf32>
    %get3A_14 = vector.shape_cast %get3A_13 : vector<1x16xf32> to vector<16xf32>
    %broadcast_in_dim3A = vector.shape_cast %get3A_14 : vector<16xf32> to vector<1x16xf32>
    %mul3A = vector.broadcast %broadcast_in_dim3A : vector<1x16xf32> to vector<1024x16xf32>
    %mul3A_15 = arith.mulf %add3A, %mul3A : vector<1024x16xf32>
    %get3A_16 = arith.constant 1 : index
    %get3A_17 = arith.constant 0 : index
    %get3A_18 = vector.load %arg11[%get3A_16, %get3A_17] : memref<2x16xf32, #tpu.memory_space<vmem>>, vector<1x16xf32>
    %get3A_19 = vector.shape_cast %get3A_18 : vector<1x16xf32> to vector<16xf32>
    %broadcast_in_dim3A_20 = vector.shape_cast %get3A_19 : vector<16xf32> to vector<1x16xf32>
    %add3A_21 = vector.broadcast %broadcast_in_dim3A_20 : vector<1x16xf32> to vector<1024x16xf32>
    %add3A_22 = arith.addf %mul3A_15, %add3A_21 : vector<1024x16xf32>
    %max3A = arith.constant 0.000000e+00 : f32
    %max3A_23 = vector.broadcast %max3A : f32 to vector<1024x16xf32>
    %max3A_24 = arith.maximumf %add3A_22, %max3A_23 : vector<1024x16xf32>
    %get3A_25 = arith.constant 0 : index
    %get3A_26 = arith.constant 0 : index
    %get3A_27 = arith.constant 0 : index
    %get3A_28 = vector.load %arg6[%get3A_25, %get3A_26, %get3A_27] : memref<2x1024x8xf32, #tpu.memory_space<vmem>>, vector<1x1024x8xf32>
    %get3A_29 = vector.shape_cast %get3A_28 : vector<1x1024x8xf32> to vector<1024x8xf32>
    %get3A_30 = arith.constant 1 : index
    %get3A_31 = arith.constant 0 : index
    %get3A_32 = arith.constant 0 : index
    %get3A_33 = vector.load %arg6[%get3A_30, %get3A_31, %get3A_32] : memref<2x1024x8xf32, #tpu.memory_space<vmem>>, vector<1x1024x8xf32>
    %get3A_34 = vector.shape_cast %get3A_33 : vector<1x1024x8xf32> to vector<1024x8xf32>
    %add3A_35 = arith.addf %get3A_29, %get3A_34 : vector<1024x8xf32>
    %get3A_36 = arith.constant 0 : index
    %get3A_37 = arith.constant 0 : index
    %get3A_38 = vector.load %arg7[%get3A_36, %get3A_37] : memref<2x8xf32, #tpu.memory_space<vmem>>, vector<1x8xf32>
    %get3A_39 = vector.shape_cast %get3A_38 : vector<1x8xf32> to vector<8xf32>
    %broadcast_in_dim3A_40 = vector.shape_cast %get3A_39 : vector<8xf32> to vector<1x8xf32>
    %mul3A_41 = vector.broadcast %broadcast_in_dim3A_40 : vector<1x8xf32> to vector<1024x8xf32>
    %mul3A_42 = arith.mulf %add3A_35, %mul3A_41 : vector<1024x8xf32>
    %get3A_43 = arith.constant 1 : index
    %get3A_44 = arith.constant 0 : index
    %get3A_45 = vector.load %arg7[%get3A_43, %get3A_44] : memref<2x8xf32, #tpu.memory_space<vmem>>, vector<1x8xf32>
    %get3A_46 = vector.shape_cast %get3A_45 : vector<1x8xf32> to vector<8xf32>
    %broadcast_in_dim3A_47 = vector.shape_cast %get3A_46 : vector<8xf32> to vector<1x8xf32>
    %add3A_48 = vector.broadcast %broadcast_in_dim3A_47 : vector<1x8xf32> to vector<1024x8xf32>
    %add3A_49 = arith.addf %mul3A_42, %add3A_48 : vector<1024x8xf32>
    %get3A_50 = arith.constant 0 : index
    %get3A_51 = arith.constant 0 : index
    %get3A_52 = vector.load %arg8[%get3A_50, %get3A_51] : memref<16x128xf32, #tpu.memory_space<vmem>>, vector<16x128xf32>
    %dot_general3A = arith.constant dense<0.000000e+00> : vector<1024x128xf32>
    %dot_general3A_53 = tpu.matmul %max3A_24, %get3A_52, %dot_general3A {dimension_numbers = #tpu.dot_dimension_numbers<[1], [0], [0], [1], [0, 0, 1, 1], [], []>, transpose_lhs_hint = false} : vector<1024x16xf32>, vector<16x128xf32>, vector<1024x128xf32> -> vector<1024x128xf32>
    %get3A_54 = arith.constant 0 : index
    %get3A_55 = arith.constant 0 : index
    %get3A_56 = vector.load %arg9[%get3A_54, %get3A_55] : memref<8x128xf32, #tpu.memory_space<vmem>>, vector<8x128xf32>
    %dot_general3A_57 = arith.constant dense<0.000000e+00> : vector<1024x128xf32>
    %dot_general3A_58 = tpu.matmul %add3A_49, %get3A_56, %dot_general3A_57 {dimension_numbers = #tpu.dot_dimension_numbers<[1], [0], [0], [1], [0, 0, 1, 1], [], []>, transpose_lhs_hint = false} : vector<1024x8xf32>, vector<8x128xf32>, vector<1024x128xf32> -> vector<1024x128xf32>
    %add3A_59 = arith.addf %dot_general3A_53, %dot_general3A_58 : vector<1024x128xf32>
    %swap3A = arith.constant 0 : index
    %swap3A_60 = arith.constant 0 : index
    %swap3A_61 = vector.load %arg10[%swap3A, %swap3A_60] : memref<1024x128xf32, #tpu.memory_space<vmem>>, vector<1024x128xf32>
    tpu.vector_store %arg10[%swap3A, %swap3A_60], %add3A_59 {strides = array<i32>} : memref<1024x128xf32, #tpu.memory_space<vmem>>, vector<1024x128xf32>,
    return
  }
  func.func @transform_0(%arg0: i32) -> (i32, i32, i32) {
    %c0_i32 = arith.constant 0 : i32
    %c0_i32_0 = arith.constant 0 : i32
    %c0_i32_1 = arith.constant 0 : i32
    return %c0_i32, %arg0, %c0_i32_0 : i32, i32, i32
  }
  func.func @transform_1(%arg0: i32) -> (i32, i32, i32) {
    %c0_i32 = arith.constant 0 : i32
    %c0_i32_0 = arith.constant 0 : i32
    %c0_i32_1 = arith.constant 0 : i32
    %c0_i32_2 = arith.constant 0 : i32
    return %c0_i32, %c0_i32_0, %c0_i32_1 : i32, i32, i32
  }
  func.func @transform_2(%arg0: i32) -> (i32, i32) {
    %c0_i32 = arith.constant 0 : i32
    %c0_i32_0 = arith.constant 0 : i32
    %c0_i32_1 = arith.constant 0 : i32
    return %c0_i32, %c0_i32_0 : i32, i32
  }
  func.func @transform_3(%arg0: i32) -> (i32, i32) {
    %c0_i32 = arith.constant 0 : i32
    %c0_i32_0 = arith.constant 0 : i32
    %c0_i32_1 = arith.constant 0 : i32
    return %c0_i32, %c0_i32_0 : i32, i32
  }
  func.func @transform_4(%arg0: i32) -> (i32, i32) {
    %c0_i32 = arith.constant 0 : i32
    %c0_i32_0 = arith.constant 0 : i32
    %c0_i32_1 = arith.constant 0 : i32
    return %c0_i32, %c0_i32_0 : i32, i32
  }
  func.func @transform_5(%arg0: i32) -> (i32, i32, i32) {
    %c0_i32 = arith.constant 0 : i32
    %c0_i32_0 = arith.constant 0 : i32
    %c0_i32_1 = arith.constant 0 : i32
    return %c0_i32, %arg0, %c0_i32_0 : i32, i32, i32
  }
  func.func @transform_6(%arg0: i32) -> (i32, i32) {
    %c0_i32 = arith.constant 0 : i32
    %c0_i32_0 = arith.constant 0 : i32
    %c0_i32_1 = arith.constant 0 : i32
    return %c0_i32, %c0_i32_0 : i32, i32
  }
  func.func @transform_7(%arg0: i32) -> (i32, i32) {
    %c0_i32 = arith.constant 0 : i32
    %c0_i32_0 = arith.constant 0 : i32
    %c0_i32_1 = arith.constant 0 : i32
    return %c0_i32, %c0_i32_0 : i32, i32
  }
  func.func @transform_8(%arg0: i32) -> (i32, i32) {
    %c0_i32 = arith.constant 0 : i32
    %c0_i32_0 = arith.constant 0 : i32
    %c0_i32_1 = arith.constant 0 : i32
    return %c0_i32, %c0_i32_0 : i32, i32
  }
  func.func @transform_9(%arg0: i32) -> (i32, i32) {
    %c0_i32 = arith.constant 0 : i32
    %c0_i32_0 = arith.constant 0 : i32
    return %arg0, %c0_i32 : i32, i32
  }
}

</mosaic_0001>

<sc_bundles>
// kernel: kernel.14.cloned.1.call-start
scs
__scs_entry_jumppad:
0x0: {  	(pc) =	sbr.rel $0x88, $3  }
0x1: {  	(tag) =	ssettag $0x0;
	lr =	simm.s32 $0x1  }
0x2: {  	[smem:$0x3F7E] =	sst lr;
	_ =	strace $0xD0000000  }
0x3: {  	_ = 	snop  }
0x4: {  	_ = 	snop  }
0x5: {  	_ = 	snop  }
0x6: {  	_ = 	snop  }
0x7: {  	_ = 	snop  }
__scs_overlays_trampoline_lowered:
0x8: {  	[smem:$0x3F8D] =	sst s0  }
0x9: {  	[smem:$0x3F8E] =	sst s1  }
0xa: {  	[smem:$0x3F8F] =	sst s2  }
0xb: {  	[smem:$0x3F90] =	sst s3  }
0xc: {  	[smem:$0x3F91] =	sst s4  }
0xd: {  	[smem:$0x3F92] =	sst s5  }
0xe: {  	[smem:$0x3F93] =	sst s6  }
0xf: {  	[smem:$0x3F94] =	sst s7  }
0x10: {  	[smem:$0x3F95] =	sst s8  }
0x11: {  	[smem:$0x3F96] =	sst s9;
	s0 =	simm.s32 @!p0 $0x0  }
0x12: {  	s1 =	sld [smem:$0x3F7C];
	s0 =	simm.s32 @p0 $0x1  }
0x13: {  	[smem:$0x3F97] =	sst s0;
	s0 =	simm.s32 @!p1 $0x0  }
0x14: {  	s2 =	sld [smem:$0x3F7B];
	s0 =	simm.s32 @p1 $0x1  }
0x15: {  	[smem:$0x3F98] =	sst s0;
	s0 =	simm.s32 @!p2 $0x0  }
0x16: {  	s3 =	sld [smem:$0x3FDB];
	s0 =	simm.s32 @p2 $0x1  }
0x17: {  	s4 =	simm.s32 $0x1BF5;
	[smem:$0x3F9A] =	sst s0  }
0x18: {  	s0 =	sld [smem:$0x3F7D];
	_ =	swait.ge [sflag:s4], $0x0  }
0x19: {  	s7 =	sld [smem:$0x3F7E]  }
0x1a: {  	s8 =	sadd.s32 $0xFFFFE003, lr  }
0x1b: {  	s9 =	sadd.s32 $0xFFFFFEF7, lr;
	s5 =	simm.s32 $0xFFFFFFFF;
	p2 =	slt.u32 s8, $0xFFFFF086  }
0x1c: {  	p1 =	slt.u32 s9, $0xF7A;
	s5 =	simm.s32 @!p2 $0x0  }
0x1d: {  	s5 =	simm.s32 @p1 $0x1;
	p0 =	seq.s32 s7, s2  }
0x1e: {  	s7 =	smul.u32 @!p0 $0xF7A, s2;
	p2 =	seq.s32 @!p0 s5, $0x0  }
0x1f: {  	s9 =	smul.u32 $0xF7A, s1;
	s8 =	simm.s32 @!p0 $0x1BF5;
	p2 =	por !p2, p0  }
0x20: {  	[sflag:s8] =	ssyncset.s32 @!p0 $0xFFFFF086;
	s6 =	sadd.s32 @!p0 s3, s7;
	s7 =	simm.s32 @!p0 $0x108  }
0x21: {  	s3 =	sadd.s32 s3, s9;
	s6 =	sadd.s32 @!p0 $0x88, s6;
	s7 =	simm.s32 @p2 $0x1082  }
0x22: {  	[simem:s7], [sflag:s8] =	dma.local @!p0 [hbm:s6], $0xF7A  }
0x23: {  	s9 =	sor.u32 $0xD0000000, s2;
	s6 =	simm.s32 $0x108;
	_ =	swait.ge @!p0 [sflag:s8], $0x0  }
0x24: {  	s3 =	sadd.s32 $0x88, s3;
	s6 =	simm.s32 @!p1 $0x1082;
	[sflag:s4] =	ssyncset.s32 $0xFFFFF086  }
0x25: {  	[simem:s6], [sflag:s4] =	dma.local [hbm:s3], $0xF7A  }
0x26: {  	[smem:$0x3F7E] =	sst s1;
	(tag) =	ssettag s2;
	_ =	strace s9  }
0x27: {  	s1 =	sld [smem:$0x3F8E]  }
0x28: {  	s2 =	sld [smem:$0x3F8F]  }
0x29: {  	s4 =	sld [smem:$0x3F91]  }
0x2a: {  	p0 =	seq.s32 s5, $0x0;
	s5 =	sld [smem:$0x3F92]  }
0x2b: {  	s6 =	sld [smem:$0x3F93]  }
0x2c: {  	s7 =	sld [smem:$0x3F94]  }
0x2d: {  	s3 =	simm.s32 $0x108;
	s8 =	sld [smem:$0x3F95]  }
0x2e: {  	s3 =	simm.s32 @!p0 $0x1082;
	s9 =	sld [smem:$0x3F96]  }
0x2f: {  	lr =	sadd.s32 s0, s3;
	s0 =	sld [smem:$0x3F8D]  }
0x30: {  	s3 =	sld [smem:$0x3F90]  }
0x31: {  	[smem:$0x3F99] =	sst s10  }
0x32: {  	s10 =	sld [smem:$0x3F97];
	_ =	sdelay $0x3  }
0x33: {  	p0 =	seq.s32 s10, $0x1;
	s10 =	sld [smem:$0x3F99];
	_ =	sdelay $0x3  }
0x34: {  	[smem:$0x3F99] =	sst s10  }
0x35: {  	s10 =	sld [smem:$0x3F98];
	_ =	sdelay $0x3  }
0x36: {  	p1 =	seq.s32 s10, $0x1;
	s10 =	sld [smem:$0x3F99];
	_ =	sdelay $0x3  }
0x37: {  	[smem:$0x3F99] =	sst s10  }
0x38: {  	s10 =	sld [smem:$0x3F9A]  }
0x39: {  	_ = 	snop;
	(pc) =	sbr.ind lr, $3  }
0x3a: {  	_ = 	snop  }
0x3b: {  	_ = 	snop  }
0x3c: {  	p2 =	seq.s32 s10, $0x1;
	s10 =	sld [smem:$0x3F99]  }
0x3d: {  	_ =	shalt  }
0x3e: {  	_ =	shalt  }
0x3f: {  	_ =	shalt  }
0x40: {  	_ =	shalt  }
0x41: {  	_ =	shalt  }
0x42: {  	_ =	shalt  }
0x43: {  	_ =	shalt  }
0x44: {  	_ =	shalt  }
0x45: {  	_ =	shalt  }
0x46: {  	_ =	shalt  }
0x47: {  	_ =	shalt  }
0x48: {  	_ =	shalt  }
0x49: {  	_ =	shalt  }
0x4a: {  	_ =	shalt  }
0x4b: {  	_ =	shalt  }
0x4c: {  	_ =	shalt  }
0x4d: {  	_ =	shalt  }
0x4e: {  	_ =	shalt  }
0x4f: {  	_ =	shalt  }
0x50: {  	_ =	shalt  }
0x51: {  	_ =	shalt  }
0x52: {  	_ =	shalt  }
0x53: {  	_ =	shalt  }
0x54: {  	_ =	shalt  }
0x55: {  	_ =	shalt  }
0x56: {  	_ =	shalt  }
0x57: {  	_ =	shalt  }
0x58: {  	_ =	shalt  }
0x59: {  	_ =	shalt  }
0x5a: {  	_ =	shalt  }
0x5b: {  	_ =	shalt  }
0x5c: {  	_ =	shalt  }
0x5d: {  	_ =	shalt  }
0x5e: {  	_ =	shalt  }
0x5f: {  	_ =	shalt  }
0x60: {  	_ =	shalt  }
0x61: {  	_ =	shalt  }
0x62: {  	_ =	shalt  }
0x63: {  	_ =	shalt  }
0x64: {  	_ =	shalt  }
0x65: {  	_ =	shalt  }
0x66: {  	_ =	shalt  }
0x67: {  	_ =	shalt  }
0x68: {  	_ =	shalt  }
0x69: {  	_ =	shalt  }
0x6a: {  	_ =	shalt  }
0x6b: {  	_ =	shalt  }
0x6c: {  	_ =	shalt  }
0x6d: {  	_ =	shalt  }
0x6e: {  	_ =	shalt  }
0x6f: {  	_ =	shalt  }
0x70: {  	_ =	shalt  }
0x71: {  	_ =	shalt  }
0x72: {  	_ =	shalt  }
0x73: {  	_ =	shalt  }
0x74: {  	_ =	shalt  }
0x75: {  	_ =	shalt  }
0x76: {  	_ =	shalt  }
0x77: {  	_ =	shalt  }
0x78: {  	_ =	shalt  }
0x79: {  	_ =	shalt  }
0x7a: {  	_ =	shalt  }
0x7b: {  	_ =	shalt  }
0x7c: {  	_ =	shalt  }
0x7d: {  	_ =	shalt  }
0x7e: {  	_ =	shalt  }
0x7f: {  	_ =	shalt  }
0x80: {  	_ =	shalt  }
0x81: {  	_ =	shalt  }
0x82: {  	_ =	shalt  }
0x83: {  	_ =	shalt  }
0x84: {  	_ =	shalt  }
0x85: {  	_ =	shalt  }
0x86: {  	_ =	shalt  }
0x87: {  	_ =	shalt  }
.Lfunc_end0:
.L_simem_size_0:
called_computation_lowered:
.L_overlay_start_0:
0x88: {  	s2 =	sld [smem:$0x3FD9]  }
0x89: {  	s3 =	sld [smem:$0x3FFE];
	_ =	sdelay $0x1  }
0x8a: {  	s1 =	srdreg.scid  }
0x8b: {  	s0 =	sand.u32 $0x1, s1  }
0x8c: {  	s17 =	sshll.u32 s0, $0xA;
	s2 =	sadd.s32 s3, s2  }
0x8d: {  	s2 =	sadd.s32 s2, s17  }
0x8e: {  	[smem:$0x3FA5] =	sst s2  }
0x8f: {  	_ = 	snop  }
0x90: {  	s2 =	sld [smem:$0x3FD0];
	(tm) =	ssettm $0x1  }
0x91: {  	s18 =	sld [smem:$0x3FFB];
	_ =	sdelay $0x3  }
0x92: {  	_ =	strace s18  }
0x93: {  	s3 =	sld [smem:$0x3FFC];
	_ =	sdelay $0x3  }
0x94: {  	_ =	strace s3  }
0x95: {  	s3 =	sld [smem:$0x3FFD];
	_ =	sdelay $0x3  }
0x96: {  	_ =	strace s3  }
0x97: {  	_ =	strace $0x8FFFFFFF  }
0x98: {  	s19 =	sld [smem:$0x3FDB];
	_ =	sdelay $0x1  }
0x99: {  	s4 =	simm.s32 $_scs_section_size  }
0x9a: {  	s5 =	simm.s32 $_size__tile_overlayer_lowered;
	s6 =	simm.s32 $_tile_overlayer_lowered  }
0x9b: {  	s22 =	simm.s32 $0x1BFF;
	s21 =	sshll.u32 s6, $0x1;
	s3 =	sadd.s32 s4, s19  }
0x9c: {  	s7 =	simm.s32 $0x0;
	s20 =	sshll.u32 s5, $0x1;
	s5 =	sadd.s32 s21, s3  }
0x9d: {  	[timem:s7], [sflag:s22] =	dma.local [hbm:s5], s20  }
0x9e: {  	_ =	swait.ge [sflag:s22], s20  }
0x9f: {  	s4 =	ssub.s32 $0x0, s20;
	[sflag:s22] =	ssyncset.done $0x0  }
0xa0: {  	[sflag:s22] =	ssyncadd.s32 s4;
	_ =	sdelay $0x1  }
0xa1: {  	s23 =	simm.s32 $0x1B8B  }
0xa2: {  	_ =	swait.ge [sflag:s23], $0x1  }
0xa3: {  	[sflag:s23] =	ssyncset.done $0x0  }
0xa4: {  	s25 =	simm.s32 $0x1B8E;
	s24 =	sld [smem:$0x3FFE];
	[sflag:s23] =	ssyncadd.s32 $0xFFFFFFFF  }
0xa5: {  	s26 =	simm.s32 $execute0_lowered;
	[smem:$0x3FD2] =	sst s25  }
0xa6: {  	s5 =	sshll.u32 s26, $0x1;
	_ =	strace $0x80000046;
	[dreg:$0x1] =	wrdreg $0xFFFFFFFF  }
0xa7: {  	s28 =	simm.s32 $_size_execute0_lowered;
	s3 =	sadd.s32 s3, s5;
	[dreg:$0x0] =	wrdreg $0x0  }
0xa8: {  	s5 =	sshll.u32 s28, $0x1;
	[dreg:$0x2] =	wrdreg s3  }
0xa9: {  	[dreg:$0x3] =	wrdreg s5  }
0xaa: {  	[dreg:$0x4] =	wrdreg $0xC0  }
0xab: {  	_ =	task [dreg:s7], $0x5FFFF  }
0xac: {  	[dreg:$0x1] =	wrdreg $0xFFFFFFFF  }
0xad: {  	[dreg:$0x0] =	wrdreg $0x60  }
0xae: {  	[dreg:$0x2] =	wrdreg s24  }
0xaf: {  	[dreg:$0x3] =	wrdreg s2  }
0xb0: {  	[dreg:$0x4] =	wrdreg $0x28000  }
0xb1: {  	[dreg:$0x5] =	wrdreg $0x9  }
0xb2: {  	_ =	task.clear_ibuf [dreg:s7], $0x6FFFF;
	_ =	strace $0x90000046  }
0xb3: {  	s29 =	simm.s32 $0x9;
	_ =	strace $0x80000048  }
0xb4: {  	_ =	swait.ge [sflag:s29], $0x1  }
0xb5: {  	[sflag:s29] =	ssyncadd.s32 $0xFFFFFFFF  }
0xb6: {  	_ =	strace $0x90000048  }
0xb7: {  	_ =	sfence  }
0xb8: {  	s30 =	sld [smem:$0x0];
	_ =	sdelay $0x2  }
0xb9: {  	s31 =	sshll.u32 s1, $0xD;
	s1 =	sshrl.u32 s1, $0x2  }
0xba: {  	s3 =	sand.u32 $0x4000, s31;
	s1 =	sadd.s32 s1, s30  }
0xbb: {  	s0 =	sor.u32 s3, s0;
	s1 =	sshll.u32 s1, $0x11  }
0xbc: {  	s0 =	sor.u32 s1, s0  }
0xbd: {  	s0 =	sadd.s32 $0x8F2B, s0  }
0xbe: {  	[sflag:s0] =	ssyncadd.remote.s32 $0x1  }
0xbf: {  	_ =	sfence.sel $0xFFFF  }
0xc0: {  	[dreg:$0x0] =	wrdreg $0xFFFFFFFF;
	(pc) =	sbr.abs _section_cstart, $3  }
0xc1: {  	[dreg:$0x1] =	wrdreg $0xFFFFFFFF  }
0xc2: {  	_ =	task.clear_ibuf [dreg:s7], $0x2FFFF;
	_ =	strace $0x9FFFFFFF  }
0xc3: {  	(tm) =	ssettm $0x7FFFFFFF  }
tec
execute0_lowered:
.L_overlay_start_1:
0x0: {  	(tag) =	ssettag $0x1  }
0x1: {  	s5 =	rddreg [dreg:$0x0];
	s1 =	srdreg.scid  }
0x2: {  	s0 =	stileid.u32;
	s7 =	rddreg [dreg:$0x1]  }
0x3: {  	s2 =	rddreg [dreg:$0x2];
	s3 =	simm.s32 $0x0;
	s13 =	simm.s32 $0x400  }
0x4: {  	s14 =	simm.s32 $0x800;
	s15 =	simm.s32 $0x1;
	s4 =	smul.u32 $0x4800, s0  }
0x5: {  	s6 =	sand.u32 $0x1, s1;
	s1 =	rddreg [dreg:$0x3];
	s29 =	smul.u32 $0x6200, s0  }
0x6: {  	s16 =	simm.s32 $0x0;
	[smem:$0x7FF] =	sst s3;
	s8 =	smul.u32 $0x2400, s6  }
0x7: {  	s31 =	sshll.u32 s0, $0x6;
	s10 =	smul.u32 $0x62000, s6;
	s6 =	ssub.s32 $0x2, s6  }
0x8: {  	_ =	strace $0x80000047;
	s30 =	sshrl.u32 s6, $0x1;
	s4 =	sadd.s32 s8, s4  }
0x9: {  	s12 =	sadd.s32 s29, s2;
	s10 =	sadd.s32 s29, s10;
	s9 =	sshrl.u32 s4, $0x3  }
0xa: {  	s4 =	sadd.s32 $0x250600, s5;
	s10 =	sshrl.u32 s10, $0x3;
	s11 =	sadd.s32 s9, s5  }
0xb: {  	s5 =	sadd.s32 $0x16600, s5;
	s9 =	ssub.s32 s6, s30;
	s6 =	sor.u32 $0x1C02, s31  }
0xc: {  	s7 =	sadd.s32 s7, s10;
	s8 =	smax.u32 s9, $0x1;
	s9 =	sadd.s32 $0xD600, s11  }
0xd: {  	s10 =	sadd.s32 $0x4600, s11;
	s11 =	sshrl.u32 s12, $0x3;
	s12 =	simm.s32 $0x2  }
.LBB2_1:
0xe: {  	[spmem:s11], [sflag:s6] =	dma.local [hbm:s5], $0xC40  }
0xf: {  	_ =	swait.ge [sflag:s12], $0xC40  }
0x10: {  	[sflag:s12] =	ssyncset.done $0x0  }
0x11: {  	[sflag:s12] =	ssyncadd.s32 $0xFFFFF3C0  }
0x12: {  	s17 =	sadd.s32 $0x0, s10;
	[bflag:$0x0] =	sbarrier.arrive $0xFFFF  }
0x13: {  	[tilespmem:s3], [sflag:$0x2] =	stream.linear.gather [hbm4b:s17+s3], $0x400, $0x38;
	[tilespmem:$0x8A00] =	vst v63  }
0x14: {  	_ =	swait.ge [sflag:s12], $0x400  }
0x15: {  	[sflag:s12] =	ssyncset.done $0x0  }
0x16: {  	s31 =	sadd.s32 $0x0, s9;
	[sflag:s12] =	ssyncadd.s32 $0xFFFFFC00  }
0x17: {  	[tilespmem:s13], [sflag:$0x2] =	stream.linear.gather [hbm4b:s31+s3], $0x400, $0x38;
	[tilespmem:$0x8A00] =	vst v63  }
0x18: {  	_ =	swait.ge [sflag:s12], $0x400  }
0x19: {  	[sflag:s12] =	ssyncset.done $0x0  }
0x1a: {  	[sflag:s12] =	ssyncadd.s32 $0xFFFFFC00  }
0x1b: {  	[tilespmem:s14], [sflag:$0x1] =	stream.indirect.gather [hbm4b:s4+s13], $0x8, s3, s13, $0xb8;
	[tilespmem:$0x8A00] =	vst v63  }
0x1c: {  	_ =	swait.ge [sflag:s15], $0x2000  }
0x1d: {  	[sflag:s15] =	ssyncset.done $0x0  }
0x1e: {  	[sflag:s15] =	ssyncadd.s32 $0xFFFFE000  }
0x1f: {  	[spmem:s2] =	stream.indirect.scatter.add.f32 [tilespmem:s14], [sflag:$0x2], $0x8, s13, s13, $0xb8;
	[tilespmem:$0x8A00] =	vst v63  }
0x20: {  	_ =	swait.ge [sflag:s12], $0x2000  }
0x21: {  	s18 =	simm.s32 $0x100;
	s17 =	simm.s32 $0x80;
	[sflag:s12] =	ssyncset.done $0x0  }
.LBB2_2:
0x22: {  	s19 =	sadd.s32 s17, s10  }
0x23: {  	[sflag:s12] =	ssyncadd.s32 $0xFFFFE000;
	s20 =	smov.u32 s18;
	s21 =	sadd.s32 $0x80, s18  }
0x24: {  	[tilespmem:s3], [sflag:$0x2] =	stream.linear.gather [hbm4b:s19+s3], $0x400, $0x38;
	[tilespmem:$0x8A00] =	vst v63  }
0x25: {  	p0 =	sne.s32 s18, $0x400;
	_ =	swait.ge [sflag:s12], $0x400  }
0x26: {  	[sflag:s12] =	ssyncset.done $0x0  }
0x27: {  	s18 =	sadd.s32 s17, s9;
	s17 =	smov.u32 s20;
	[sflag:s12] =	ssyncadd.s32 $0xFFFFFC00  }
0x28: {  	[tilespmem:s13], [sflag:$0x2] =	stream.linear.gather [hbm4b:s18+s3], $0x400, $0x38;
	[tilespmem:$0x8A00] =	vst v63  }
0x29: {  	_ =	swait.ge [sflag:s12], $0x400  }
0x2a: {  	[sflag:s12] =	ssyncset.done $0x0  }
0x2b: {  	[sflag:s12] =	ssyncadd.s32 $0xFFFFFC00  }
0x2c: {  	[tilespmem:s14], [sflag:$0x1] =	stream.indirect.gather [hbm4b:s4+s13], $0x8, s3, s13, $0xb8;
	[tilespmem:$0x8A00] =	vst v63  }
0x2d: {  	_ =	swait.ge [sflag:s15], $0x2000  }
.Ltmp0:
0x2e: {  	[sflag:s15] =	ssyncset.done $0x0;
	(pc) =	sbr.rel @p0 .LBB2_2-.Ltmp0, $4  }
0x2f: {  	[sflag:s15] =	ssyncadd.s32 $0xFFFFE000  }
0x30: {  	[spmem:s2] =	stream.indirect.scatter.add.f32 [tilespmem:s14], [sflag:$0x2], $0x8, s13, s13, $0xb8;
	[tilespmem:$0x8A00] =	vst v63  }
0x31: {  	_ =	swait.ge [sflag:s12], $0x2000  }
0x32: {  	s18 =	smov.u32 s21;
	[sflag:s12] =	ssyncset.done $0x0  }
0x33: {  	s18 =	sadd.s32 s17, s10;
	[sflag:s12] =	ssyncadd.s32 $0xFFFFE000  }
0x34: {  	[tilespmem:s3], [sflag:$0x2] =	stream.linear.gather [hbm4b:s18+s3], $0x400, $0x38;
	[tilespmem:$0x8A00] =	vst v63  }
0x35: {  	_ =	swait.ge [sflag:s12], $0x400  }
0x36: {  	[sflag:s12] =	ssyncset.done $0x0  }
0x37: {  	s31 =	sadd.s32 s17, s9;
	[sflag:s12] =	ssyncadd.s32 $0xFFFFFC00  }
0x38: {  	[tilespmem:s13], [sflag:$0x2] =	stream.linear.gather [hbm4b:s31+s3], $0x400, $0x38;
	[tilespmem:$0x8A00] =	vst v63  }
0x39: {  	_ =	swait.ge [sflag:s12], $0x400  }
0x3a: {  	[sflag:s12] =	ssyncset.done $0x0  }
0x3b: {  	[sflag:s12] =	ssyncadd.s32 $0xFFFFFC00  }
0x3c: {  	[tilespmem:s14], [sflag:$0x1] =	stream.indirect.gather [hbm4b:s4+s13], $0x8, s3, s13, $0xb8;
	[tilespmem:$0x8A00] =	vst v63  }
0x3d: {  	_ =	swait.ge [sflag:s15], $0x2000  }
0x3e: {  	[sflag:s15] =	ssyncset.done $0x0  }
0x3f: {  	[sflag:s15] =	ssyncadd.s32 $0xFFFFE000  }
0x40: {  	[spmem:s2] =	stream.indirect.scatter.add.f32 [tilespmem:s14], [sflag:$0x2], $0x8, s13, s13, $0xb8;
	[tilespmem:$0x8A00] =	vst v63  }
0x41: {  	_ =	swait.ge [sflag:s12], $0x2000  }
0x42: {  	s16 =	sadd.s32 $0x1, s16;
	[sflag:s12] =	ssyncset.done $0x0  }
0x43: {  	p0 =	sne.s32 s16, s8;
	[sflag:s12] =	ssyncadd.s32 $0xFFFFE000  }
.Ltmp1:
0x44: {  	[bflag:$0x0] =	sbarrier.arrive $0xFFFF;
	(pc) =	sbr.rel @p0 .LBB2_1-.Ltmp1, $4  }
0x45: {  	[hbm:s7], [sflag:s6] =	dma.local [spmem:s11], $0xC40  }
0x46: {  	_ =	swait.ge [sflag:s12], $0xC40  }
0x47: {  	[sflag:s12] =	ssyncset.done $0x0  }
0x48: {  	[sflag:s12] =	ssyncadd.s32 $0xFFFFF3C0  }
0x49: {  	_ =	sfence.sel $0x180000  }
0x4a: {  	[bflag:$0x0] =	sbarrier.arrive $0xFFFF  }
0x4b: {  	p0 =	sne.s32 s0, $0x0;
	_ =	strace $0x90000047  }
0x4c: {  	s0 =	sadd.s32 @!p0 $0x100000, s1;
	[bflag:$0x2] =	sbarrier.arrive $0xFFFF  }
0x4d: {  	[sflag:s0] =	ssyncadd.tile.s32 @!p0 $0x1;
	_ =	shalt  }
.Lfunc_end2:
_tile_overlayer_lowered:
.L_overlay_start_2:
0x4e: {  	(tag) =	ssettag $0x2  }
0x4f: {  	s0 =	rddreg [dreg:$0x0];
	s2 =	stileid.u32  }
0x50: {  	s1 =	rddreg [dreg:$0x1];
	p0 =	sne.s32 s2, $0x0  }
0x51: {  	s3 =	rddreg [dreg:$0x2];
	[bflag:$0x3] =	sbarrier.arrive $0xFFFF;
	s2 =	simm.s32 @!p0 $0x1C02  }
0x52: {  	[timem:s3], [sflag:s2] =	dma.local @!p0 [hbm:s0], s1  }
0x53: {  	s0 =	simm.s32 @!p0 $0x2  }
0x54: {  	_ =	swait.ge @!p0 [sflag:s0], s1  }
0x55: {  	s1 =	ssub.s32 @!p0 $0x0, s1;
	[sflag:s0] =	ssyncset.done @!p0 $0x0  }
0x56: {  	[sflag:s0] =	ssyncadd.s32 @!p0 s1  }
0x57: {  	[bflag:$0x3] =	sbarrier.arrive $0xFFFF  }
0x58: {  	_ =	shalt  }

// kernel: kernel.17.cloned.1.call-start
scs
__scs_entry_jumppad:
0x0: {  	(pc) =	sbr.rel $0x88, $3  }
0x1: {  	(tag) =	ssettag $0x0;
	lr =	simm.s32 $0x1  }
0x2: {  	[smem:$0x3F7E] =	sst lr;
	_ =	strace $0xD0000000  }
0x3: {  	_ = 	snop  }
0x4: {  	_ = 	snop  }
0x5: {  	_ = 	snop  }
0x6: {  	_ = 	snop  }
0x7: {  	_ = 	snop  }
__scs_overlays_trampoline_lowered:
0x8: {  	[smem:$0x3F8D] =	sst s0  }
0x9: {  	[smem:$0x3F8E] =	sst s1  }
0xa: {  	[smem:$0x3F8F] =	sst s2  }
0xb: {  	[smem:$0x3F90] =	sst s3  }
0xc: {  	[smem:$0x3F91] =	sst s4  }
0xd: {  	[smem:$0x3F92] =	sst s5  }
0xe: {  	[smem:$0x3F93] =	sst s6  }
0xf: {  	[smem:$0x3F94] =	sst s7  }
0x10: {  	[smem:$0x3F95] =	sst s8  }
0x11: {  	[smem:$0x3F96] =	sst s9;
	s0 =	simm.s32 @!p0 $0x0  }
0x12: {  	s1 =	sld [smem:$0x3F7C];
	s0 =	simm.s32 @p0 $0x1  }
0x13: {  	[smem:$0x3F97] =	sst s0;
	s0 =	simm.s32 @!p1 $0x0  }
0x14: {  	s2 =	sld [smem:$0x3F7B];
	s0 =	simm.s32 @p1 $0x1  }
0x15: {  	[smem:$0x3F98] =	sst s0;
	s0 =	simm.s32 @!p2 $0x0  }
0x16: {  	s3 =	sld [smem:$0x3FDB];
	s0 =	simm.s32 @p2 $0x1  }
0x17: {  	s4 =	simm.s32 $0x1BF5;
	[smem:$0x3F9A] =	sst s0  }
0x18: {  	s0 =	sld [smem:$0x3F7D];
	_ =	swait.ge [sflag:s4], $0x0  }
0x19: {  	s7 =	sld [smem:$0x3F7E]  }
0x1a: {  	s8 =	sadd.s32 $0xFFFFE003, lr  }
0x1b: {  	s9 =	sadd.s32 $0xFFFFFEF7, lr;
	s5 =	simm.s32 $0xFFFFFFFF;
	p2 =	slt.u32 s8, $0xFFFFF086  }
0x1c: {  	p1 =	slt.u32 s9, $0xF7A;
	s5 =	simm.s32 @!p2 $0x0  }
0x1d: {  	s5 =	simm.s32 @p1 $0x1;
	p0 =	seq.s32 s7, s2  }
0x1e: {  	s7 =	smul.u32 @!p0 $0xF7A, s2;
	p2 =	seq.s32 @!p0 s5, $0x0  }
0x1f: {  	s9 =	smul.u32 $0xF7A, s1;
	s8 =	simm.s32 @!p0 $0x1BF5;
	p2 =	por !p2, p0  }
0x20: {  	[sflag:s8] =	ssyncset.s32 @!p0 $0xFFFFF086;
	s6 =	sadd.s32 @!p0 s3, s7;
	s7 =	simm.s32 @!p0 $0x108  }
0x21: {  	s3 =	sadd.s32 s3, s9;
	s6 =	sadd.s32 @!p0 $0x88, s6;
	s7 =	simm.s32 @p2 $0x1082  }
0x22: {  	[simem:s7], [sflag:s8] =	dma.local @!p0 [hbm:s6], $0xF7A  }
0x23: {  	s9 =	sor.u32 $0xD0000000, s2;
	s6 =	simm.s32 $0x108;
	_ =	swait.ge @!p0 [sflag:s8], $0x0  }
0x24: {  	s3 =	sadd.s32 $0x88, s3;
	s6 =	simm.s32 @!p1 $0x1082;
	[sflag:s4] =	ssyncset.s32 $0xFFFFF086  }
0x25: {  	[simem:s6], [sflag:s4] =	dma.local [hbm:s3], $0xF7A  }
0x26: {  	[smem:$0x3F7E] =	sst s1;
	(tag) =	ssettag s2;
	_ =	strace s9  }
0x27: {  	s1 =	sld [smem:$0x3F8E]  }
0x28: {  	s2 =	sld [smem:$0x3F8F]  }
0x29: {  	s4 =	sld [smem:$0x3F91]  }
0x2a: {  	p0 =	seq.s32 s5, $0x0;
	s5 =	sld [smem:$0x3F92]  }
0x2b: {  	s6 =	sld [smem:$0x3F93]  }
0x2c: {  	s7 =	sld [smem:$0x3F94]  }
0x2d: {  	s3 =	simm.s32 $0x108;
	s8 =	sld [smem:$0x3F95]  }
0x2e: {  	s3 =	simm.s32 @!p0 $0x1082;
	s9 =	sld [smem:$0x3F96]  }
0x2f: {  	lr =	sadd.s32 s0, s3;
	s0 =	sld [smem:$0x3F8D]  }
0x30: {  	s3 =	sld [smem:$0x3F90]  }
0x31: {  	[smem:$0x3F99] =	sst s10  }
0x32: {  	s10 =	sld [smem:$0x3F97];
	_ =	sdelay $0x3  }
0x33: {  	p0 =	seq.s32 s10, $0x1;
	s10 =	sld [smem:$0x3F99];
	_ =	sdelay $0x3  }
0x34: {  	[smem:$0x3F99] =	sst s10  }
0x35: {  	s10 =	sld [smem:$0x3F98];
	_ =	sdelay $0x3  }
0x36: {  	p1 =	seq.s32 s10, $0x1;
	s10 =	sld [smem:$0x3F99];
	_ =	sdelay $0x3  }
0x37: {  	[smem:$0x3F99] =	sst s10  }
0x38: {  	s10 =	sld [smem:$0x3F9A]  }
0x39: {  	_ = 	snop;
	(pc) =	sbr.ind lr, $3  }
0x3a: {  	_ = 	snop  }
0x3b: {  	_ = 	snop  }
0x3c: {  	p2 =	seq.s32 s10, $0x1;
	s10 =	sld [smem:$0x3F99]  }
0x3d: {  	_ =	shalt  }
0x3e: {  	_ =	shalt  }
0x3f: {  	_ =	shalt  }
0x40: {  	_ =	shalt  }
0x41: {  	_ =	shalt  }
0x42: {  	_ =	shalt  }
0x43: {  	_ =	shalt  }
0x44: {  	_ =	shalt  }
0x45: {  	_ =	shalt  }
0x46: {  	_ =	shalt  }
0x47: {  	_ =	shalt  }
0x48: {  	_ =	shalt  }
0x49: {  	_ =	shalt  }
0x4a: {  	_ =	shalt  }
0x4b: {  	_ =	shalt  }
0x4c: {  	_ =	shalt  }
0x4d: {  	_ =	shalt  }
0x4e: {  	_ =	shalt  }
0x4f: {  	_ =	shalt  }
0x50: {  	_ =	shalt  }
0x51: {  	_ =	shalt  }
0x52: {  	_ =	shalt  }
0x53: {  	_ =	shalt  }
0x54: {  	_ =	shalt  }
0x55: {  	_ =	shalt  }
0x56: {  	_ =	shalt  }
0x57: {  	_ =	shalt  }
0x58: {  	_ =	shalt  }
0x59: {  	_ =	shalt  }
0x5a: {  	_ =	shalt  }
0x5b: {  	_ =	shalt  }
0x5c: {  	_ =	shalt  }
0x5d: {  	_ =	shalt  }
0x5e: {  	_ =	shalt  }
0x5f: {  	_ =	shalt  }
0x60: {  	_ =	shalt  }
0x61: {  	_ =	shalt  }
0x62: {  	_ =	shalt  }
0x63: {  	_ =	shalt  }
0x64: {  	_ =	shalt  }
0x65: {  	_ =	shalt  }
0x66: {  	_ =	shalt  }
0x67: {  	_ =	shalt  }
0x68: {  	_ =	shalt  }
0x69: {  	_ =	shalt  }
0x6a: {  	_ =	shalt  }
0x6b: {  	_ =	shalt  }
0x6c: {  	_ =	shalt  }
0x6d: {  	_ =	shalt  }
0x6e: {  	_ =	shalt  }
0x6f: {  	_ =	shalt  }
0x70: {  	_ =	shalt  }
0x71: {  	_ =	shalt  }
0x72: {  	_ =	shalt  }
0x73: {  	_ =	shalt  }
0x74: {  	_ =	shalt  }
0x75: {  	_ =	shalt  }
0x76: {  	_ =	shalt  }
0x77: {  	_ =	shalt  }
0x78: {  	_ =	shalt  }
0x79: {  	_ =	shalt  }
0x7a: {  	_ =	shalt  }
0x7b: {  	_ =	shalt  }
0x7c: {  	_ =	shalt  }
0x7d: {  	_ =	shalt  }
0x7e: {  	_ =	shalt  }
0x7f: {  	_ =	shalt  }
0x80: {  	_ =	shalt  }
0x81: {  	_ =	shalt  }
0x82: {  	_ =	shalt  }
0x83: {  	_ =	shalt  }
0x84: {  	_ =	shalt  }
0x85: {  	_ =	shalt  }
0x86: {  	_ =	shalt  }
0x87: {  	_ =	shalt  }
.Lfunc_end0:
.L_simem_size_0:
called_computation.1_lowered:
.L_overlay_start_0:
0x88: {  	s2 =	sld [smem:$0x3FD9]  }
0x89: {  	s3 =	sld [smem:$0x3FFE];
	_ =	sdelay $0x1  }
0x8a: {  	s1 =	srdreg.scid  }
0x8b: {  	s0 =	sand.u32 $0x1, s1  }
0x8c: {  	s17 =	sshll.u32 s0, $0xA;
	s2 =	sadd.s32 s3, s2  }
0x8d: {  	s2 =	sadd.s32 s2, s17  }
0x8e: {  	[smem:$0x3FA5] =	sst s2  }
0x8f: {  	_ = 	snop  }
0x90: {  	s2 =	sld [smem:$0x3FD0];
	(tm) =	ssettm $0x1  }
0x91: {  	s18 =	sld [smem:$0x3FFB];
	_ =	sdelay $0x3  }
0x92: {  	_ =	strace s18  }
0x93: {  	s3 =	sld [smem:$0x3FFC];
	_ =	sdelay $0x3  }
0x94: {  	_ =	strace s3  }
0x95: {  	s3 =	sld [smem:$0x3FFD];
	_ =	sdelay $0x3  }
0x96: {  	_ =	strace s3  }
0x97: {  	_ =	strace $0x8FFFFFFF  }
0x98: {  	s19 =	sld [smem:$0x3FDB];
	_ =	sdelay $0x1  }
0x99: {  	s4 =	simm.s32 $_scs_section_size  }
0x9a: {  	s5 =	simm.s32 $_size__tile_overlayer_lowered;
	s6 =	simm.s32 $_tile_overlayer_lowered  }
0x9b: {  	s22 =	simm.s32 $0x1BFF;
	s21 =	sshll.u32 s6, $0x1;
	s3 =	sadd.s32 s4, s19  }
0x9c: {  	s7 =	simm.s32 $0x0;
	s20 =	sshll.u32 s5, $0x1;
	s5 =	sadd.s32 s21, s3  }
0x9d: {  	[timem:s7], [sflag:s22] =	dma.local [hbm:s5], s20  }
0x9e: {  	_ =	swait.ge [sflag:s22], s20  }
0x9f: {  	s4 =	ssub.s32 $0x0, s20;
	[sflag:s22] =	ssyncset.done $0x0  }
0xa0: {  	[sflag:s22] =	ssyncadd.s32 s4;
	_ =	sdelay $0x1  }
0xa1: {  	s23 =	simm.s32 $0x1B8B  }
0xa2: {  	_ =	swait.ge [sflag:s23], $0x1  }
0xa3: {  	[sflag:s23] =	ssyncset.done $0x0  }
0xa4: {  	s25 =	simm.s32 $0x1B8E;
	s24 =	sld [smem:$0x3FFE];
	[sflag:s23] =	ssyncadd.s32 $0xFFFFFFFF  }
0xa5: {  	s26 =	simm.s32 $execute0_lowered;
	[smem:$0x3FD2] =	sst s25  }
0xa6: {  	s5 =	sshll.u32 s26, $0x1;
	_ =	strace $0x80000049;
	[dreg:$0x1] =	wrdreg $0xFFFFFFFF  }
0xa7: {  	s28 =	simm.s32 $_size_execute0_lowered;
	s3 =	sadd.s32 s3, s5;
	[dreg:$0x0] =	wrdreg $0x0  }
0xa8: {  	s5 =	sshll.u32 s28, $0x1;
	[dreg:$0x2] =	wrdreg s3  }
0xa9: {  	[dreg:$0x3] =	wrdreg s5  }
0xaa: {  	[dreg:$0x4] =	wrdreg $0xC0  }
0xab: {  	_ =	task [dreg:s7], $0x5FFFF  }
0xac: {  	[dreg:$0x1] =	wrdreg $0xFFFFFFFF  }
0xad: {  	[dreg:$0x0] =	wrdreg $0x60  }
0xae: {  	[dreg:$0x2] =	wrdreg s24  }
0xaf: {  	[dreg:$0x3] =	wrdreg s2  }
0xb0: {  	[dreg:$0x4] =	wrdreg $0x48000  }
0xb1: {  	[dreg:$0x5] =	wrdreg $0x9  }
0xb2: {  	_ =	task.clear_ibuf [dreg:s7], $0x6FFFF;
	_ =	strace $0x90000049  }
0xb3: {  	s29 =	simm.s32 $0x9;
	_ =	strace $0x8000004B  }
0xb4: {  	_ =	swait.ge [sflag:s29], $0x1  }
0xb5: {  	[sflag:s29] =	ssyncadd.s32 $0xFFFFFFFF  }
0xb6: {  	_ =	strace $0x9000004B  }
0xb7: {  	_ =	sfence  }
0xb8: {  	s30 =	sld [smem:$0x0];
	_ =	sdelay $0x2  }
0xb9: {  	s31 =	sshll.u32 s1, $0xD;
	s1 =	sshrl.u32 s1, $0x2  }
0xba: {  	s3 =	sand.u32 $0x4000, s31;
	s1 =	sadd.s32 s1, s30  }
0xbb: {  	s0 =	sor.u32 s3, s0;
	s1 =	sshll.u32 s1, $0x11  }
0xbc: {  	s0 =	sor.u32 s1, s0  }
0xbd: {  	s0 =	sadd.s32 $0x8F2B, s0  }
0xbe: {  	[sflag:s0] =	ssyncadd.remote.s32 $0x1  }
0xbf: {  	_ =	sfence.sel $0xFFFF  }
0xc0: {  	[dreg:$0x0] =	wrdreg $0xFFFFFFFF;
	(pc) =	sbr.abs _section_cstart, $3  }
0xc1: {  	[dreg:$0x1] =	wrdreg $0xFFFFFFFF  }
0xc2: {  	_ =	task.clear_ibuf [dreg:s7], $0x2FFFF;
	_ =	strace $0x9FFFFFFF  }
0xc3: {  	(tm) =	ssettm $0x7FFFFFFF  }
tec
execute0_lowered:
.L_overlay_start_1:
0x0: {  	(tag) =	ssettag $0x1  }
0x1: {  	s11 =	rddreg [dreg:$0x0]  }
0x2: {  	s22 =	rddreg [dreg:$0x1]  }
0x3: {  	s2 =	rddreg [dreg:$0x2]  }
0x4: {  	s0 =	rddreg [dreg:$0x3]  }
0x5: {  	s3 =	simm.s32 $0x0;
	s1 =	stileid.u32;
	s5 =	srdreg.scid  }
0x6: {  	[smem:$0x7FF] =	sst s3;
	s23 =	smul.u32 $0x6C00, s1;
	s4 =	sadd.s32 $0x4800, s11  }
0x7: {  	s24 =	sand.u32 $0x1, s5;
	s26 =	sshll.u32 s1, $0x1;
	s28 =	sshll.u32 s1, $0x6  }
0x8: {  	_ =	strace $0x8000004A;
	s8 =	sor.u32 s24, s26;
	s6 =	sadd.s32 s23, s2  }
0x9: {  	s5 =	sor.u32 $0x1C02, s28;
	s7 =	sshrl.u32 s6, $0x3;
	s6 =	simm.s32 $0x2  }
0xa: {  	[spmem:s7], [sflag:s5] =	dma.local [hbm:s4], $0xD80  }
0xb: {  	s8 =	smul.u32 $0x1400, s8;
	_ =	swait.ge [sflag:s6], $0xD80  }
0xc: {  	[sflag:s6] =	ssyncset.done $0x0  }
0xd: {  	s20 =	sadd.s32 $0x17600, s11;
	s25 =	sshrl.u32 s8, $0x3;
	[sflag:s6] =	ssyncadd.s32 $0xFFFFF280  }
0xe: {  	s8 =	sadd.s32 s20, s25;
	[bflag:$0x0] =	sbarrier.arrive $0xFFFF  }
0xf: {  	[tilespmem:s3], [sflag:$0x2] =	stream.linear.gather [hbm4b:s8+s3], $0x400, $0x38;
	[tilespmem:$0xB400] =	vst v63  }
0x10: {  	_ =	swait.ge [sflag:s6], $0x400  }
0x11: {  	s21 =	sadd.s32 $0x1C600, s11;
	[sflag:s6] =	ssyncset.done $0x0  }
0x12: {  	s10 =	simm.s32 $0x400;
	s9 =	sadd.s32 s21, s25;
	[sflag:s6] =	ssyncadd.s32 $0xFFFFFC00  }
0x13: {  	[tilespmem:s10], [sflag:$0x2] =	stream.linear.gather [hbm4b:s9+s3], $0x400, $0x38;
	[tilespmem:$0xB400] =	vst v63  }
0x14: {  	_ =	swait.ge [sflag:s6], $0x400  }
0x15: {  	s12 =	simm.s32 $0x800;
	[sflag:s6] =	ssyncset.done $0x0  }
0x16: {  	s13 =	simm.s32 $0x1;
	s11 =	sadd.s32 $0x4B9600, s11;
	[sflag:s6] =	ssyncadd.s32 $0xFFFFFC00  }
0x17: {  	[tilespmem:s12], [sflag:$0x1] =	stream.indirect.gather [hbm4b:s11+s10], $0x10, s3, s10, $0xb8;
	[tilespmem:$0xB400] =	vst v63  }
0x18: {  	_ =	swait.ge [sflag:s13], $0x4000  }
0x19: {  	[sflag:s13] =	ssyncset.done $0x0  }
0x1a: {  	[sflag:s13] =	ssyncadd.s32 $0xFFFFC000  }
0x1b: {  	[spmem:s2] =	stream.indirect.scatter.add.f32 [tilespmem:s12], [sflag:$0x2], $0x10, s10, s10, $0xb8;
	[tilespmem:$0xB400] =	vst v63  }
0x1c: {  	_ =	swait.ge [sflag:s6], $0x4000  }
0x1d: {  	s15 =	sadd.s32 $0x80, s25;
	[sflag:s6] =	ssyncset.done $0x0  }
0x1e: {  	s14 =	sadd.s32 s20, s15;
	[sflag:s6] =	ssyncadd.s32 $0xFFFFC000  }
0x1f: {  	[tilespmem:s3], [sflag:$0x2] =	stream.linear.gather [hbm4b:s14+s3], $0x400, $0x38;
	[tilespmem:$0xB400] =	vst v63  }
0x20: {  	_ =	swait.ge [sflag:s6], $0x400  }
0x21: {  	[sflag:s6] =	ssyncset.done $0x0  }
0x22: {  	s15 =	sadd.s32 s21, s15;
	[sflag:s6] =	ssyncadd.s32 $0xFFFFFC00  }
0x23: {  	[tilespmem:s10], [sflag:$0x2] =	stream.linear.gather [hbm4b:s15+s3], $0x400, $0x38;
	[tilespmem:$0xB400] =	vst v63  }
0x24: {  	_ =	swait.ge [sflag:s6], $0x400  }
0x25: {  	[sflag:s6] =	ssyncset.done $0x0  }
0x26: {  	[sflag:s6] =	ssyncadd.s32 $0xFFFFFC00  }
0x27: {  	[tilespmem:s12], [sflag:$0x1] =	stream.indirect.gather [hbm4b:s11+s10], $0x10, s3, s10, $0xb8;
	[tilespmem:$0xB400] =	vst v63  }
0x28: {  	_ =	swait.ge [sflag:s13], $0x4000  }
0x29: {  	[sflag:s13] =	ssyncset.done $0x0  }
0x2a: {  	[sflag:s13] =	ssyncadd.s32 $0xFFFFC000  }
0x2b: {  	[spmem:s2] =	stream.indirect.scatter.add.f32 [tilespmem:s12], [sflag:$0x2], $0x10, s10, s10, $0xb8;
	[tilespmem:$0xB400] =	vst v63  }
0x2c: {  	_ =	swait.ge [sflag:s6], $0x4000  }
0x2d: {  	s17 =	sadd.s32 $0x100, s25;
	[sflag:s6] =	ssyncset.done $0x0  }
0x2e: {  	s16 =	sadd.s32 s20, s17;
	[sflag:s6] =	ssyncadd.s32 $0xFFFFC000  }
0x2f: {  	[tilespmem:s3], [sflag:$0x2] =	stream.linear.gather [hbm4b:s16+s3], $0x400, $0x38;
	[tilespmem:$0xB400] =	vst v63  }
0x30: {  	_ =	swait.ge [sflag:s6], $0x400  }
0x31: {  	[sflag:s6] =	ssyncset.done $0x0  }
0x32: {  	s17 =	sadd.s32 s21, s17;
	[sflag:s6] =	ssyncadd.s32 $0xFFFFFC00  }
0x33: {  	[tilespmem:s10], [sflag:$0x2] =	stream.linear.gather [hbm4b:s17+s3], $0x400, $0x38;
	[tilespmem:$0xB400] =	vst v63  }
0x34: {  	_ =	swait.ge [sflag:s6], $0x400  }
0x35: {  	[sflag:s6] =	ssyncset.done $0x0  }
0x36: {  	[sflag:s6] =	ssyncadd.s32 $0xFFFFFC00  }
0x37: {  	[tilespmem:s12], [sflag:$0x1] =	stream.indirect.gather [hbm4b:s11+s10], $0x10, s3, s10, $0xb8;
	[tilespmem:$0xB400] =	vst v63  }
0x38: {  	_ =	swait.ge [sflag:s13], $0x4000  }
0x39: {  	[sflag:s13] =	ssyncset.done $0x0  }
0x3a: {  	[sflag:s13] =	ssyncadd.s32 $0xFFFFC000  }
0x3b: {  	[spmem:s2] =	stream.indirect.scatter.add.f32 [tilespmem:s12], [sflag:$0x2], $0x10, s10, s10, $0xb8;
	[tilespmem:$0xB400] =	vst v63  }
0x3c: {  	_ =	swait.ge [sflag:s6], $0x4000  }
0x3d: {  	s19 =	sadd.s32 $0x180, s25;
	[sflag:s6] =	ssyncset.done $0x0  }
0x3e: {  	s18 =	sadd.s32 s20, s19;
	[sflag:s6] =	ssyncadd.s32 $0xFFFFC000  }
0x3f: {  	[tilespmem:s3], [sflag:$0x2] =	stream.linear.gather [hbm4b:s18+s3], $0x400, $0x38;
	[tilespmem:$0xB400] =	vst v63  }
0x40: {  	_ =	swait.ge [sflag:s6], $0x400  }
0x41: {  	[sflag:s6] =	ssyncset.done $0x0  }
0x42: {  	s19 =	sadd.s32 s21, s19;
	[sflag:s6] =	ssyncadd.s32 $0xFFFFFC00  }
0x43: {  	[tilespmem:s10], [sflag:$0x2] =	stream.linear.gather [hbm4b:s19+s3], $0x400, $0x38;
	[tilespmem:$0xB400] =	vst v63  }
0x44: {  	_ =	swait.ge [sflag:s6], $0x400  }
0x45: {  	[sflag:s6] =	ssyncset.done $0x0  }
0x46: {  	[sflag:s6] =	ssyncadd.s32 $0xFFFFFC00  }
0x47: {  	[tilespmem:s12], [sflag:$0x1] =	stream.indirect.gather [hbm4b:s11+s10], $0x10, s3, s10, $0xb8;
	[tilespmem:$0xB400] =	vst v63  }
0x48: {  	_ =	swait.ge [sflag:s13], $0x4000  }
0x49: {  	[sflag:s13] =	ssyncset.done $0x0  }
0x4a: {  	[sflag:s13] =	ssyncadd.s32 $0xFFFFC000  }
0x4b: {  	[spmem:s2] =	stream.indirect.scatter.add.f32 [tilespmem:s12], [sflag:$0x2], $0x10, s10, s10, $0xb8;
	[tilespmem:$0xB400] =	vst v63  }
0x4c: {  	_ =	swait.ge [sflag:s6], $0x4000  }
0x4d: {  	s25 =	sadd.s32 $0x200, s25;
	[sflag:s6] =	ssyncset.done $0x0  }
0x4e: {  	s20 =	sadd.s32 s20, s25;
	[sflag:s6] =	ssyncadd.s32 $0xFFFFC000  }
0x4f: {  	[tilespmem:s3], [sflag:$0x2] =	stream.linear.gather [hbm4b:s20+s3], $0x400, $0x38;
	[tilespmem:$0xB400] =	vst v63  }
0x50: {  	_ =	swait.ge [sflag:s6], $0x400  }
0x51: {  	[sflag:s6] =	ssyncset.done $0x0  }
0x52: {  	s21 =	sadd.s32 s21, s25;
	[sflag:s6] =	ssyncadd.s32 $0xFFFFFC00  }
0x53: {  	[tilespmem:s10], [sflag:$0x2] =	stream.linear.gather [hbm4b:s21+s3], $0x400, $0x38;
	[tilespmem:$0xB400] =	vst v63  }
0x54: {  	_ =	swait.ge [sflag:s6], $0x400  }
0x55: {  	[sflag:s6] =	ssyncset.done $0x0  }
0x56: {  	[sflag:s6] =	ssyncadd.s32 $0xFFFFFC00  }
0x57: {  	[tilespmem:s12], [sflag:$0x1] =	stream.indirect.gather [hbm4b:s11+s10], $0x10, s3, s10, $0xb8;
	[tilespmem:$0xB400] =	vst v63  }
0x58: {  	s29 =	smul.u32 $0x6C000, s24;
	s24 =	ssub.s32 $0x2, s24;
	_ =	swait.ge [sflag:s13], $0x4000  }
0x59: {  	s30 =	sshrl.u32 s24, $0x1;
	[sflag:s13] =	ssyncset.done $0x0  }
0x5a: {  	s24 =	ssub.s32 s24, s30;
	[sflag:s13] =	ssyncadd.s32 $0xFFFFC000  }
0x5b: {  	[spmem:s2] =	stream.indirect.scatter.add.f32 [tilespmem:s12], [sflag:$0x2], $0x10, s10, s10, $0xb8;
	[tilespmem:$0xB400] =	vst v63  }
0x5c: {  	s31 =	smax.u32 s24, $0x1;
	_ =	swait.ge [sflag:s6], $0x4000  }
0x5d: {  	s23 =	sadd.s32 s23, s29;
	p0 =	sne.s32 s31, $0x1;
	[sflag:s6] =	ssyncset.done $0x0  }
.Ltmp0:
0x5e: {  	s23 =	sshrl.u32 s23, $0x3;
	[sflag:s6] =	ssyncadd.s32 $0xFFFFC000;
	(pc) =	sbr.rel @!p0 .LBB2_2-.Ltmp0, $4  }
0x5f: {  	s22 =	sadd.s32 s22, s23;
	[bflag:$0x0] =	sbarrier.arrive $0xFFFF  }
0x60: {  	[hbm:s22], [sflag:s5] =	dma.local [spmem:s7], $0xD80  }
0x61: {  	_ =	swait.ge [sflag:s6], $0xD80  }
0x62: {  	s23 =	sadd.s32 $0xFFFFFFFF, s31;
	[sflag:s6] =	ssyncset.done $0x0  }
.LBB2_1:
0x63: {  	p0 =	sne.s32 s23, $0x1;
	s23 =	sadd.s32 $0xFFFFFFFF, s23;
	[sflag:s6] =	ssyncadd.s32 $0xFFFFF280  }
0x64: {  	[spmem:s7], [sflag:s5] =	dma.local [hbm:s4], $0xD80  }
0x65: {  	_ =	swait.ge [sflag:s6], $0xD80  }
0x66: {  	[sflag:s6] =	ssyncset.done $0x0  }
0x67: {  	[sflag:s6] =	ssyncadd.s32 $0xFFFFF280  }
0x68: {  	[bflag:$0x0] =	sbarrier.arrive $0xFFFF  }
0x69: {  	[tilespmem:s3], [sflag:$0x2] =	stream.linear.gather [hbm4b:s8+s3], $0x400, $0x38;
	[tilespmem:$0xB400] =	vst v63  }
0x6a: {  	_ =	swait.ge [sflag:s6], $0x400  }
0x6b: {  	[sflag:s6] =	ssyncset.done $0x0  }
0x6c: {  	[sflag:s6] =	ssyncadd.s32 $0xFFFFFC00  }
0x6d: {  	[tilespmem:s10], [sflag:$0x2] =	stream.linear.gather [hbm4b:s9+s3], $0x400, $0x38;
	[tilespmem:$0xB400] =	vst v63  }
0x6e: {  	_ =	swait.ge [sflag:s6], $0x400  }
0x6f: {  	[sflag:s6] =	ssyncset.done $0x0  }
0x70: {  	[sflag:s6] =	ssyncadd.s32 $0xFFFFFC00  }
0x71: {  	[tilespmem:s12], [sflag:$0x1] =	stream.indirect.gather [hbm4b:s11+s10], $0x10, s3, s10, $0xb8;
	[tilespmem:$0xB400] =	vst v63  }
0x72: {  	_ =	swait.ge [sflag:s13], $0x4000  }
0x73: {  	[sflag:s13] =	ssyncset.done $0x0  }
0x74: {  	[sflag:s13] =	ssyncadd.s32 $0xFFFFC000  }
0x75: {  	[spmem:s2] =	stream.indirect.scatter.add.f32 [tilespmem:s12], [sflag:$0x2], $0x10, s10, s10, $0xb8;
	[tilespmem:$0xB400] =	vst v63  }
0x76: {  	_ =	swait.ge [sflag:s6], $0x4000  }
0x77: {  	[sflag:s6] =	ssyncset.done $0x0  }
0x78: {  	[sflag:s6] =	ssyncadd.s32 $0xFFFFC000  }
0x79: {  	[tilespmem:s3], [sflag:$0x2] =	stream.linear.gather [hbm4b:s14+s3], $0x400, $0x38;
	[tilespmem:$0xB400] =	vst v63  }
0x7a: {  	_ =	swait.ge [sflag:s6], $0x400  }
0x7b: {  	[sflag:s6] =	ssyncset.done $0x0  }
0x7c: {  	[sflag:s6] =	ssyncadd.s32 $0xFFFFFC00  }
0x7d: {  	[tilespmem:s10], [sflag:$0x2] =	stream.linear.gather [hbm4b:s15+s3], $0x400, $0x38;
	[tilespmem:$0xB400] =	vst v63  }
0x7e: {  	_ =	swait.ge [sflag:s6], $0x400  }
0x7f: {  	[sflag:s6] =	ssyncset.done $0x0  }
0x80: {  	[sflag:s6] =	ssyncadd.s32 $0xFFFFFC00  }
0x81: {  	[tilespmem:s12], [sflag:$0x1] =	stream.indirect.gather [hbm4b:s11+s10], $0x10, s3, s10, $0xb8;
	[tilespmem:$0xB400] =	vst v63  }
0x82: {  	_ =	swait.ge [sflag:s13], $0x4000  }
0x83: {  	[sflag:s13] =	ssyncset.done $0x0  }
0x84: {  	[sflag:s13] =	ssyncadd.s32 $0xFFFFC000  }
0x85: {  	[spmem:s2] =	stream.indirect.scatter.add.f32 [tilespmem:s12], [sflag:$0x2], $0x10, s10, s10, $0xb8;
	[tilespmem:$0xB400] =	vst v63  }
0x86: {  	_ =	swait.ge [sflag:s6], $0x4000  }
0x87: {  	[sflag:s6] =	ssyncset.done $0x0  }
0x88: {  	[sflag:s6] =	ssyncadd.s32 $0xFFFFC000  }
0x89: {  	[tilespmem:s3], [sflag:$0x2] =	stream.linear.gather [hbm4b:s16+s3], $0x400, $0x38;
	[tilespmem:$0xB400] =	vst v63  }
0x8a: {  	_ =	swait.ge [sflag:s6], $0x400  }
0x8b: {  	[sflag:s6] =	ssyncset.done $0x0  }
0x8c: {  	[sflag:s6] =	ssyncadd.s32 $0xFFFFFC00  }
0x8d: {  	[tilespmem:s10], [sflag:$0x2] =	stream.linear.gather [hbm4b:s17+s3], $0x400, $0x38;
	[tilespmem:$0xB400] =	vst v63  }
0x8e: {  	_ =	swait.ge [sflag:s6], $0x400  }
0x8f: {  	[sflag:s6] =	ssyncset.done $0x0  }
0x90: {  	[sflag:s6] =	ssyncadd.s32 $0xFFFFFC00  }
0x91: {  	[tilespmem:s12], [sflag:$0x1] =	stream.indirect.gather [hbm4b:s11+s10], $0x10, s3, s10, $0xb8;
	[tilespmem:$0xB400] =	vst v63  }
0x92: {  	_ =	swait.ge [sflag:s13], $0x4000  }
0x93: {  	[sflag:s13] =	ssyncset.done $0x0  }
0x94: {  	[sflag:s13] =	ssyncadd.s32 $0xFFFFC000  }
0x95: {  	[spmem:s2] =	stream.indirect.scatter.add.f32 [tilespmem:s12], [sflag:$0x2], $0x10, s10, s10, $0xb8;
	[tilespmem:$0xB400] =	vst v63  }
0x96: {  	_ =	swait.ge [sflag:s6], $0x4000  }
0x97: {  	[sflag:s6] =	ssyncset.done $0x0  }
0x98: {  	[sflag:s6] =	ssyncadd.s32 $0xFFFFC000  }
0x99: {  	[tilespmem:s3], [sflag:$0x2] =	stream.linear.gather [hbm4b:s18+s3], $0x400, $0x38;
	[tilespmem:$0xB400] =	vst v63  }
0x9a: {  	_ =	swait.ge [sflag:s6], $0x400  }
0x9b: {  	[sflag:s6] =	ssyncset.done $0x0  }
0x9c: {  	[sflag:s6] =	ssyncadd.s32 $0xFFFFFC00  }
0x9d: {  	[tilespmem:s10], [sflag:$0x2] =	stream.linear.gather [hbm4b:s19+s3], $0x400, $0x38;
	[tilespmem:$0xB400] =	vst v63  }
0x9e: {  	_ =	swait.ge [sflag:s6], $0x400  }
0x9f: {  	[sflag:s6] =	ssyncset.done $0x0  }
0xa0: {  	[sflag:s6] =	ssyncadd.s32 $0xFFFFFC00  }
0xa1: {  	[tilespmem:s12], [sflag:$0x1] =	stream.indirect.gather [hbm4b:s11+s10], $0x10, s3, s10, $0xb8;
	[tilespmem:$0xB400] =	vst v63  }
0xa2: {  	_ =	swait.ge [sflag:s13], $0x4000  }
0xa3: {  	[sflag:s13] =	ssyncset.done $0x0  }
0xa4: {  	[sflag:s13] =	ssyncadd.s32 $0xFFFFC000  }
0xa5: {  	[spmem:s2] =	stream.indirect.scatter.add.f32 [tilespmem:s12], [sflag:$0x2], $0x10, s10, s10, $0xb8;
	[tilespmem:$0xB400] =	vst v63  }
0xa6: {  	_ =	swait.ge [sflag:s6], $0x4000  }
0xa7: {  	[sflag:s6] =	ssyncset.done $0x0  }
0xa8: {  	[sflag:s6] =	ssyncadd.s32 $0xFFFFC000  }
0xa9: {  	[tilespmem:s3], [sflag:$0x2] =	stream.linear.gather [hbm4b:s20+s3], $0x400, $0x38;
	[tilespmem:$0xB400] =	vst v63  }
0xaa: {  	_ =	swait.ge [sflag:s6], $0x400  }
0xab: {  	[sflag:s6] =	ssyncset.done $0x0  }
0xac: {  	[sflag:s6] =	ssyncadd.s32 $0xFFFFFC00  }
0xad: {  	[tilespmem:s10], [sflag:$0x2] =	stream.linear.gather [hbm4b:s21+s3], $0x400, $0x38;
	[tilespmem:$0xB400] =	vst v63  }
0xae: {  	_ =	swait.ge [sflag:s6], $0x400  }
0xaf: {  	[sflag:s6] =	ssyncset.done $0x0  }
0xb0: {  	[sflag:s6] =	ssyncadd.s32 $0xFFFFFC00  }
0xb1: {  	[tilespmem:s12], [sflag:$0x1] =	stream.indirect.gather [hbm4b:s11+s10], $0x10, s3, s10, $0xb8;
	[tilespmem:$0xB400] =	vst v63  }
0xb2: {  	_ =	swait.ge [sflag:s13], $0x4000  }
0xb3: {  	[sflag:s13] =	ssyncset.done $0x0  }
0xb4: {  	[sflag:s13] =	ssyncadd.s32 $0xFFFFC000  }
0xb5: {  	[spmem:s2] =	stream.indirect.scatter.add.f32 [tilespmem:s12], [sflag:$0x2], $0x10, s10, s10, $0xb8;
	[tilespmem:$0xB400] =	vst v63  }
0xb6: {  	_ =	swait.ge [sflag:s6], $0x4000  }
0xb7: {  	[sflag:s6] =	ssyncset.done $0x0  }
.Ltmp1:
0xb8: {  	[sflag:s6] =	ssyncadd.s32 $0xFFFFC000;
	(pc) =	sbr.rel @p0 .LBB2_1-.Ltmp1, $4  }
0xb9: {  	[bflag:$0x0] =	sbarrier.arrive $0xFFFF  }
0xba: {  	[hbm:s22], [sflag:s5] =	dma.local [spmem:s7], $0xD80  }
0xbb: {  	_ =	swait.ge [sflag:s6], $0xD80  }
0xbc: {  	[sflag:s6] =	ssyncset.done $0x0  }
.LBB2_2:
0xbd: {  	[sflag:s6] =	ssyncadd.s32 $0xFFFFF280  }
0xbe: {  	_ =	sfence.sel $0x180000  }
0xbf: {  	[bflag:$0x0] =	sbarrier.arrive $0xFFFF  }
0xc0: {  	p0 =	sne.s32 s1, $0x0;
	_ =	strace $0x9000004A  }
0xc1: {  	s0 =	sadd.s32 @!p0 $0x100000, s0;
	[bflag:$0x2] =	sbarrier.arrive $0xFFFF  }
0xc2: {  	[sflag:s0] =	ssyncadd.tile.s32 @!p0 $0x1;
	_ =	shalt  }
.Lfunc_end2:
_tile_overlayer_lowered:
.L_overlay_start_2:
0xc3: {  	(tag) =	ssettag $0x2  }
0xc4: {  	s0 =	rddreg [dreg:$0x0];
	s2 =	stileid.u32  }
0xc5: {  	s1 =	rddreg [dreg:$0x1];
	p0 =	sne.s32 s2, $0x0  }
0xc6: {  	s3 =	rddreg [dreg:$0x2];
	[bflag:$0x3] =	sbarrier.arrive $0xFFFF;
	s2 =	simm.s32 @!p0 $0x1C02  }
0xc7: {  	[timem:s3], [sflag:s2] =	dma.local @!p0 [hbm:s0], s1  }
0xc8: {  	s0 =	simm.s32 @!p0 $0x2  }
0xc9: {  	_ =	swait.ge @!p0 [sflag:s0], s1  }
0xca: {  	s1 =	ssub.s32 @!p0 $0x0, s1;
	[sflag:s0] =	ssyncset.done @!p0 $0x0  }
0xcb: {  	[sflag:s0] =	ssyncadd.s32 @!p0 s1  }
0xcc: {  	[bflag:$0x3] =	sbarrier.arrive $0xFFFF  }
0xcd: {  	_ =	shalt  }

// kernel: kernel.20.cloned.1.call-start
scs
__scs_entry_jumppad:
0x0: {  	(pc) =	sbr.rel $0x88, $3  }
0x1: {  	(tag) =	ssettag $0x0;
	lr =	simm.s32 $0x1  }
0x2: {  	[smem:$0x3F7E] =	sst lr;
	_ =	strace $0xD0000000  }
0x3: {  	_ = 	snop  }
0x4: {  	_ = 	snop  }
0x5: {  	_ = 	snop  }
0x6: {  	_ = 	snop  }
0x7: {  	_ = 	snop  }
__scs_overlays_trampoline_lowered:
0x8: {  	[smem:$0x3F8D] =	sst s0  }
0x9: {  	[smem:$0x3F8E] =	sst s1  }
0xa: {  	[smem:$0x3F8F] =	sst s2  }
0xb: {  	[smem:$0x3F90] =	sst s3  }
0xc: {  	[smem:$0x3F91] =	sst s4  }
0xd: {  	[smem:$0x3F92] =	sst s5  }
0xe: {  	[smem:$0x3F93] =	sst s6  }
0xf: {  	[smem:$0x3F94] =	sst s7  }
0x10: {  	[smem:$0x3F95] =	sst s8  }
0x11: {  	[smem:$0x3F96] =	sst s9;
	s0 =	simm.s32 @!p0 $0x0  }
0x12: {  	s1 =	sld [smem:$0x3F7C];
	s0 =	simm.s32 @p0 $0x1  }
0x13: {  	[smem:$0x3F97] =	sst s0;
	s0 =	simm.s32 @!p1 $0x0  }
0x14: {  	s2 =	sld [smem:$0x3F7B];
	s0 =	simm.s32 @p1 $0x1  }
0x15: {  	[smem:$0x3F98] =	sst s0;
	s0 =	simm.s32 @!p2 $0x0  }
0x16: {  	s3 =	sld [smem:$0x3FDB];
	s0 =	simm.s32 @p2 $0x1  }
0x17: {  	s4 =	simm.s32 $0x1BF5;
	[smem:$0x3F9A] =	sst s0  }
0x18: {  	s0 =	sld [smem:$0x3F7D];
	_ =	swait.ge [sflag:s4], $0x0  }
0x19: {  	s7 =	sld [smem:$0x3F7E]  }
0x1a: {  	s8 =	sadd.s32 $0xFFFFE003, lr  }
0x1b: {  	s9 =	sadd.s32 $0xFFFFFEF7, lr;
	s5 =	simm.s32 $0xFFFFFFFF;
	p2 =	slt.u32 s8, $0xFFFFF086  }
0x1c: {  	p1 =	slt.u32 s9, $0xF7A;
	s5 =	simm.s32 @!p2 $0x0  }
0x1d: {  	s5 =	simm.s32 @p1 $0x1;
	p0 =	seq.s32 s7, s2  }
0x1e: {  	s7 =	smul.u32 @!p0 $0xF7A, s2;
	p2 =	seq.s32 @!p0 s5, $0x0  }
0x1f: {  	s9 =	smul.u32 $0xF7A, s1;
	s8 =	simm.s32 @!p0 $0x1BF5;
	p2 =	por !p2, p0  }
0x20: {  	[sflag:s8] =	ssyncset.s32 @!p0 $0xFFFFF086;
	s6 =	sadd.s32 @!p0 s3, s7;
	s7 =	simm.s32 @!p0 $0x108  }
0x21: {  	s3 =	sadd.s32 s3, s9;
	s6 =	sadd.s32 @!p0 $0x88, s6;
	s7 =	simm.s32 @p2 $0x1082  }
0x22: {  	[simem:s7], [sflag:s8] =	dma.local @!p0 [hbm:s6], $0xF7A  }
0x23: {  	s9 =	sor.u32 $0xD0000000, s2;
	s6 =	simm.s32 $0x108;
	_ =	swait.ge @!p0 [sflag:s8], $0x0  }
0x24: {  	s3 =	sadd.s32 $0x88, s3;
	s6 =	simm.s32 @!p1 $0x1082;
	[sflag:s4] =	ssyncset.s32 $0xFFFFF086  }
0x25: {  	[simem:s6], [sflag:s4] =	dma.local [hbm:s3], $0xF7A  }
0x26: {  	[smem:$0x3F7E] =	sst s1;
	(tag) =	ssettag s2;
	_ =	strace s9  }
0x27: {  	s1 =	sld [smem:$0x3F8E]  }
0x28: {  	s2 =	sld [smem:$0x3F8F]  }
0x29: {  	s4 =	sld [smem:$0x3F91]  }
0x2a: {  	p0 =	seq.s32 s5, $0x0;
	s5 =	sld [smem:$0x3F92]  }
0x2b: {  	s6 =	sld [smem:$0x3F93]  }
0x2c: {  	s7 =	sld [smem:$0x3F94]  }
0x2d: {  	s3 =	simm.s32 $0x108;
	s8 =	sld [smem:$0x3F95]  }
0x2e: {  	s3 =	simm.s32 @!p0 $0x1082;
	s9 =	sld [smem:$0x3F96]  }
0x2f: {  	lr =	sadd.s32 s0, s3;
	s0 =	sld [smem:$0x3F8D]  }
0x30: {  	s3 =	sld [smem:$0x3F90]  }
0x31: {  	[smem:$0x3F99] =	sst s10  }
0x32: {  	s10 =	sld [smem:$0x3F97];
	_ =	sdelay $0x3  }
0x33: {  	p0 =	seq.s32 s10, $0x1;
	s10 =	sld [smem:$0x3F99];
	_ =	sdelay $0x3  }
0x34: {  	[smem:$0x3F99] =	sst s10  }
0x35: {  	s10 =	sld [smem:$0x3F98];
	_ =	sdelay $0x3  }
0x36: {  	p1 =	seq.s32 s10, $0x1;
	s10 =	sld [smem:$0x3F99];
	_ =	sdelay $0x3  }
0x37: {  	[smem:$0x3F99] =	sst s10  }
0x38: {  	s10 =	sld [smem:$0x3F9A]  }
0x39: {  	_ = 	snop;
	(pc) =	sbr.ind lr, $3  }
0x3a: {  	_ = 	snop  }
0x3b: {  	_ = 	snop  }
0x3c: {  	p2 =	seq.s32 s10, $0x1;
	s10 =	sld [smem:$0x3F99]  }
0x3d: {  	_ =	shalt  }
0x3e: {  	_ =	shalt  }
0x3f: {  	_ =	shalt  }
0x40: {  	_ =	shalt  }
0x41: {  	_ =	shalt  }
0x42: {  	_ =	shalt  }
0x43: {  	_ =	shalt  }
0x44: {  	_ =	shalt  }
0x45: {  	_ =	shalt  }
0x46: {  	_ =	shalt  }
0x47: {  	_ =	shalt  }
0x48: {  	_ =	shalt  }
0x49: {  	_ =	shalt  }
0x4a: {  	_ =	shalt  }
0x4b: {  	_ =	shalt  }
0x4c: {  	_ =	shalt  }
0x4d: {  	_ =	shalt  }
0x4e: {  	_ =	shalt  }
0x4f: {  	_ =	shalt  }
0x50: {  	_ =	shalt  }
0x51: {  	_ =	shalt  }
0x52: {  	_ =	shalt  }
0x53: {  	_ =	shalt  }
0x54: {  	_ =	shalt  }
0x55: {  	_ =	shalt  }
0x56: {  	_ =	shalt  }
0x57: {  	_ =	shalt  }
0x58: {  	_ =	shalt  }
0x59: {  	_ =	shalt  }
0x5a: {  	_ =	shalt  }
0x5b: {  	_ =	shalt  }
0x5c: {  	_ =	shalt  }
0x5d: {  	_ =	shalt  }
0x5e: {  	_ =	shalt  }
0x5f: {  	_ =	shalt  }
0x60: {  	_ =	shalt  }
0x61: {  	_ =	shalt  }
0x62: {  	_ =	shalt  }
0x63: {  	_ =	shalt  }
0x64: {  	_ =	shalt  }
0x65: {  	_ =	shalt  }
0x66: {  	_ =	shalt  }
0x67: {  	_ =	shalt  }
0x68: {  	_ =	shalt  }
0x69: {  	_ =	shalt  }
0x6a: {  	_ =	shalt  }
0x6b: {  	_ =	shalt  }
0x6c: {  	_ =	shalt  }
0x6d: {  	_ =	shalt  }
0x6e: {  	_ =	shalt  }
0x6f: {  	_ =	shalt  }
0x70: {  	_ =	shalt  }
0x71: {  	_ =	shalt  }
0x72: {  	_ =	shalt  }
0x73: {  	_ =	shalt  }
0x74: {  	_ =	shalt  }
0x75: {  	_ =	shalt  }
0x76: {  	_ =	shalt  }
0x77: {  	_ =	shalt  }
0x78: {  	_ =	shalt  }
0x79: {  	_ =	shalt  }
0x7a: {  	_ =	shalt  }
0x7b: {  	_ =	shalt  }
0x7c: {  	_ =	shalt  }
0x7d: {  	_ =	shalt  }
0x7e: {  	_ =	shalt  }
0x7f: {  	_ =	shalt  }
0x80: {  	_ =	shalt  }
0x81: {  	_ =	shalt  }
0x82: {  	_ =	shalt  }
0x83: {  	_ =	shalt  }
0x84: {  	_ =	shalt  }
0x85: {  	_ =	shalt  }
0x86: {  	_ =	shalt  }
0x87: {  	_ =	shalt  }
.Lfunc_end0:
.L_simem_size_0:
called_computation.2_lowered:
.L_overlay_start_0:
0x88: {  	s2 =	sld [smem:$0x3FD9]  }
0x89: {  	s3 =	sld [smem:$0x3FFE];
	_ =	sdelay $0x1  }
0x8a: {  	s1 =	srdreg.scid  }
0x8b: {  	s0 =	sand.u32 $0x1, s1  }
0x8c: {  	s17 =	sshll.u32 s0, $0xA;
	s2 =	sadd.s32 s3, s2  }
0x8d: {  	s2 =	sadd.s32 s2, s17  }
0x8e: {  	[smem:$0x3FA5] =	sst s2  }
0x8f: {  	_ = 	snop  }
0x90: {  	s2 =	sld [smem:$0x3FD0];
	(tm) =	ssettm $0x1  }
0x91: {  	s18 =	sld [smem:$0x3FFB];
	_ =	sdelay $0x3  }
0x92: {  	_ =	strace s18  }
0x93: {  	s3 =	sld [smem:$0x3FFC];
	_ =	sdelay $0x3  }
0x94: {  	_ =	strace s3  }
0x95: {  	s3 =	sld [smem:$0x3FFD];
	_ =	sdelay $0x3  }
0x96: {  	_ =	strace s3  }
0x97: {  	_ =	strace $0x8FFFFFFF  }
0x98: {  	s19 =	sld [smem:$0x3FDB];
	_ =	sdelay $0x1  }
0x99: {  	s4 =	simm.s32 $_scs_section_size  }
0x9a: {  	s5 =	simm.s32 $_size__tile_overlayer_lowered;
	s6 =	simm.s32 $_tile_overlayer_lowered  }
0x9b: {  	s22 =	simm.s32 $0x1BFF;
	s21 =	sshll.u32 s6, $0x1;
	s3 =	sadd.s32 s4, s19  }
0x9c: {  	s7 =	simm.s32 $0x0;
	s20 =	sshll.u32 s5, $0x1;
	s5 =	sadd.s32 s21, s3  }
0x9d: {  	[timem:s7], [sflag:s22] =	dma.local [hbm:s5], s20  }
0x9e: {  	_ =	swait.ge [sflag:s22], s20  }
0x9f: {  	s4 =	ssub.s32 $0x0, s20;
	[sflag:s22] =	ssyncset.done $0x0  }
0xa0: {  	[sflag:s22] =	ssyncadd.s32 s4;
	_ =	sdelay $0x1  }
0xa1: {  	s23 =	simm.s32 $0x1B8B  }
0xa2: {  	_ =	swait.ge [sflag:s23], $0x1  }
0xa3: {  	[sflag:s23] =	ssyncset.done $0x0  }
0xa4: {  	s25 =	simm.s32 $0x1B8E;
	s24 =	sld [smem:$0x3FFE];
	[sflag:s23] =	ssyncadd.s32 $0xFFFFFFFF  }
0xa5: {  	s26 =	simm.s32 $execute0_lowered;
	[smem:$0x3FD2] =	sst s25  }
0xa6: {  	s5 =	sshll.u32 s26, $0x1;
	_ =	strace $0x8000004C;
	[dreg:$0x1] =	wrdreg $0xFFFFFFFF  }
0xa7: {  	s28 =	simm.s32 $_size_execute0_lowered;
	s3 =	sadd.s32 s3, s5;
	[dreg:$0x0] =	wrdreg $0x0  }
0xa8: {  	s5 =	sshll.u32 s28, $0x1;
	[dreg:$0x2] =	wrdreg s3  }
0xa9: {  	[dreg:$0x3] =	wrdreg s5  }
0xaa: {  	[dreg:$0x4] =	wrdreg $0xC0  }
0xab: {  	_ =	task [dreg:s7], $0x5FFFF  }
0xac: {  	[dreg:$0x1] =	wrdreg $0xFFFFFFFF  }
0xad: {  	[dreg:$0x0] =	wrdreg $0x60  }
0xae: {  	[dreg:$0x2] =	wrdreg s24  }
0xaf: {  	[dreg:$0x3] =	wrdreg s2  }
0xb0: {  	[dreg:$0x4] =	wrdreg $0x48000  }
0xb1: {  	[dreg:$0x5] =	wrdreg $0x9  }
0xb2: {  	_ =	task.clear_ibuf [dreg:s7], $0x6FFFF;
	_ =	strace $0x9000004C  }
0xb3: {  	s29 =	simm.s32 $0x9;
	_ =	strace $0x8000004E  }
0xb4: {  	_ =	swait.ge [sflag:s29], $0x1  }
0xb5: {  	[sflag:s29] =	ssyncadd.s32 $0xFFFFFFFF  }
0xb6: {  	_ =	strace $0x9000004E  }
0xb7: {  	_ =	sfence  }
0xb8: {  	s30 =	sld [smem:$0x0];
	_ =	sdelay $0x2  }
0xb9: {  	s31 =	sshll.u32 s1, $0xD;
	s1 =	sshrl.u32 s1, $0x2  }
0xba: {  	s3 =	sand.u32 $0x4000, s31;
	s1 =	sadd.s32 s1, s30  }
0xbb: {  	s0 =	sor.u32 s3, s0;
	s1 =	sshll.u32 s1, $0x11  }
0xbc: {  	s0 =	sor.u32 s1, s0  }
0xbd: {  	s0 =	sadd.s32 $0x8F2B, s0  }
0xbe: {  	[sflag:s0] =	ssyncadd.remote.s32 $0x1  }
0xbf: {  	_ =	sfence.sel $0xFFFF  }
0xc0: {  	[dreg:$0x0] =	wrdreg $0xFFFFFFFF;
	(pc) =	sbr.abs _section_cstart, $3  }
0xc1: {  	[dreg:$0x1] =	wrdreg $0xFFFFFFFF  }
0xc2: {  	_ =	task.clear_ibuf [dreg:s7], $0x2FFFF;
	_ =	strace $0x9FFFFFFF  }
0xc3: {  	(tm) =	ssettm $0x7FFFFFFF  }
tec
execute0_lowered:
.L_overlay_start_1:
0x0: {  	(tag) =	ssettag $0x1  }
0x1: {  	s11 =	rddreg [dreg:$0x0]  }
0x2: {  	s18 =	rddreg [dreg:$0x1]  }
0x3: {  	s2 =	rddreg [dreg:$0x2]  }
0x4: {  	s0 =	rddreg [dreg:$0x3]  }
0x5: {  	s3 =	simm.s32 $0x0;
	s1 =	stileid.u32;
	s5 =	srdreg.scid  }
0x6: {  	[smem:$0x7FF] =	sst s3;
	s19 =	smul.u32 $0x1B000, s1;
	s4 =	sadd.s32 $0x17600, s11  }
0x7: {  	s20 =	sand.u32 $0x1, s5;
	s26 =	sshll.u32 s1, $0x1;
	s28 =	sshll.u32 s1, $0x6  }
0x8: {  	_ =	strace $0x8000004D;
	s8 =	sor.u32 s20, s26;
	s6 =	sadd.s32 s19, s2  }
0x9: {  	s5 =	sor.u32 $0x1C02, s28;
	s7 =	sshrl.u32 s6, $0x3;
	s6 =	simm.s32 $0x2  }
0xa: {  	[spmem:s7], [sflag:s5] =	dma.local [hbm:s4], $0x3600  }
0xb: {  	s8 =	smul.u32 $0xC00, s8;
	_ =	swait.ge [sflag:s6], $0x3600  }
0xc: {  	[sflag:s6] =	ssyncset.done $0x0  }
0xd: {  	s16 =	sadd.s32 $0x8800, s11;
	s17 =	sshrl.u32 s8, $0x3;
	[sflag:s6] =	ssyncadd.s32 $0xFFFFCA00  }
0xe: {  	s8 =	sadd.s32 s16, s17;
	[bflag:$0x0] =	sbarrier.arrive $0xFFFF  }
0xf: {  	[tilespmem:s3], [sflag:$0x2] =	stream.linear.gather [hbm4b:s8+s3], $0x400, $0x38;
	[tilespmem:$0x1F800] =	vst v63  }
0x10: {  	_ =	swait.ge [sflag:s6], $0x400  }
0x11: {  	s21 =	sadd.s32 $0x5800, s11;
	[sflag:s6] =	ssyncset.done $0x0  }
0x12: {  	s10 =	simm.s32 $0x400;
	s9 =	sadd.s32 s21, s17;
	[sflag:s6] =	ssyncadd.s32 $0xFFFFFC00  }
0x13: {  	[tilespmem:s10], [sflag:$0x2] =	stream.linear.gather [hbm4b:s9+s3], $0x400, $0x38;
	[tilespmem:$0x1F800] =	vst v63  }
0x14: {  	_ =	swait.ge [sflag:s6], $0x400  }
0x15: {  	s12 =	simm.s32 $0x800;
	[sflag:s6] =	ssyncset.done $0x0  }
0x16: {  	s13 =	simm.s32 $0x1;
	s11 =	sadd.s32 $0x281600, s11;
	[sflag:s6] =	ssyncadd.s32 $0xFFFFFC00  }
0x17: {  	[tilespmem:s12], [sflag:$0x1] =	stream.indirect.gather [hbm4b:s11+s10], $0x10, s3, s10, $0xb8;
	[tilespmem:$0x1F800] =	vst v63  }
0x18: {  	_ =	swait.ge [sflag:s13], $0x4000  }
0x19: {  	[sflag:s13] =	ssyncset.done $0x0  }
0x1a: {  	[sflag:s13] =	ssyncadd.s32 $0xFFFFC000  }
0x1b: {  	[spmem:s2] =	stream.indirect.scatter.add.f32 [tilespmem:s12], [sflag:$0x2], $0x10, s10, s10, $0xb8;
	[tilespmem:$0x1F800] =	vst v63  }
0x1c: {  	_ =	swait.ge [sflag:s6], $0x4000  }
0x1d: {  	s15 =	sadd.s32 $0x80, s17;
	[sflag:s6] =	ssyncset.done $0x0  }
0x1e: {  	s14 =	sadd.s32 s16, s15;
	[sflag:s6] =	ssyncadd.s32 $0xFFFFC000  }
0x1f: {  	[tilespmem:s3], [sflag:$0x2] =	stream.linear.gather [hbm4b:s14+s3], $0x400, $0x38;
	[tilespmem:$0x1F800] =	vst v63  }
0x20: {  	_ =	swait.ge [sflag:s6], $0x400  }
0x21: {  	[sflag:s6] =	ssyncset.done $0x0  }
0x22: {  	s15 =	sadd.s32 s21, s15;
	[sflag:s6] =	ssyncadd.s32 $0xFFFFFC00  }
0x23: {  	[tilespmem:s10], [sflag:$0x2] =	stream.linear.gather [hbm4b:s15+s3], $0x400, $0x38;
	[tilespmem:$0x1F800] =	vst v63  }
0x24: {  	_ =	swait.ge [sflag:s6], $0x400  }
0x25: {  	[sflag:s6] =	ssyncset.done $0x0  }
0x26: {  	[sflag:s6] =	ssyncadd.s32 $0xFFFFFC00  }
0x27: {  	[tilespmem:s12], [sflag:$0x1] =	stream.indirect.gather [hbm4b:s11+s10], $0x10, s3, s10, $0xb8;
	[tilespmem:$0x1F800] =	vst v63  }
0x28: {  	_ =	swait.ge [sflag:s13], $0x4000  }
0x29: {  	[sflag:s13] =	ssyncset.done $0x0  }
0x2a: {  	[sflag:s13] =	ssyncadd.s32 $0xFFFFC000  }
0x2b: {  	[spmem:s2] =	stream.indirect.scatter.add.f32 [tilespmem:s12], [sflag:$0x2], $0x10, s10, s10, $0xb8;
	[tilespmem:$0x1F800] =	vst v63  }
0x2c: {  	_ =	swait.ge [sflag:s6], $0x4000  }
0x2d: {  	s17 =	sadd.s32 $0x100, s17;
	[sflag:s6] =	ssyncset.done $0x0  }
0x2e: {  	s16 =	sadd.s32 s16, s17;
	[sflag:s6] =	ssyncadd.s32 $0xFFFFC000  }
0x2f: {  	[tilespmem:s3], [sflag:$0x2] =	stream.linear.gather [hbm4b:s16+s3], $0x400, $0x38;
	[tilespmem:$0x1F800] =	vst v63  }
0x30: {  	_ =	swait.ge [sflag:s6], $0x400  }
0x31: {  	[sflag:s6] =	ssyncset.done $0x0  }
0x32: {  	s17 =	sadd.s32 s21, s17;
	[sflag:s6] =	ssyncadd.s32 $0xFFFFFC00  }
0x33: {  	[tilespmem:s10], [sflag:$0x2] =	stream.linear.gather [hbm4b:s17+s3], $0x400, $0x38;
	[tilespmem:$0x1F800] =	vst v63  }
0x34: {  	_ =	swait.ge [sflag:s6], $0x400  }
0x35: {  	[sflag:s6] =	ssyncset.done $0x0  }
0x36: {  	[sflag:s6] =	ssyncadd.s32 $0xFFFFFC00  }
0x37: {  	[tilespmem:s12], [sflag:$0x1] =	stream.indirect.gather [hbm4b:s11+s10], $0x10, s3, s10, $0xb8;
	[tilespmem:$0x1F800] =	vst v63  }
0x38: {  	s29 =	smul.u32 $0x1B0000, s20;
	s20 =	ssub.s32 $0x2, s20;
	_ =	swait.ge [sflag:s13], $0x4000  }
0x39: {  	s30 =	sshrl.u32 s20, $0x1;
	[sflag:s13] =	ssyncset.done $0x0  }
0x3a: {  	s20 =	ssub.s32 s20, s30;
	[sflag:s13] =	ssyncadd.s32 $0xFFFFC000  }
0x3b: {  	[spmem:s2] =	stream.indirect.scatter.add.f32 [tilespmem:s12], [sflag:$0x2], $0x10, s10, s10, $0xb8;
	[tilespmem:$0x1F800] =	vst v63  }
0x3c: {  	s31 =	smax.u32 s20, $0x1;
	_ =	swait.ge [sflag:s6], $0x4000  }
0x3d: {  	s19 =	sadd.s32 s19, s29;
	p0 =	sne.s32 s31, $0x1;
	[sflag:s6] =	ssyncset.done $0x0  }
.Ltmp0:
0x3e: {  	s19 =	sshrl.u32 s19, $0x3;
	[sflag:s6] =	ssyncadd.s32 $0xFFFFC000;
	(pc) =	sbr.rel @!p0 .LBB2_2-.Ltmp0, $4  }
0x3f: {  	s18 =	sadd.s32 s18, s19;
	[bflag:$0x0] =	sbarrier.arrive $0xFFFF  }
0x40: {  	[hbm:s18], [sflag:s5] =	dma.local [spmem:s7], $0x3600  }
0x41: {  	_ =	swait.ge [sflag:s6], $0x3600  }
0x42: {  	s19 =	sadd.s32 $0xFFFFFFFF, s31;
	[sflag:s6] =	ssyncset.done $0x0  }
.LBB2_1:
0x43: {  	p0 =	sne.s32 s19, $0x1;
	s19 =	sadd.s32 $0xFFFFFFFF, s19;
	[sflag:s6] =	ssyncadd.s32 $0xFFFFCA00  }
0x44: {  	[spmem:s7], [sflag:s5] =	dma.local [hbm:s4], $0x3600  }
0x45: {  	_ =	swait.ge [sflag:s6], $0x3600  }
0x46: {  	[sflag:s6] =	ssyncset.done $0x0  }
0x47: {  	[sflag:s6] =	ssyncadd.s32 $0xFFFFCA00  }
0x48: {  	[bflag:$0x0] =	sbarrier.arrive $0xFFFF  }
0x49: {  	[tilespmem:s3], [sflag:$0x2] =	stream.linear.gather [hbm4b:s8+s3], $0x400, $0x38;
	[tilespmem:$0x1F800] =	vst v63  }
0x4a: {  	_ =	swait.ge [sflag:s6], $0x400  }
0x4b: {  	[sflag:s6] =	ssyncset.done $0x0  }
0x4c: {  	[sflag:s6] =	ssyncadd.s32 $0xFFFFFC00  }
0x4d: {  	[tilespmem:s10], [sflag:$0x2] =	stream.linear.gather [hbm4b:s9+s3], $0x400, $0x38;
	[tilespmem:$0x1F800] =	vst v63  }
0x4e: {  	_ =	swait.ge [sflag:s6], $0x400  }
0x4f: {  	[sflag:s6] =	ssyncset.done $0x0  }
0x50: {  	[sflag:s6] =	ssyncadd.s32 $0xFFFFFC00  }
0x51: {  	[tilespmem:s12], [sflag:$0x1] =	stream.indirect.gather [hbm4b:s11+s10], $0x10, s3, s10, $0xb8;
	[tilespmem:$0x1F800] =	vst v63  }
0x52: {  	_ =	swait.ge [sflag:s13], $0x4000  }
0x53: {  	[sflag:s13] =	ssyncset.done $0x0  }
0x54: {  	[sflag:s13] =	ssyncadd.s32 $0xFFFFC000  }
0x55: {  	[spmem:s2] =	stream.indirect.scatter.add.f32 [tilespmem:s12], [sflag:$0x2], $0x10, s10, s10, $0xb8;
	[tilespmem:$0x1F800] =	vst v63  }
0x56: {  	_ =	swait.ge [sflag:s6], $0x4000  }
0x57: {  	[sflag:s6] =	ssyncset.done $0x0  }
0x58: {  	[sflag:s6] =	ssyncadd.s32 $0xFFFFC000  }
0x59: {  	[tilespmem:s3], [sflag:$0x2] =	stream.linear.gather [hbm4b:s14+s3], $0x400, $0x38;
	[tilespmem:$0x1F800] =	vst v63  }
0x5a: {  	_ =	swait.ge [sflag:s6], $0x400  }
0x5b: {  	[sflag:s6] =	ssyncset.done $0x0  }
0x5c: {  	[sflag:s6] =	ssyncadd.s32 $0xFFFFFC00  }
0x5d: {  	[tilespmem:s10], [sflag:$0x2] =	stream.linear.gather [hbm4b:s15+s3], $0x400, $0x38;
	[tilespmem:$0x1F800] =	vst v63  }
0x5e: {  	_ =	swait.ge [sflag:s6], $0x400  }
0x5f: {  	[sflag:s6] =	ssyncset.done $0x0  }
0x60: {  	[sflag:s6] =	ssyncadd.s32 $0xFFFFFC00  }
0x61: {  	[tilespmem:s12], [sflag:$0x1] =	stream.indirect.gather [hbm4b:s11+s10], $0x10, s3, s10, $0xb8;
	[tilespmem:$0x1F800] =	vst v63  }
0x62: {  	_ =	swait.ge [sflag:s13], $0x4000  }
0x63: {  	[sflag:s13] =	ssyncset.done $0x0  }
0x64: {  	[sflag:s13] =	ssyncadd.s32 $0xFFFFC000  }
0x65: {  	[spmem:s2] =	stream.indirect.scatter.add.f32 [tilespmem:s12], [sflag:$0x2], $0x10, s10, s10, $0xb8;
	[tilespmem:$0x1F800] =	vst v63  }
0x66: {  	_ =	swait.ge [sflag:s6], $0x4000  }
0x67: {  	[sflag:s6] =	ssyncset.done $0x0  }
0x68: {  	[sflag:s6] =	ssyncadd.s32 $0xFFFFC000  }
0x69: {  	[tilespmem:s3], [sflag:$0x2] =	stream.linear.gather [hbm4b:s16+s3], $0x400, $0x38;
	[tilespmem:$0x1F800] =	vst v63  }
0x6a: {  	_ =	swait.ge [sflag:s6], $0x400  }
0x6b: {  	[sflag:s6] =	ssyncset.done $0x0  }
0x6c: {  	[sflag:s6] =	ssyncadd.s32 $0xFFFFFC00  }
0x6d: {  	[tilespmem:s10], [sflag:$0x2] =	stream.linear.gather [hbm4b:s17+s3], $0x400, $0x38;
	[tilespmem:$0x1F800] =	vst v63  }
0x6e: {  	_ =	swait.ge [sflag:s6], $0x400  }
0x6f: {  	[sflag:s6] =	ssyncset.done $0x0  }
0x70: {  	[sflag:s6] =	ssyncadd.s32 $0xFFFFFC00  }
0x71: {  	[tilespmem:s12], [sflag:$0x1] =	stream.indirect.gather [hbm4b:s11+s10], $0x10, s3, s10, $0xb8;
	[tilespmem:$0x1F800] =	vst v63  }
0x72: {  	_ =	swait.ge [sflag:s13], $0x4000  }
0x73: {  	[sflag:s13] =	ssyncset.done $0x0  }
0x74: {  	[sflag:s13] =	ssyncadd.s32 $0xFFFFC000  }
0x75: {  	[spmem:s2] =	stream.indirect.scatter.add.f32 [tilespmem:s12], [sflag:$0x2], $0x10, s10, s10, $0xb8;
	[tilespmem:$0x1F800] =	vst v63  }
0x76: {  	_ =	swait.ge [sflag:s6], $0x4000  }
0x77: {  	[sflag:s6] =	ssyncset.done $0x0  }
.Ltmp1:
0x78: {  	[sflag:s6] =	ssyncadd.s32 $0xFFFFC000;
	(pc) =	sbr.rel @p0 .LBB2_1-.Ltmp1, $4  }
0x79: {  	[bflag:$0x0] =	sbarrier.arrive $0xFFFF  }
0x7a: {  	[hbm:s18], [sflag:s5] =	dma.local [spmem:s7], $0x3600  }
0x7b: {  	_ =	swait.ge [sflag:s6], $0x3600  }
0x7c: {  	[sflag:s6] =	ssyncset.done $0x0  }
.LBB2_2:
0x7d: {  	[sflag:s6] =	ssyncadd.s32 $0xFFFFCA00  }
0x7e: {  	_ =	sfence.sel $0x180000  }
0x7f: {  	[bflag:$0x0] =	sbarrier.arrive $0xFFFF  }
0x80: {  	p0 =	sne.s32 s1, $0x0;
	_ =	strace $0x9000004D  }
0x81: {  	s0 =	sadd.s32 @!p0 $0x100000, s0;
	[bflag:$0x2] =	sbarrier.arrive $0xFFFF  }
0x82: {  	[sflag:s0] =	ssyncadd.tile.s32 @!p0 $0x1;
	_ =	shalt  }
.Lfunc_end2:
_tile_overlayer_lowered:
.L_overlay_start_2:
0x83: {  	(tag) =	ssettag $0x2  }
0x84: {  	s0 =	rddreg [dreg:$0x0];
	s2 =	stileid.u32  }
0x85: {  	s1 =	rddreg [dreg:$0x1];
	p0 =	sne.s32 s2, $0x0  }
0x86: {  	s3 =	rddreg [dreg:$0x2];
	[bflag:$0x3] =	sbarrier.arrive $0xFFFF;
	s2 =	simm.s32 @!p0 $0x1C02  }
0x87: {  	[timem:s3], [sflag:s2] =	dma.local @!p0 [hbm:s0], s1  }
0x88: {  	s0 =	simm.s32 @!p0 $0x2  }
0x89: {  	_ =	swait.ge @!p0 [sflag:s0], s1  }
0x8a: {  	s1 =	ssub.s32 @!p0 $0x0, s1;
	[sflag:s0] =	ssyncset.done @!p0 $0x0  }
0x8b: {  	[sflag:s0] =	ssyncadd.s32 @!p0 s1  }
0x8c: {  	[bflag:$0x3] =	sbarrier.arrive $0xFFFF  }
0x8d: {  	_ =	shalt  }

// kernel: kernel.23.cloned.1.call-start
scs
__scs_entry_jumppad:
0x0: {  	(pc) =	sbr.rel $0x88, $3  }
0x1: {  	(tag) =	ssettag $0x0;
	lr =	simm.s32 $0x1  }
0x2: {  	[smem:$0x3F7E] =	sst lr;
	_ =	strace $0xD0000000  }
0x3: {  	_ = 	snop  }
0x4: {  	_ = 	snop  }
0x5: {  	_ = 	snop  }
0x6: {  	_ = 	snop  }
0x7: {  	_ = 	snop  }
__scs_overlays_trampoline_lowered:
0x8: {  	[smem:$0x3F8D] =	sst s0  }
0x9: {  	[smem:$0x3F8E] =	sst s1  }
0xa: {  	[smem:$0x3F8F] =	sst s2  }
0xb: {  	[smem:$0x3F90] =	sst s3  }
0xc: {  	[smem:$0x3F91] =	sst s4  }
0xd: {  	[smem:$0x3F92] =	sst s5  }
0xe: {  	[smem:$0x3F93] =	sst s6  }
0xf: {  	[smem:$0x3F94] =	sst s7  }
0x10: {  	[smem:$0x3F95] =	sst s8  }
0x11: {  	[smem:$0x3F96] =	sst s9;
	s0 =	simm.s32 @!p0 $0x0  }
0x12: {  	s1 =	sld [smem:$0x3F7C];
	s0 =	simm.s32 @p0 $0x1  }
0x13: {  	[smem:$0x3F97] =	sst s0;
	s0 =	simm.s32 @!p1 $0x0  }
0x14: {  	s2 =	sld [smem:$0x3F7B];
	s0 =	simm.s32 @p1 $0x1  }
0x15: {  	[smem:$0x3F98] =	sst s0;
	s0 =	simm.s32 @!p2 $0x0  }
0x16: {  	s3 =	sld [smem:$0x3FDB];
	s0 =	simm.s32 @p2 $0x1  }
0x17: {  	s4 =	simm.s32 $0x1BF5;
	[smem:$0x3F9A] =	sst s0  }
0x18: {  	s0 =	sld [smem:$0x3F7D];
	_ =	swait.ge [sflag:s4], $0x0  }
0x19: {  	s7 =	sld [smem:$0x3F7E]  }
0x1a: {  	s8 =	sadd.s32 $0xFFFFE003, lr  }
0x1b: {  	s9 =	sadd.s32 $0xFFFFFEF7, lr;
	s5 =	simm.s32 $0xFFFFFFFF;
	p2 =	slt.u32 s8, $0xFFFFF086  }
0x1c: {  	p1 =	slt.u32 s9, $0xF7A;
	s5 =	simm.s32 @!p2 $0x0  }
0x1d: {  	s5 =	simm.s32 @p1 $0x1;
	p0 =	seq.s32 s7, s2  }
0x1e: {  	s7 =	smul.u32 @!p0 $0xF7A, s2;
	p2 =	seq.s32 @!p0 s5, $0x0  }
0x1f: {  	s9 =	smul.u32 $0xF7A, s1;
	s8 =	simm.s32 @!p0 $0x1BF5;
	p2 =	por !p2, p0  }
0x20: {  	[sflag:s8] =	ssyncset.s32 @!p0 $0xFFFFF086;
	s6 =	sadd.s32 @!p0 s3, s7;
	s7 =	simm.s32 @!p0 $0x108  }
0x21: {  	s3 =	sadd.s32 s3, s9;
	s6 =	sadd.s32 @!p0 $0x88, s6;
	s7 =	simm.s32 @p2 $0x1082  }
0x22: {  	[simem:s7], [sflag:s8] =	dma.local @!p0 [hbm:s6], $0xF7A  }
0x23: {  	s9 =	sor.u32 $0xD0000000, s2;
	s6 =	simm.s32 $0x108;
	_ =	swait.ge @!p0 [sflag:s8], $0x0  }
0x24: {  	s3 =	sadd.s32 $0x88, s3;
	s6 =	simm.s32 @!p1 $0x1082;
	[sflag:s4] =	ssyncset.s32 $0xFFFFF086  }
0x25: {  	[simem:s6], [sflag:s4] =	dma.local [hbm:s3], $0xF7A  }
0x26: {  	[smem:$0x3F7E] =	sst s1;
	(tag) =	ssettag s2;
	_ =	strace s9  }
0x27: {  	s1 =	sld [smem:$0x3F8E]  }
0x28: {  	s2 =	sld [smem:$0x3F8F]  }
0x29: {  	s4 =	sld [smem:$0x3F91]  }
0x2a: {  	p0 =	seq.s32 s5, $0x0;
	s5 =	sld [smem:$0x3F92]  }
0x2b: {  	s6 =	sld [smem:$0x3F93]  }
0x2c: {  	s7 =	sld [smem:$0x3F94]  }
0x2d: {  	s3 =	simm.s32 $0x108;
	s8 =	sld [smem:$0x3F95]  }
0x2e: {  	s3 =	simm.s32 @!p0 $0x1082;
	s9 =	sld [smem:$0x3F96]  }
0x2f: {  	lr =	sadd.s32 s0, s3;
	s0 =	sld [smem:$0x3F8D]  }
0x30: {  	s3 =	sld [smem:$0x3F90]  }
0x31: {  	[smem:$0x3F99] =	sst s10  }
0x32: {  	s10 =	sld [smem:$0x3F97];
	_ =	sdelay $0x3  }
0x33: {  	p0 =	seq.s32 s10, $0x1;
	s10 =	sld [smem:$0x3F99];
	_ =	sdelay $0x3  }
0x34: {  	[smem:$0x3F99] =	sst s10  }
0x35: {  	s10 =	sld [smem:$0x3F98];
	_ =	sdelay $0x3  }
0x36: {  	p1 =	seq.s32 s10, $0x1;
	s10 =	sld [smem:$0x3F99];
	_ =	sdelay $0x3  }
0x37: {  	[smem:$0x3F99] =	sst s10  }
0x38: {  	s10 =	sld [smem:$0x3F9A]  }
0x39: {  	_ = 	snop;
	(pc) =	sbr.ind lr, $3  }
0x3a: {  	_ = 	snop  }
0x3b: {  	_ = 	snop  }
0x3c: {  	p2 =	seq.s32 s10, $0x1;
	s10 =	sld [smem:$0x3F99]  }
0x3d: {  	_ =	shalt  }
0x3e: {  	_ =	shalt  }
0x3f: {  	_ =	shalt  }
0x40: {  	_ =	shalt  }
0x41: {  	_ =	shalt  }
0x42: {  	_ =	shalt  }
0x43: {  	_ =	shalt  }
0x44: {  	_ =	shalt  }
0x45: {  	_ =	shalt  }
0x46: {  	_ =	shalt  }
0x47: {  	_ =	shalt  }
0x48: {  	_ =	shalt  }
0x49: {  	_ =	shalt  }
0x4a: {  	_ =	shalt  }
0x4b: {  	_ =	shalt  }
0x4c: {  	_ =	shalt  }
0x4d: {  	_ =	shalt  }
0x4e: {  	_ =	shalt  }
0x4f: {  	_ =	shalt  }
0x50: {  	_ =	shalt  }
0x51: {  	_ =	shalt  }
0x52: {  	_ =	shalt  }
0x53: {  	_ =	shalt  }
0x54: {  	_ =	shalt  }
0x55: {  	_ =	shalt  }
0x56: {  	_ =	shalt  }
0x57: {  	_ =	shalt  }
0x58: {  	_ =	shalt  }
0x59: {  	_ =	shalt  }
0x5a: {  	_ =	shalt  }
0x5b: {  	_ =	shalt  }
0x5c: {  	_ =	shalt  }
0x5d: {  	_ =	shalt  }
0x5e: {  	_ =	shalt  }
0x5f: {  	_ =	shalt  }
0x60: {  	_ =	shalt  }
0x61: {  	_ =	shalt  }
0x62: {  	_ =	shalt  }
0x63: {  	_ =	shalt  }
0x64: {  	_ =	shalt  }
0x65: {  	_ =	shalt  }
0x66: {  	_ =	shalt  }
0x67: {  	_ =	shalt  }
0x68: {  	_ =	shalt  }
0x69: {  	_ =	shalt  }
0x6a: {  	_ =	shalt  }
0x6b: {  	_ =	shalt  }
0x6c: {  	_ =	shalt  }
0x6d: {  	_ =	shalt  }
0x6e: {  	_ =	shalt  }
0x6f: {  	_ =	shalt  }
0x70: {  	_ =	shalt  }
0x71: {  	_ =	shalt  }
0x72: {  	_ =	shalt  }
0x73: {  	_ =	shalt  }
0x74: {  	_ =	shalt  }
0x75: {  	_ =	shalt  }
0x76: {  	_ =	shalt  }
0x77: {  	_ =	shalt  }
0x78: {  	_ =	shalt  }
0x79: {  	_ =	shalt  }
0x7a: {  	_ =	shalt  }
0x7b: {  	_ =	shalt  }
0x7c: {  	_ =	shalt  }
0x7d: {  	_ =	shalt  }
0x7e: {  	_ =	shalt  }
0x7f: {  	_ =	shalt  }
0x80: {  	_ =	shalt  }
0x81: {  	_ =	shalt  }
0x82: {  	_ =	shalt  }
0x83: {  	_ =	shalt  }
0x84: {  	_ =	shalt  }
0x85: {  	_ =	shalt  }
0x86: {  	_ =	shalt  }
0x87: {  	_ =	shalt  }
.Lfunc_end0:
.L_simem_size_0:
called_computation.3_lowered:
.L_overlay_start_0:
0x88: {  	s2 =	sld [smem:$0x3FD9]  }
0x89: {  	s3 =	sld [smem:$0x3FFE];
	_ =	sdelay $0x1  }
0x8a: {  	s1 =	srdreg.scid  }
0x8b: {  	s0 =	sand.u32 $0x1, s1  }
0x8c: {  	s17 =	sshll.u32 s0, $0xA;
	s2 =	sadd.s32 s3, s2  }
0x8d: {  	s2 =	sadd.s32 s2, s17  }
0x8e: {  	[smem:$0x3FA5] =	sst s2  }
0x8f: {  	_ = 	snop  }
0x90: {  	s2 =	sld [smem:$0x3FD0];
	(tm) =	ssettm $0x1  }
0x91: {  	s18 =	sld [smem:$0x3FFB];
	_ =	sdelay $0x3  }
0x92: {  	_ =	strace s18  }
0x93: {  	s3 =	sld [smem:$0x3FFC];
	_ =	sdelay $0x3  }
0x94: {  	_ =	strace s3  }
0x95: {  	s3 =	sld [smem:$0x3FFD];
	_ =	sdelay $0x3  }
0x96: {  	_ =	strace s3  }
0x97: {  	_ =	strace $0x8FFFFFFF  }
0x98: {  	s19 =	sld [smem:$0x3FDB];
	_ =	sdelay $0x1  }
0x99: {  	s4 =	simm.s32 $_scs_section_size  }
0x9a: {  	s5 =	simm.s32 $_size__tile_overlayer_lowered;
	s6 =	simm.s32 $_tile_overlayer_lowered  }
0x9b: {  	s22 =	simm.s32 $0x1BFF;
	s21 =	sshll.u32 s6, $0x1;
	s3 =	sadd.s32 s4, s19  }
0x9c: {  	s7 =	simm.s32 $0x0;
	s20 =	sshll.u32 s5, $0x1;
	s5 =	sadd.s32 s21, s3  }
0x9d: {  	[timem:s7], [sflag:s22] =	dma.local [hbm:s5], s20  }
0x9e: {  	_ =	swait.ge [sflag:s22], s20  }
0x9f: {  	s4 =	ssub.s32 $0x0, s20;
	[sflag:s22] =	ssyncset.done $0x0  }
0xa0: {  	[sflag:s22] =	ssyncadd.s32 s4;
	_ =	sdelay $0x1  }
0xa1: {  	s23 =	simm.s32 $0x1B8B  }
0xa2: {  	_ =	swait.ge [sflag:s23], $0x1  }
0xa3: {  	[sflag:s23] =	ssyncset.done $0x0  }
0xa4: {  	s25 =	simm.s32 $0x1B8E;
	s24 =	sld [smem:$0x3FFE];
	[sflag:s23] =	ssyncadd.s32 $0xFFFFFFFF  }
0xa5: {  	s26 =	simm.s32 $execute0_lowered;
	[smem:$0x3FD2] =	sst s25  }
0xa6: {  	s5 =	sshll.u32 s26, $0x1;
	_ =	strace $0x8000004F;
	[dreg:$0x1] =	wrdreg $0xFFFFFFFF  }
0xa7: {  	s28 =	simm.s32 $_size_execute0_lowered;
	s3 =	sadd.s32 s3, s5;
	[dreg:$0x0] =	wrdreg $0x0  }
0xa8: {  	s5 =	sshll.u32 s28, $0x1;
	[dreg:$0x2] =	wrdreg s3  }
0xa9: {  	[dreg:$0x3] =	wrdreg s5  }
0xaa: {  	[dreg:$0x4] =	wrdreg $0xC0  }
0xab: {  	_ =	task [dreg:s7], $0x5FFFF  }
0xac: {  	[dreg:$0x1] =	wrdreg $0xFFFFFFFF  }
0xad: {  	[dreg:$0x0] =	wrdreg $0x60  }
0xae: {  	[dreg:$0x2] =	wrdreg s2  }
0xaf: {  	[dreg:$0x3] =	wrdreg s24  }
0xb0: {  	[dreg:$0x4] =	wrdreg $0x48000  }
0xb1: {  	[dreg:$0x5] =	wrdreg $0x9  }
0xb2: {  	_ =	task.clear_ibuf [dreg:s7], $0x6FFFF;
	_ =	strace $0x9000004F  }
0xb3: {  	s29 =	simm.s32 $0x9;
	_ =	strace $0x80000051  }
0xb4: {  	_ =	swait.ge [sflag:s29], $0x1  }
0xb5: {  	[sflag:s29] =	ssyncadd.s32 $0xFFFFFFFF  }
0xb6: {  	_ =	strace $0x90000051  }
0xb7: {  	_ =	sfence  }
0xb8: {  	s30 =	sld [smem:$0x0];
	_ =	sdelay $0x2  }
0xb9: {  	s31 =	sshll.u32 s1, $0xD;
	s1 =	sshrl.u32 s1, $0x2  }
0xba: {  	s3 =	sand.u32 $0x4000, s31;
	s1 =	sadd.s32 s1, s30  }
0xbb: {  	s0 =	sor.u32 s3, s0;
	s1 =	sshll.u32 s1, $0x11  }
0xbc: {  	s0 =	sor.u32 s1, s0  }
0xbd: {  	s0 =	sadd.s32 $0x8F2B, s0  }
0xbe: {  	[sflag:s0] =	ssyncadd.remote.s32 $0x1  }
0xbf: {  	_ =	sfence.sel $0xFFFF  }
0xc0: {  	[dreg:$0x0] =	wrdreg $0xFFFFFFFF;
	(pc) =	sbr.abs _section_cstart, $3  }
0xc1: {  	[dreg:$0x1] =	wrdreg $0xFFFFFFFF  }
0xc2: {  	_ =	task.clear_ibuf [dreg:s7], $0x2FFFF;
	_ =	strace $0x9FFFFFFF  }
0xc3: {  	(tm) =	ssettm $0x7FFFFFFF  }
tec
execute0_lowered:
.L_overlay_start_1:
0x0: {  	(tag) =	ssettag $0x1  }
0x1: {  	s1 =	rddreg [dreg:$0x0]  }
0x2: {  	s18 =	rddreg [dreg:$0x1]  }
0x3: {  	s3 =	rddreg [dreg:$0x2]  }
0x4: {  	s0 =	rddreg [dreg:$0x3]  }
0x5: {  	s4 =	simm.s32 $0x0;
	s2 =	stileid.u32;
	s6 =	srdreg.scid  }
0x6: {  	[smem:$0x7FF] =	sst s4;
	s19 =	smul.u32 $0x6C00, s2;
	s5 =	sadd.s32 $0x4800, s18  }
0x7: {  	s20 =	sand.u32 $0x1, s6;
	s26 =	sshll.u32 s2, $0x1;
	s28 =	sshll.u32 s2, $0x6  }
0x8: {  	_ =	strace $0x80000050;
	s9 =	sor.u32 s20, s26;
	s7 =	sadd.s32 s19, s3  }
0x9: {  	s6 =	sor.u32 $0x1C02, s28;
	s8 =	sshrl.u32 s7, $0x3;
	s7 =	simm.s32 $0x2  }
0xa: {  	[spmem:s8], [sflag:s6] =	dma.local [hbm:s5], $0xD80  }
0xb: {  	s9 =	smul.u32 $0xC00, s9;
	_ =	swait.ge [sflag:s7], $0xD80  }
0xc: {  	[sflag:s7] =	ssyncset.done $0x0  }
0xd: {  	s16 =	sadd.s32 $0x1AE00, s18;
	s17 =	sshrl.u32 s9, $0x3;
	[sflag:s7] =	ssyncadd.s32 $0xFFFFF280  }
0xe: {  	s9 =	sadd.s32 s16, s17;
	[bflag:$0x0] =	sbarrier.arrive $0xFFFF  }
0xf: {  	[tilespmem:s4], [sflag:$0x2] =	stream.linear.gather [hbm4b:s9+s4], $0x400, $0x38;
	[tilespmem:$0xB400] =	vst v63  }
0x10: {  	_ =	swait.ge [sflag:s7], $0x400  }
0x11: {  	s21 =	sadd.s32 $0x1DE00, s18;
	[sflag:s7] =	ssyncset.done $0x0  }
0x12: {  	s11 =	simm.s32 $0x400;
	s10 =	sadd.s32 s21, s17;
	[sflag:s7] =	ssyncadd.s32 $0xFFFFFC00  }
0x13: {  	[tilespmem:s11], [sflag:$0x2] =	stream.linear.gather [hbm4b:s10+s4], $0x400, $0x38;
	[tilespmem:$0xB400] =	vst v63  }
0x14: {  	_ =	swait.ge [sflag:s7], $0x400  }
0x15: {  	[sflag:s7] =	ssyncset.done $0x0  }
0x16: {  	s12 =	simm.s32 $0x800;
	s13 =	simm.s32 $0x1;
	[sflag:s7] =	ssyncadd.s32 $0xFFFFFC00  }
0x17: {  	[tilespmem:s12], [sflag:$0x1] =	stream.indirect.gather [hbm4b:s1+s11], $0x10, s4, s11, $0xb8;
	[tilespmem:$0xB400] =	vst v63  }
0x18: {  	_ =	swait.ge [sflag:s13], $0x4000  }
0x19: {  	[sflag:s13] =	ssyncset.done $0x0  }
0x1a: {  	[sflag:s13] =	ssyncadd.s32 $0xFFFFC000  }
0x1b: {  	[spmem:s3] =	stream.indirect.scatter.add.f32 [tilespmem:s12], [sflag:$0x2], $0x10, s11, s11, $0xb8;
	[tilespmem:$0xB400] =	vst v63  }
0x1c: {  	_ =	swait.ge [sflag:s7], $0x4000  }
0x1d: {  	s15 =	sadd.s32 $0x80, s17;
	[sflag:s7] =	ssyncset.done $0x0  }
0x1e: {  	s14 =	sadd.s32 s16, s15;
	[sflag:s7] =	ssyncadd.s32 $0xFFFFC000  }
0x1f: {  	[tilespmem:s4], [sflag:$0x2] =	stream.linear.gather [hbm4b:s14+s4], $0x400, $0x38;
	[tilespmem:$0xB400] =	vst v63  }
0x20: {  	_ =	swait.ge [sflag:s7], $0x400  }
0x21: {  	[sflag:s7] =	ssyncset.done $0x0  }
0x22: {  	s15 =	sadd.s32 s21, s15;
	[sflag:s7] =	ssyncadd.s32 $0xFFFFFC00  }
0x23: {  	[tilespmem:s11], [sflag:$0x2] =	stream.linear.gather [hbm4b:s15+s4], $0x400, $0x38;
	[tilespmem:$0xB400] =	vst v63  }
0x24: {  	_ =	swait.ge [sflag:s7], $0x400  }
0x25: {  	[sflag:s7] =	ssyncset.done $0x0  }
0x26: {  	[sflag:s7] =	ssyncadd.s32 $0xFFFFFC00  }
0x27: {  	[tilespmem:s12], [sflag:$0x1] =	stream.indirect.gather [hbm4b:s1+s11], $0x10, s4, s11, $0xb8;
	[tilespmem:$0xB400] =	vst v63  }
0x28: {  	_ =	swait.ge [sflag:s13], $0x4000  }
0x29: {  	[sflag:s13] =	ssyncset.done $0x0  }
0x2a: {  	[sflag:s13] =	ssyncadd.s32 $0xFFFFC000  }
0x2b: {  	[spmem:s3] =	stream.indirect.scatter.add.f32 [tilespmem:s12], [sflag:$0x2], $0x10, s11, s11, $0xb8;
	[tilespmem:$0xB400] =	vst v63  }
0x2c: {  	_ =	swait.ge [sflag:s7], $0x4000  }
0x2d: {  	s17 =	sadd.s32 $0x100, s17;
	[sflag:s7] =	ssyncset.done $0x0  }
0x2e: {  	s16 =	sadd.s32 s16, s17;
	[sflag:s7] =	ssyncadd.s32 $0xFFFFC000  }
0x2f: {  	[tilespmem:s4], [sflag:$0x2] =	stream.linear.gather [hbm4b:s16+s4], $0x400, $0x38;
	[tilespmem:$0xB400] =	vst v63  }
0x30: {  	_ =	swait.ge [sflag:s7], $0x400  }
0x31: {  	[sflag:s7] =	ssyncset.done $0x0  }
0x32: {  	s17 =	sadd.s32 s21, s17;
	[sflag:s7] =	ssyncadd.s32 $0xFFFFFC00  }
0x33: {  	[tilespmem:s11], [sflag:$0x2] =	stream.linear.gather [hbm4b:s17+s4], $0x400, $0x38;
	[tilespmem:$0xB400] =	vst v63  }
0x34: {  	_ =	swait.ge [sflag:s7], $0x400  }
0x35: {  	[sflag:s7] =	ssyncset.done $0x0  }
0x36: {  	s29 =	smul.u32 $0x6C000, s20;
	[sflag:s7] =	ssyncadd.s32 $0xFFFFFC00  }
0x37: {  	[tilespmem:s12], [sflag:$0x1] =	stream.indirect.gather [hbm4b:s1+s11], $0x10, s4, s11, $0xb8;
	[tilespmem:$0xB400] =	vst v63  }
0x38: {  	s20 =	ssub.s32 $0x2, s20;
	_ =	swait.ge [sflag:s13], $0x4000  }
0x39: {  	s30 =	sshrl.u32 s20, $0x1;
	s19 =	sadd.s32 s19, s29;
	[sflag:s13] =	ssyncset.done $0x0  }
0x3a: {  	s31 =	ssub.s32 s20, s30;
	s19 =	sshrl.u32 s19, $0x3;
	[sflag:s13] =	ssyncadd.s32 $0xFFFFC000  }
0x3b: {  	[spmem:s3] =	stream.indirect.scatter.add.f32 [tilespmem:s12], [sflag:$0x2], $0x10, s11, s11, $0xb8;
	[tilespmem:$0xB400] =	vst v63  }
0x3c: {  	s18 =	sadd.s32 s19, s18;
	s19 =	smax.u32 s31, $0x1;
	_ =	swait.ge [sflag:s7], $0x4000  }
0x3d: {  	p0 =	sne.s32 s19, $0x1;
	[sflag:s7] =	ssyncset.done $0x0  }
.Ltmp0:
0x3e: {  	[sflag:s7] =	ssyncadd.s32 $0xFFFFC000;
	(pc) =	sbr.rel @!p0 .LBB2_2-.Ltmp0, $4  }
0x3f: {  	s18 =	sadd.s32 $0x281600, s18;
	[bflag:$0x0] =	sbarrier.arrive $0xFFFF  }
0x40: {  	[hbm:s18], [sflag:s6] =	dma.local [spmem:s8], $0xD80  }
0x41: {  	_ =	swait.ge [sflag:s7], $0xD80  }
0x42: {  	s19 =	sadd.s32 $0xFFFFFFFF, s19;
	[sflag:s7] =	ssyncset.done $0x0  }
.LBB2_1:
0x43: {  	p0 =	sne.s32 s19, $0x1;
	s19 =	sadd.s32 $0xFFFFFFFF, s19;
	[sflag:s7] =	ssyncadd.s32 $0xFFFFF280  }
0x44: {  	[spmem:s8], [sflag:s6] =	dma.local [hbm:s5], $0xD80  }
0x45: {  	_ =	swait.ge [sflag:s7], $0xD80  }
0x46: {  	[sflag:s7] =	ssyncset.done $0x0  }
0x47: {  	[sflag:s7] =	ssyncadd.s32 $0xFFFFF280  }
0x48: {  	[bflag:$0x0] =	sbarrier.arrive $0xFFFF  }
0x49: {  	[tilespmem:s4], [sflag:$0x2] =	stream.linear.gather [hbm4b:s9+s4], $0x400, $0x38;
	[tilespmem:$0xB400] =	vst v63  }
0x4a: {  	_ =	swait.ge [sflag:s7], $0x400  }
0x4b: {  	[sflag:s7] =	ssyncset.done $0x0  }
0x4c: {  	[sflag:s7] =	ssyncadd.s32 $0xFFFFFC00  }
0x4d: {  	[tilespmem:s11], [sflag:$0x2] =	stream.linear.gather [hbm4b:s10+s4], $0x400, $0x38;
	[tilespmem:$0xB400] =	vst v63  }
0x4e: {  	_ =	swait.ge [sflag:s7], $0x400  }
0x4f: {  	[sflag:s7] =	ssyncset.done $0x0  }
0x50: {  	[sflag:s7] =	ssyncadd.s32 $0xFFFFFC00  }
0x51: {  	[tilespmem:s12], [sflag:$0x1] =	stream.indirect.gather [hbm4b:s1+s11], $0x10, s4, s11, $0xb8;
	[tilespmem:$0xB400] =	vst v63  }
0x52: {  	_ =	swait.ge [sflag:s13], $0x4000  }
0x53: {  	[sflag:s13] =	ssyncset.done $0x0  }
0x54: {  	[sflag:s13] =	ssyncadd.s32 $0xFFFFC000  }
0x55: {  	[spmem:s3] =	stream.indirect.scatter.add.f32 [tilespmem:s12], [sflag:$0x2], $0x10, s11, s11, $0xb8;
	[tilespmem:$0xB400] =	vst v63  }
0x56: {  	_ =	swait.ge [sflag:s7], $0x4000  }
0x57: {  	[sflag:s7] =	ssyncset.done $0x0  }
0x58: {  	[sflag:s7] =	ssyncadd.s32 $0xFFFFC000  }
0x59: {  	[tilespmem:s4], [sflag:$0x2] =	stream.linear.gather [hbm4b:s14+s4], $0x400, $0x38;
	[tilespmem:$0xB400] =	vst v63  }
0x5a: {  	_ =	swait.ge [sflag:s7], $0x400  }
0x5b: {  	[sflag:s7] =	ssyncset.done $0x0  }
0x5c: {  	[sflag:s7] =	ssyncadd.s32 $0xFFFFFC00  }
0x5d: {  	[tilespmem:s11], [sflag:$0x2] =	stream.linear.gather [hbm4b:s15+s4], $0x400, $0x38;
	[tilespmem:$0xB400] =	vst v63  }
0x5e: {  	_ =	swait.ge [sflag:s7], $0x400  }
0x5f: {  	[sflag:s7] =	ssyncset.done $0x0  }
0x60: {  	[sflag:s7] =	ssyncadd.s32 $0xFFFFFC00  }
0x61: {  	[tilespmem:s12], [sflag:$0x1] =	stream.indirect.gather [hbm4b:s1+s11], $0x10, s4, s11, $0xb8;
	[tilespmem:$0xB400] =	vst v63  }
0x62: {  	_ =	swait.ge [sflag:s13], $0x4000  }
0x63: {  	[sflag:s13] =	ssyncset.done $0x0  }
0x64: {  	[sflag:s13] =	ssyncadd.s32 $0xFFFFC000  }
0x65: {  	[spmem:s3] =	stream.indirect.scatter.add.f32 [tilespmem:s12], [sflag:$0x2], $0x10, s11, s11, $0xb8;
	[tilespmem:$0xB400] =	vst v63  }
0x66: {  	_ =	swait.ge [sflag:s7], $0x4000  }
0x67: {  	[sflag:s7] =	ssyncset.done $0x0  }
0x68: {  	[sflag:s7] =	ssyncadd.s32 $0xFFFFC000  }
0x69: {  	[tilespmem:s4], [sflag:$0x2] =	stream.linear.gather [hbm4b:s16+s4], $0x400, $0x38;
	[tilespmem:$0xB400] =	vst v63  }
0x6a: {  	_ =	swait.ge [sflag:s7], $0x400  }
0x6b: {  	[sflag:s7] =	ssyncset.done $0x0  }
0x6c: {  	[sflag:s7] =	ssyncadd.s32 $0xFFFFFC00  }
0x6d: {  	[tilespmem:s11], [sflag:$0x2] =	stream.linear.gather [hbm4b:s17+s4], $0x400, $0x38;
	[tilespmem:$0xB400] =	vst v63  }
0x6e: {  	_ =	swait.ge [sflag:s7], $0x400  }
0x6f: {  	[sflag:s7] =	ssyncset.done $0x0  }
0x70: {  	[sflag:s7] =	ssyncadd.s32 $0xFFFFFC00  }
0x71: {  	[tilespmem:s12], [sflag:$0x1] =	stream.indirect.gather [hbm4b:s1+s11], $0x10, s4, s11, $0xb8;
	[tilespmem:$0xB400] =	vst v63  }
0x72: {  	_ =	swait.ge [sflag:s13], $0x4000  }
0x73: {  	[sflag:s13] =	ssyncset.done $0x0  }
0x74: {  	[sflag:s13] =	ssyncadd.s32 $0xFFFFC000  }
0x75: {  	[spmem:s3] =	stream.indirect.scatter.add.f32 [tilespmem:s12], [sflag:$0x2], $0x10, s11, s11, $0xb8;
	[tilespmem:$0xB400] =	vst v63  }
0x76: {  	_ =	swait.ge [sflag:s7], $0x4000  }
0x77: {  	[sflag:s7] =	ssyncset.done $0x0  }
.Ltmp1:
0x78: {  	[sflag:s7] =	ssyncadd.s32 $0xFFFFC000;
	(pc) =	sbr.rel @p0 .LBB2_1-.Ltmp1, $4  }
0x79: {  	[bflag:$0x0] =	sbarrier.arrive $0xFFFF  }
0x7a: {  	[hbm:s18], [sflag:s6] =	dma.local [spmem:s8], $0xD80  }
0x7b: {  	_ =	swait.ge [sflag:s7], $0xD80  }
0x7c: {  	[sflag:s7] =	ssyncset.done $0x0  }
.LBB2_2:
0x7d: {  	[sflag:s7] =	ssyncadd.s32 $0xFFFFF280  }
0x7e: {  	_ =	sfence.sel $0x180000  }
0x7f: {  	[bflag:$0x0] =	sbarrier.arrive $0xFFFF  }
0x80: {  	p0 =	sne.s32 s2, $0x0;
	_ =	strace $0x90000050  }
0x81: {  	s0 =	sadd.s32 @!p0 $0x100000, s0;
	[bflag:$0x2] =	sbarrier.arrive $0xFFFF  }
0x82: {  	[sflag:s0] =	ssyncadd.tile.s32 @!p0 $0x1;
	_ =	shalt  }
.Lfunc_end2:
_tile_overlayer_lowered:
.L_overlay_start_2:
0x83: {  	(tag) =	ssettag $0x2  }
0x84: {  	s0 =	rddreg [dreg:$0x0];
	s2 =	stileid.u32  }
0x85: {  	s1 =	rddreg [dreg:$0x1];
	p0 =	sne.s32 s2, $0x0  }
0x86: {  	s3 =	rddreg [dreg:$0x2];
	[bflag:$0x3] =	sbarrier.arrive $0xFFFF;
	s2 =	simm.s32 @!p0 $0x1C02  }
0x87: {  	[timem:s3], [sflag:s2] =	dma.local @!p0 [hbm:s0], s1  }
0x88: {  	s0 =	simm.s32 @!p0 $0x2  }
0x89: {  	_ =	swait.ge @!p0 [sflag:s0], s1  }
0x8a: {  	s1 =	ssub.s32 @!p0 $0x0, s1;
	[sflag:s0] =	ssyncset.done @!p0 $0x0  }
0x8b: {  	[sflag:s0] =	ssyncadd.s32 @!p0 s1  }
0x8c: {  	[bflag:$0x3] =	sbarrier.arrive $0xFFFF  }
0x8d: {  	_ =	shalt  }

// kernel: kernel.26.cloned.1.call-start
scs
__scs_entry_jumppad:
0x0: {  	(pc) =	sbr.rel $0x88, $3  }
0x1: {  	(tag) =	ssettag $0x0;
	lr =	simm.s32 $0x1  }
0x2: {  	[smem:$0x3F7E] =	sst lr;
	_ =	strace $0xD0000000  }
0x3: {  	_ = 	snop  }
0x4: {  	_ = 	snop  }
0x5: {  	_ = 	snop  }
0x6: {  	_ = 	snop  }
0x7: {  	_ = 	snop  }
__scs_overlays_trampoline_lowered:
0x8: {  	[smem:$0x3F8D] =	sst s0  }
0x9: {  	[smem:$0x3F8E] =	sst s1  }
0xa: {  	[smem:$0x3F8F] =	sst s2  }
0xb: {  	[smem:$0x3F90] =	sst s3  }
0xc: {  	[smem:$0x3F91] =	sst s4  }
0xd: {  	[smem:$0x3F92] =	sst s5  }
0xe: {  	[smem:$0x3F93] =	sst s6  }
0xf: {  	[smem:$0x3F94] =	sst s7  }
0x10: {  	[smem:$0x3F95] =	sst s8  }
0x11: {  	[smem:$0x3F96] =	sst s9;
	s0 =	simm.s32 @!p0 $0x0  }
0x12: {  	s1 =	sld [smem:$0x3F7C];
	s0 =	simm.s32 @p0 $0x1  }
0x13: {  	[smem:$0x3F97] =	sst s0;
	s0 =	simm.s32 @!p1 $0x0  }
0x14: {  	s2 =	sld [smem:$0x3F7B];
	s0 =	simm.s32 @p1 $0x1  }
0x15: {  	[smem:$0x3F98] =	sst s0;
	s0 =	simm.s32 @!p2 $0x0  }
0x16: {  	s3 =	sld [smem:$0x3FDB];
	s0 =	simm.s32 @p2 $0x1  }
0x17: {  	s4 =	simm.s32 $0x1BF5;
	[smem:$0x3F9A] =	sst s0  }
0x18: {  	s0 =	sld [smem:$0x3F7D];
	_ =	swait.ge [sflag:s4], $0x0  }
0x19: {  	s7 =	sld [smem:$0x3F7E]  }
0x1a: {  	s8 =	sadd.s32 $0xFFFFE003, lr  }
0x1b: {  	s9 =	sadd.s32 $0xFFFFFEF7, lr;
	s5 =	simm.s32 $0xFFFFFFFF;
	p2 =	slt.u32 s8, $0xFFFFF086  }
0x1c: {  	p1 =	slt.u32 s9, $0xF7A;
	s5 =	simm.s32 @!p2 $0x0  }
0x1d: {  	s5 =	simm.s32 @p1 $0x1;
	p0 =	seq.s32 s7, s2  }
0x1e: {  	s7 =	smul.u32 @!p0 $0xF7A, s2;
	p2 =	seq.s32 @!p0 s5, $0x0  }
0x1f: {  	s9 =	smul.u32 $0xF7A, s1;
	s8 =	simm.s32 @!p0 $0x1BF5;
	p2 =	por !p2, p0  }
0x20: {  	[sflag:s8] =	ssyncset.s32 @!p0 $0xFFFFF086;
	s6 =	sadd.s32 @!p0 s3, s7;
	s7 =	simm.s32 @!p0 $0x108  }
0x21: {  	s3 =	sadd.s32 s3, s9;
	s6 =	sadd.s32 @!p0 $0x88, s6;
	s7 =	simm.s32 @p2 $0x1082  }
0x22: {  	[simem:s7], [sflag:s8] =	dma.local @!p0 [hbm:s6], $0xF7A  }
0x23: {  	s9 =	sor.u32 $0xD0000000, s2;
	s6 =	simm.s32 $0x108;
	_ =	swait.ge @!p0 [sflag:s8], $0x0  }
0x24: {  	s3 =	sadd.s32 $0x88, s3;
	s6 =	simm.s32 @!p1 $0x1082;
	[sflag:s4] =	ssyncset.s32 $0xFFFFF086  }
0x25: {  	[simem:s6], [sflag:s4] =	dma.local [hbm:s3], $0xF7A  }
0x26: {  	[smem:$0x3F7E] =	sst s1;
	(tag) =	ssettag s2;
	_ =	strace s9  }
0x27: {  	s1 =	sld [smem:$0x3F8E]  }
0x28: {  	s2 =	sld [smem:$0x3F8F]  }
0x29: {  	s4 =	sld [smem:$0x3F91]  }
0x2a: {  	p0 =	seq.s32 s5, $0x0;
	s5 =	sld [smem:$0x3F92]  }
0x2b: {  	s6 =	sld [smem:$0x3F93]  }
0x2c: {  	s7 =	sld [smem:$0x3F94]  }
0x2d: {  	s3 =	simm.s32 $0x108;
	s8 =	sld [smem:$0x3F95]  }
0x2e: {  	s3 =	simm.s32 @!p0 $0x1082;
	s9 =	sld [smem:$0x3F96]  }
0x2f: {  	lr =	sadd.s32 s0, s3;
	s0 =	sld [smem:$0x3F8D]  }
0x30: {  	s3 =	sld [smem:$0x3F90]  }
0x31: {  	[smem:$0x3F99] =	sst s10  }
0x32: {  	s10 =	sld [smem:$0x3F97];
	_ =	sdelay $0x3  }
0x33: {  	p0 =	seq.s32 s10, $0x1;
	s10 =	sld [smem:$0x3F99];
	_ =	sdelay $0x3  }
0x34: {  	[smem:$0x3F99] =	sst s10  }
0x35: {  	s10 =	sld [smem:$0x3F98];
	_ =	sdelay $0x3  }
0x36: {  	p1 =	seq.s32 s10, $0x1;
	s10 =	sld [smem:$0x3F99];
	_ =	sdelay $0x3  }
0x37: {  	[smem:$0x3F99] =	sst s10  }
0x38: {  	s10 =	sld [smem:$0x3F9A]  }
0x39: {  	_ = 	snop;
	(pc) =	sbr.ind lr, $3  }
0x3a: {  	_ = 	snop  }
0x3b: {  	_ = 	snop  }
0x3c: {  	p2 =	seq.s32 s10, $0x1;
	s10 =	sld [smem:$0x3F99]  }
0x3d: {  	_ =	shalt  }
0x3e: {  	_ =	shalt  }
0x3f: {  	_ =	shalt  }
0x40: {  	_ =	shalt  }
0x41: {  	_ =	shalt  }
0x42: {  	_ =	shalt  }
0x43: {  	_ =	shalt  }
0x44: {  	_ =	shalt  }
0x45: {  	_ =	shalt  }
0x46: {  	_ =	shalt  }
0x47: {  	_ =	shalt  }
0x48: {  	_ =	shalt  }
0x49: {  	_ =	shalt  }
0x4a: {  	_ =	shalt  }
0x4b: {  	_ =	shalt  }
0x4c: {  	_ =	shalt  }
0x4d: {  	_ =	shalt  }
0x4e: {  	_ =	shalt  }
0x4f: {  	_ =	shalt  }
0x50: {  	_ =	shalt  }
0x51: {  	_ =	shalt  }
0x52: {  	_ =	shalt  }
0x53: {  	_ =	shalt  }
0x54: {  	_ =	shalt  }
0x55: {  	_ =	shalt  }
0x56: {  	_ =	shalt  }
0x57: {  	_ =	shalt  }
0x58: {  	_ =	shalt  }
0x59: {  	_ =	shalt  }
0x5a: {  	_ =	shalt  }
0x5b: {  	_ =	shalt  }
0x5c: {  	_ =	shalt  }
0x5d: {  	_ =	shalt  }
0x5e: {  	_ =	shalt  }
0x5f: {  	_ =	shalt  }
0x60: {  	_ =	shalt  }
0x61: {  	_ =	shalt  }
0x62: {  	_ =	shalt  }
0x63: {  	_ =	shalt  }
0x64: {  	_ =	shalt  }
0x65: {  	_ =	shalt  }
0x66: {  	_ =	shalt  }
0x67: {  	_ =	shalt  }
0x68: {  	_ =	shalt  }
0x69: {  	_ =	shalt  }
0x6a: {  	_ =	shalt  }
0x6b: {  	_ =	shalt  }
0x6c: {  	_ =	shalt  }
0x6d: {  	_ =	shalt  }
0x6e: {  	_ =	shalt  }
0x6f: {  	_ =	shalt  }
0x70: {  	_ =	shalt  }
0x71: {  	_ =	shalt  }
0x72: {  	_ =	shalt  }
0x73: {  	_ =	shalt  }
0x74: {  	_ =	shalt  }
0x75: {  	_ =	shalt  }
0x76: {  	_ =	shalt  }
0x77: {  	_ =	shalt  }
0x78: {  	_ =	shalt  }
0x79: {  	_ =	shalt  }
0x7a: {  	_ =	shalt  }
0x7b: {  	_ =	shalt  }
0x7c: {  	_ =	shalt  }
0x7d: {  	_ =	shalt  }
0x7e: {  	_ =	shalt  }
0x7f: {  	_ =	shalt  }
0x80: {  	_ =	shalt  }
0x81: {  	_ =	shalt  }
0x82: {  	_ =	shalt  }
0x83: {  	_ =	shalt  }
0x84: {  	_ =	shalt  }
0x85: {  	_ =	shalt  }
0x86: {  	_ =	shalt  }
0x87: {  	_ =	shalt  }
.Lfunc_end0:
.L_simem_size_0:
called_computation.4_lowered:
.L_overlay_start_0:
0x88: {  	s2 =	sld [smem:$0x3FD9]  }
0x89: {  	s3 =	sld [smem:$0x3FFE];
	_ =	sdelay $0x1  }
0x8a: {  	s1 =	srdreg.scid  }
0x8b: {  	s0 =	sand.u32 $0x1, s1  }
0x8c: {  	s17 =	sshll.u32 s0, $0xA;
	s2 =	sadd.s32 s3, s2  }
0x8d: {  	s2 =	sadd.s32 s2, s17  }
0x8e: {  	[smem:$0x3FA5] =	sst s2  }
0x8f: {  	_ = 	snop  }
0x90: {  	s2 =	sld [smem:$0x3FD0];
	(tm) =	ssettm $0x1  }
0x91: {  	s18 =	sld [smem:$0x3FFB];
	_ =	sdelay $0x3  }
0x92: {  	_ =	strace s18  }
0x93: {  	s3 =	sld [smem:$0x3FFC];
	_ =	sdelay $0x3  }
0x94: {  	_ =	strace s3  }
0x95: {  	s3 =	sld [smem:$0x3FFD];
	_ =	sdelay $0x3  }
0x96: {  	_ =	strace s3  }
0x97: {  	_ =	strace $0x8FFFFFFF  }
0x98: {  	s19 =	sld [smem:$0x3FDB];
	_ =	sdelay $0x1  }
0x99: {  	s4 =	simm.s32 $_scs_section_size  }
0x9a: {  	s5 =	simm.s32 $_size__tile_overlayer_lowered;
	s6 =	simm.s32 $_tile_overlayer_lowered  }
0x9b: {  	s22 =	simm.s32 $0x1BFF;
	s21 =	sshll.u32 s6, $0x1;
	s3 =	sadd.s32 s4, s19  }
0x9c: {  	s7 =	simm.s32 $0x0;
	s20 =	sshll.u32 s5, $0x1;
	s5 =	sadd.s32 s21, s3  }
0x9d: {  	[timem:s7], [sflag:s22] =	dma.local [hbm:s5], s20  }
0x9e: {  	_ =	swait.ge [sflag:s22], s20  }
0x9f: {  	s4 =	ssub.s32 $0x0, s20;
	[sflag:s22] =	ssyncset.done $0x0  }
0xa0: {  	[sflag:s22] =	ssyncadd.s32 s4;
	_ =	sdelay $0x1  }
0xa1: {  	s23 =	simm.s32 $0x1B8B  }
0xa2: {  	_ =	swait.ge [sflag:s23], $0x1  }
0xa3: {  	[sflag:s23] =	ssyncset.done $0x0  }
0xa4: {  	s25 =	simm.s32 $0x1B8E;
	s24 =	sld [smem:$0x3FFE];
	[sflag:s23] =	ssyncadd.s32 $0xFFFFFFFF  }
0xa5: {  	s26 =	simm.s32 $execute0_lowered;
	[smem:$0x3FD2] =	sst s25  }
0xa6: {  	s5 =	sshll.u32 s26, $0x1;
	_ =	strace $0x80000052;
	[dreg:$0x1] =	wrdreg $0xFFFFFFFF  }
0xa7: {  	s28 =	simm.s32 $_size_execute0_lowered;
	s3 =	sadd.s32 s3, s5;
	[dreg:$0x0] =	wrdreg $0x0  }
0xa8: {  	s5 =	sshll.u32 s28, $0x1;
	[dreg:$0x2] =	wrdreg s3  }
0xa9: {  	[dreg:$0x3] =	wrdreg s5  }
0xaa: {  	[dreg:$0x4] =	wrdreg $0xC0  }
0xab: {  	_ =	task [dreg:s7], $0x5FFFF  }
0xac: {  	[dreg:$0x1] =	wrdreg $0xFFFFFFFF  }
0xad: {  	[dreg:$0x0] =	wrdreg $0x60  }
0xae: {  	[dreg:$0x2] =	wrdreg s24  }
0xaf: {  	[dreg:$0x3] =	wrdreg s2  }
0xb0: {  	[dreg:$0x4] =	wrdreg $0x48000  }
0xb1: {  	[dreg:$0x5] =	wrdreg $0x9  }
0xb2: {  	_ =	task.clear_ibuf [dreg:s7], $0x6FFFF;
	_ =	strace $0x90000052  }
0xb3: {  	s29 =	simm.s32 $0x9;
	_ =	strace $0x80000054  }
0xb4: {  	_ =	swait.ge [sflag:s29], $0x1  }
0xb5: {  	[sflag:s29] =	ssyncadd.s32 $0xFFFFFFFF  }
0xb6: {  	_ =	strace $0x90000054  }
0xb7: {  	_ =	sfence  }
0xb8: {  	s30 =	sld [smem:$0x0];
	_ =	sdelay $0x2  }
0xb9: {  	s31 =	sshll.u32 s1, $0xD;
	s1 =	sshrl.u32 s1, $0x2  }
0xba: {  	s3 =	sand.u32 $0x4000, s31;
	s1 =	sadd.s32 s1, s30  }
0xbb: {  	s0 =	sor.u32 s3, s0;
	s1 =	sshll.u32 s1, $0x11  }
0xbc: {  	s0 =	sor.u32 s1, s0  }
0xbd: {  	s0 =	sadd.s32 $0x8F2B, s0  }
0xbe: {  	[sflag:s0] =	ssyncadd.remote.s32 $0x1  }
0xbf: {  	_ =	sfence.sel $0xFFFF  }
0xc0: {  	[dreg:$0x0] =	wrdreg $0xFFFFFFFF;
	(pc) =	sbr.abs _section_cstart, $3  }
0xc1: {  	[dreg:$0x1] =	wrdreg $0xFFFFFFFF  }
0xc2: {  	_ =	task.clear_ibuf [dreg:s7], $0x2FFFF;
	_ =	strace $0x9FFFFFFF  }
0xc3: {  	(tm) =	ssettm $0x7FFFFFFF  }
tec
execute0_lowered:
.L_overlay_start_1:
0x0: {  	(tag) =	ssettag $0x1  }
0x1: {  	s11 =	rddreg [dreg:$0x0]  }
0x2: {  	s22 =	rddreg [dreg:$0x1]  }
0x3: {  	s2 =	rddreg [dreg:$0x2]  }
0x4: {  	s0 =	rddreg [dreg:$0x3]  }
0x5: {  	s3 =	simm.s32 $0x0;
	s1 =	stileid.u32;
	s5 =	srdreg.scid  }
0x6: {  	[smem:$0x7FF] =	sst s3;
	s23 =	smul.u32 $0xC400, s1;
	s4 =	sadd.s32 $0xF800, s11  }
0x7: {  	s24 =	sand.u32 $0x1, s5;
	s26 =	sshll.u32 s1, $0x1;
	s28 =	sshll.u32 s1, $0x6  }
0x8: {  	_ =	strace $0x80000053;
	s8 =	sor.u32 s24, s26;
	s6 =	sadd.s32 s23, s2  }
0x9: {  	s5 =	sor.u32 $0x1C02, s28;
	s7 =	sshrl.u32 s6, $0x3;
	s6 =	simm.s32 $0x2  }
0xa: {  	[spmem:s7], [sflag:s5] =	dma.local [hbm:s4], $0x1880  }
0xb: {  	s8 =	smul.u32 $0x1400, s8;
	_ =	swait.ge [sflag:s6], $0x1880  }
0xc: {  	[sflag:s6] =	ssyncset.done $0x0  }
0xd: {  	s20 =	sadd.s32 $0x5800, s11;
	s25 =	sshrl.u32 s8, $0x3;
	[sflag:s6] =	ssyncadd.s32 $0xFFFFE780  }
0xe: {  	s8 =	sadd.s32 s20, s25;
	[bflag:$0x0] =	sbarrier.arrive $0xFFFF  }
0xf: {  	[tilespmem:s3], [sflag:$0x2] =	stream.linear.gather [hbm4b:s8+s3], $0x400, $0x38;
	[tilespmem:$0x10C00] =	vst v63  }
0x10: {  	_ =	swait.ge [sflag:s6], $0x400  }
0x11: {  	s21 =	sadd.s32 $0xA800, s11;
	[sflag:s6] =	ssyncset.done $0x0  }
0x12: {  	s10 =	simm.s32 $0x400;
	s9 =	sadd.s32 s21, s25;
	[sflag:s6] =	ssyncadd.s32 $0xFFFFFC00  }
0x13: {  	[tilespmem:s10], [sflag:$0x2] =	stream.linear.gather [hbm4b:s9+s3], $0x400, $0x38;
	[tilespmem:$0x10C00] =	vst v63  }
0x14: {  	_ =	swait.ge [sflag:s6], $0x400  }
0x15: {  	s12 =	simm.s32 $0x800;
	[sflag:s6] =	ssyncset.done $0x0  }
0x16: {  	s13 =	simm.s32 $0x1;
	s11 =	sadd.s32 $0x1A9600, s11;
	[sflag:s6] =	ssyncadd.s32 $0xFFFFFC00  }
0x17: {  	[tilespmem:s12], [sflag:$0x1] =	stream.indirect.gather [hbm4b:s11+s10], $0x10, s3, s10, $0xb8;
	[tilespmem:$0x10C00] =	vst v63  }
0x18: {  	_ =	swait.ge [sflag:s13], $0x4000  }
0x19: {  	[sflag:s13] =	ssyncset.done $0x0  }
0x1a: {  	[sflag:s13] =	ssyncadd.s32 $0xFFFFC000  }
0x1b: {  	[spmem:s2] =	stream.indirect.scatter.add.f32 [tilespmem:s12], [sflag:$0x2], $0x10, s10, s10, $0xb8;
	[tilespmem:$0x10C00] =	vst v63  }
0x1c: {  	_ =	swait.ge [sflag:s6], $0x4000  }
0x1d: {  	s15 =	sadd.s32 $0x80, s25;
	[sflag:s6] =	ssyncset.done $0x0  }
0x1e: {  	s14 =	sadd.s32 s20, s15;
	[sflag:s6] =	ssyncadd.s32 $0xFFFFC000  }
0x1f: {  	[tilespmem:s3], [sflag:$0x2] =	stream.linear.gather [hbm4b:s14+s3], $0x400, $0x38;
	[tilespmem:$0x10C00] =	vst v63  }
0x20: {  	_ =	swait.ge [sflag:s6], $0x400  }
0x21: {  	[sflag:s6] =	ssyncset.done $0x0  }
0x22: {  	s15 =	sadd.s32 s21, s15;
	[sflag:s6] =	ssyncadd.s32 $0xFFFFFC00  }
0x23: {  	[tilespmem:s10], [sflag:$0x2] =	stream.linear.gather [hbm4b:s15+s3], $0x400, $0x38;
	[tilespmem:$0x10C00] =	vst v63  }
0x24: {  	_ =	swait.ge [sflag:s6], $0x400  }
0x25: {  	[sflag:s6] =	ssyncset.done $0x0  }
0x26: {  	[sflag:s6] =	ssyncadd.s32 $0xFFFFFC00  }
0x27: {  	[tilespmem:s12], [sflag:$0x1] =	stream.indirect.gather [hbm4b:s11+s10], $0x10, s3, s10, $0xb8;
	[tilespmem:$0x10C00] =	vst v63  }
0x28: {  	_ =	swait.ge [sflag:s13], $0x4000  }
0x29: {  	[sflag:s13] =	ssyncset.done $0x0  }
0x2a: {  	[sflag:s13] =	ssyncadd.s32 $0xFFFFC000  }
0x2b: {  	[spmem:s2] =	stream.indirect.scatter.add.f32 [tilespmem:s12], [sflag:$0x2], $0x10, s10, s10, $0xb8;
	[tilespmem:$0x10C00] =	vst v63  }
0x2c: {  	_ =	swait.ge [sflag:s6], $0x4000  }
0x2d: {  	s17 =	sadd.s32 $0x100, s25;
	[sflag:s6] =	ssyncset.done $0x0  }
0x2e: {  	s16 =	sadd.s32 s20, s17;
	[sflag:s6] =	ssyncadd.s32 $0xFFFFC000  }
0x2f: {  	[tilespmem:s3], [sflag:$0x2] =	stream.linear.gather [hbm4b:s16+s3], $0x400, $0x38;
	[tilespmem:$0x10C00] =	vst v63  }
0x30: {  	_ =	swait.ge [sflag:s6], $0x400  }
0x31: {  	[sflag:s6] =	ssyncset.done $0x0  }
0x32: {  	s17 =	sadd.s32 s21, s17;
	[sflag:s6] =	ssyncadd.s32 $0xFFFFFC00  }
0x33: {  	[tilespmem:s10], [sflag:$0x2] =	stream.linear.gather [hbm4b:s17+s3], $0x400, $0x38;
	[tilespmem:$0x10C00] =	vst v63  }
0x34: {  	_ =	swait.ge [sflag:s6], $0x400  }
0x35: {  	[sflag:s6] =	ssyncset.done $0x0  }
0x36: {  	[sflag:s6] =	ssyncadd.s32 $0xFFFFFC00  }
0x37: {  	[tilespmem:s12], [sflag:$0x1] =	stream.indirect.gather [hbm4b:s11+s10], $0x10, s3, s10, $0xb8;
	[tilespmem:$0x10C00] =	vst v63  }
0x38: {  	_ =	swait.ge [sflag:s13], $0x4000  }
0x39: {  	[sflag:s13] =	ssyncset.done $0x0  }
0x3a: {  	[sflag:s13] =	ssyncadd.s32 $0xFFFFC000  }
0x3b: {  	[spmem:s2] =	stream.indirect.scatter.add.f32 [tilespmem:s12], [sflag:$0x2], $0x10, s10, s10, $0xb8;
	[tilespmem:$0x10C00] =	vst v63  }
0x3c: {  	_ =	swait.ge [sflag:s6], $0x4000  }
0x3d: {  	s19 =	sadd.s32 $0x180, s25;
	[sflag:s6] =	ssyncset.done $0x0  }
0x3e: {  	s18 =	sadd.s32 s20, s19;
	[sflag:s6] =	ssyncadd.s32 $0xFFFFC000  }
0x3f: {  	[tilespmem:s3], [sflag:$0x2] =	stream.linear.gather [hbm4b:s18+s3], $0x400, $0x38;
	[tilespmem:$0x10C00] =	vst v63  }
0x40: {  	_ =	swait.ge [sflag:s6], $0x400  }
0x41: {  	[sflag:s6] =	ssyncset.done $0x0  }
0x42: {  	s19 =	sadd.s32 s21, s19;
	[sflag:s6] =	ssyncadd.s32 $0xFFFFFC00  }
0x43: {  	[tilespmem:s10], [sflag:$0x2] =	stream.linear.gather [hbm4b:s19+s3], $0x400, $0x38;
	[tilespmem:$0x10C00] =	vst v63  }
0x44: {  	_ =	swait.ge [sflag:s6], $0x400  }
0x45: {  	[sflag:s6] =	ssyncset.done $0x0  }
0x46: {  	[sflag:s6] =	ssyncadd.s32 $0xFFFFFC00  }
0x47: {  	[tilespmem:s12], [sflag:$0x1] =	stream.indirect.gather [hbm4b:s11+s10], $0x10, s3, s10, $0xb8;
	[tilespmem:$0x10C00] =	vst v63  }
0x48: {  	_ =	swait.ge [sflag:s13], $0x4000  }
0x49: {  	[sflag:s13] =	ssyncset.done $0x0  }
0x4a: {  	[sflag:s13] =	ssyncadd.s32 $0xFFFFC000  }
0x4b: {  	[spmem:s2] =	stream.indirect.scatter.add.f32 [tilespmem:s12], [sflag:$0x2], $0x10, s10, s10, $0xb8;
	[tilespmem:$0x10C00] =	vst v63  }
0x4c: {  	_ =	swait.ge [sflag:s6], $0x4000  }
0x4d: {  	s25 =	sadd.s32 $0x200, s25;
	[sflag:s6] =	ssyncset.done $0x0  }
0x4e: {  	s20 =	sadd.s32 s20, s25;
	[sflag:s6] =	ssyncadd.s32 $0xFFFFC000  }
0x4f: {  	[tilespmem:s3], [sflag:$0x2] =	stream.linear.gather [hbm4b:s20+s3], $0x400, $0x38;
	[tilespmem:$0x10C00] =	vst v63  }
0x50: {  	_ =	swait.ge [sflag:s6], $0x400  }
0x51: {  	[sflag:s6] =	ssyncset.done $0x0  }
0x52: {  	s21 =	sadd.s32 s21, s25;
	[sflag:s6] =	ssyncadd.s32 $0xFFFFFC00  }
0x53: {  	[tilespmem:s10], [sflag:$0x2] =	stream.linear.gather [hbm4b:s21+s3], $0x400, $0x38;
	[tilespmem:$0x10C00] =	vst v63  }
0x54: {  	_ =	swait.ge [sflag:s6], $0x400  }
0x55: {  	[sflag:s6] =	ssyncset.done $0x0  }
0x56: {  	[sflag:s6] =	ssyncadd.s32 $0xFFFFFC00  }
0x57: {  	[tilespmem:s12], [sflag:$0x1] =	stream.indirect.gather [hbm4b:s11+s10], $0x10, s3, s10, $0xb8;
	[tilespmem:$0x10C00] =	vst v63  }
0x58: {  	s29 =	smul.u32 $0xC4000, s24;
	s24 =	ssub.s32 $0x2, s24;
	_ =	swait.ge [sflag:s13], $0x4000  }
0x59: {  	s30 =	sshrl.u32 s24, $0x1;
	[sflag:s13] =	ssyncset.done $0x0  }
0x5a: {  	s24 =	ssub.s32 s24, s30;
	[sflag:s13] =	ssyncadd.s32 $0xFFFFC000  }
0x5b: {  	[spmem:s2] =	stream.indirect.scatter.add.f32 [tilespmem:s12], [sflag:$0x2], $0x10, s10, s10, $0xb8;
	[tilespmem:$0x10C00] =	vst v63  }
0x5c: {  	s31 =	smax.u32 s24, $0x1;
	_ =	swait.ge [sflag:s6], $0x4000  }
0x5d: {  	s23 =	sadd.s32 s23, s29;
	p0 =	sne.s32 s31, $0x1;
	[sflag:s6] =	ssyncset.done $0x0  }
.Ltmp0:
0x5e: {  	s23 =	sshrl.u32 s23, $0x3;
	[sflag:s6] =	ssyncadd.s32 $0xFFFFC000;
	(pc) =	sbr.rel @!p0 .LBB2_2-.Ltmp0, $4  }
0x5f: {  	s22 =	sadd.s32 s22, s23;
	[bflag:$0x0] =	sbarrier.arrive $0xFFFF  }
0x60: {  	[hbm:s22], [sflag:s5] =	dma.local [spmem:s7], $0x1880  }
0x61: {  	_ =	swait.ge [sflag:s6], $0x1880  }
0x62: {  	s23 =	sadd.s32 $0xFFFFFFFF, s31;
	[sflag:s6] =	ssyncset.done $0x0  }
.LBB2_1:
0x63: {  	p0 =	sne.s32 s23, $0x1;
	s23 =	sadd.s32 $0xFFFFFFFF, s23;
	[sflag:s6] =	ssyncadd.s32 $0xFFFFE780  }
0x64: {  	[spmem:s7], [sflag:s5] =	dma.local [hbm:s4], $0x1880  }
0x65: {  	_ =	swait.ge [sflag:s6], $0x1880  }
0x66: {  	[sflag:s6] =	ssyncset.done $0x0  }
0x67: {  	[sflag:s6] =	ssyncadd.s32 $0xFFFFE780  }
0x68: {  	[bflag:$0x0] =	sbarrier.arrive $0xFFFF  }
0x69: {  	[tilespmem:s3], [sflag:$0x2] =	stream.linear.gather [hbm4b:s8+s3], $0x400, $0x38;
	[tilespmem:$0x10C00] =	vst v63  }
0x6a: {  	_ =	swait.ge [sflag:s6], $0x400  }
0x6b: {  	[sflag:s6] =	ssyncset.done $0x0  }
0x6c: {  	[sflag:s6] =	ssyncadd.s32 $0xFFFFFC00  }
0x6d: {  	[tilespmem:s10], [sflag:$0x2] =	stream.linear.gather [hbm4b:s9+s3], $0x400, $0x38;
	[tilespmem:$0x10C00] =	vst v63  }
0x6e: {  	_ =	swait.ge [sflag:s6], $0x400  }
0x6f: {  	[sflag:s6] =	ssyncset.done $0x0  }
0x70: {  	[sflag:s6] =	ssyncadd.s32 $0xFFFFFC00  }
0x71: {  	[tilespmem:s12], [sflag:$0x1] =	stream.indirect.gather [hbm4b:s11+s10], $0x10, s3, s10, $0xb8;
	[tilespmem:$0x10C00] =	vst v63  }
0x72: {  	_ =	swait.ge [sflag:s13], $0x4000  }
0x73: {  	[sflag:s13] =	ssyncset.done $0x0  }
0x74: {  	[sflag:s13] =	ssyncadd.s32 $0xFFFFC000  }
0x75: {  	[spmem:s2] =	stream.indirect.scatter.add.f32 [tilespmem:s12], [sflag:$0x2], $0x10, s10, s10, $0xb8;
	[tilespmem:$0x10C00] =	vst v63  }
0x76: {  	_ =	swait.ge [sflag:s6], $0x4000  }
0x77: {  	[sflag:s6] =	ssyncset.done $0x0  }
0x78: {  	[sflag:s6] =	ssyncadd.s32 $0xFFFFC000  }
0x79: {  	[tilespmem:s3], [sflag:$0x2] =	stream.linear.gather [hbm4b:s14+s3], $0x400, $0x38;
	[tilespmem:$0x10C00] =	vst v63  }
0x7a: {  	_ =	swait.ge [sflag:s6], $0x400  }
0x7b: {  	[sflag:s6] =	ssyncset.done $0x0  }
0x7c: {  	[sflag:s6] =	ssyncadd.s32 $0xFFFFFC00  }
0x7d: {  	[tilespmem:s10], [sflag:$0x2] =	stream.linear.gather [hbm4b:s15+s3], $0x400, $0x38;
	[tilespmem:$0x10C00] =	vst v63  }
0x7e: {  	_ =	swait.ge [sflag:s6], $0x400  }
0x7f: {  	[sflag:s6] =	ssyncset.done $0x0  }
0x80: {  	[sflag:s6] =	ssyncadd.s32 $0xFFFFFC00  }
0x81: {  	[tilespmem:s12], [sflag:$0x1] =	stream.indirect.gather [hbm4b:s11+s10], $0x10, s3, s10, $0xb8;
	[tilespmem:$0x10C00] =	vst v63  }
0x82: {  	_ =	swait.ge [sflag:s13], $0x4000  }
0x83: {  	[sflag:s13] =	ssyncset.done $0x0  }
0x84: {  	[sflag:s13] =	ssyncadd.s32 $0xFFFFC000  }
0x85: {  	[spmem:s2] =	stream.indirect.scatter.add.f32 [tilespmem:s12], [sflag:$0x2], $0x10, s10, s10, $0xb8;
	[tilespmem:$0x10C00] =	vst v63  }
0x86: {  	_ =	swait.ge [sflag:s6], $0x4000  }
0x87: {  	[sflag:s6] =	ssyncset.done $0x0  }
0x88: {  	[sflag:s6] =	ssyncadd.s32 $0xFFFFC000  }
0x89: {  	[tilespmem:s3], [sflag:$0x2] =	stream.linear.gather [hbm4b:s16+s3], $0x400, $0x38;
	[tilespmem:$0x10C00] =	vst v63  }
0x8a: {  	_ =	swait.ge [sflag:s6], $0x400  }
0x8b: {  	[sflag:s6] =	ssyncset.done $0x0  }
0x8c: {  	[sflag:s6] =	ssyncadd.s32 $0xFFFFFC00  }
0x8d: {  	[tilespmem:s10], [sflag:$0x2] =	stream.linear.gather [hbm4b:s17+s3], $0x400, $0x38;
	[tilespmem:$0x10C00] =	vst v63  }
0x8e: {  	_ =	swait.ge [sflag:s6], $0x400  }
0x8f: {  	[sflag:s6] =	ssyncset.done $0x0  }
0x90: {  	[sflag:s6] =	ssyncadd.s32 $0xFFFFFC00  }
0x91: {  	[tilespmem:s12], [sflag:$0x1] =	stream.indirect.gather [hbm4b:s11+s10], $0x10, s3, s10, $0xb8;
	[tilespmem:$0x10C00] =	vst v63  }
0x92: {  	_ =	swait.ge [sflag:s13], $0x4000  }
0x93: {  	[sflag:s13] =	ssyncset.done $0x0  }
0x94: {  	[sflag:s13] =	ssyncadd.s32 $0xFFFFC000  }
0x95: {  	[spmem:s2] =	stream.indirect.scatter.add.f32 [tilespmem:s12], [sflag:$0x2], $0x10, s10, s10, $0xb8;
	[tilespmem:$0x10C00] =	vst v63  }
0x96: {  	_ =	swait.ge [sflag:s6], $0x4000  }
0x97: {  	[sflag:s6] =	ssyncset.done $0x0  }
0x98: {  	[sflag:s6] =	ssyncadd.s32 $0xFFFFC000  }
0x99: {  	[tilespmem:s3], [sflag:$0x2] =	stream.linear.gather [hbm4b:s18+s3], $0x400, $0x38;
	[tilespmem:$0x10C00] =	vst v63  }
0x9a: {  	_ =	swait.ge [sflag:s6], $0x400  }
0x9b: {  	[sflag:s6] =	ssyncset.done $0x0  }
0x9c: {  	[sflag:s6] =	ssyncadd.s32 $0xFFFFFC00  }
0x9d: {  	[tilespmem:s10], [sflag:$0x2] =	stream.linear.gather [hbm4b:s19+s3], $0x400, $0x38;
	[tilespmem:$0x10C00] =	vst v63  }
0x9e: {  	_ =	swait.ge [sflag:s6], $0x400  }
0x9f: {  	[sflag:s6] =	ssyncset.done $0x0  }
0xa0: {  	[sflag:s6] =	ssyncadd.s32 $0xFFFFFC00  }
0xa1: {  	[tilespmem:s12], [sflag:$0x1] =	stream.indirect.gather [hbm4b:s11+s10], $0x10, s3, s10, $0xb8;
	[tilespmem:$0x10C00] =	vst v63  }
0xa2: {  	_ =	swait.ge [sflag:s13], $0x4000  }
0xa3: {  	[sflag:s13] =	ssyncset.done $0x0  }
0xa4: {  	[sflag:s13] =	ssyncadd.s32 $0xFFFFC000  }
0xa5: {  	[spmem:s2] =	stream.indirect.scatter.add.f32 [tilespmem:s12], [sflag:$0x2], $0x10, s10, s10, $0xb8;
	[tilespmem:$0x10C00] =	vst v63  }
0xa6: {  	_ =	swait.ge [sflag:s6], $0x4000  }
0xa7: {  	[sflag:s6] =	ssyncset.done $0x0  }
0xa8: {  	[sflag:s6] =	ssyncadd.s32 $0xFFFFC000  }
0xa9: {  	[tilespmem:s3], [sflag:$0x2] =	stream.linear.gather [hbm4b:s20+s3], $0x400, $0x38;
	[tilespmem:$0x10C00] =	vst v63  }
0xaa: {  	_ =	swait.ge [sflag:s6], $0x400  }
0xab: {  	[sflag:s6] =	ssyncset.done $0x0  }
0xac: {  	[sflag:s6] =	ssyncadd.s32 $0xFFFFFC00  }
0xad: {  	[tilespmem:s10], [sflag:$0x2] =	stream.linear.gather [hbm4b:s21+s3], $0x400, $0x38;
	[tilespmem:$0x10C00] =	vst v63  }
0xae: {  	_ =	swait.ge [sflag:s6], $0x400  }
0xaf: {  	[sflag:s6] =	ssyncset.done $0x0  }
0xb0: {  	[sflag:s6] =	ssyncadd.s32 $0xFFFFFC00  }
0xb1: {  	[tilespmem:s12], [sflag:$0x1] =	stream.indirect.gather [hbm4b:s11+s10], $0x10, s3, s10, $0xb8;
	[tilespmem:$0x10C00] =	vst v63  }
0xb2: {  	_ =	swait.ge [sflag:s13], $0x4000  }
0xb3: {  	[sflag:s13] =	ssyncset.done $0x0  }
0xb4: {  	[sflag:s13] =	ssyncadd.s32 $0xFFFFC000  }
0xb5: {  	[spmem:s2] =	stream.indirect.scatter.add.f32 [tilespmem:s12], [sflag:$0x2], $0x10, s10, s10, $0xb8;
	[tilespmem:$0x10C00] =	vst v63  }
0xb6: {  	_ =	swait.ge [sflag:s6], $0x4000  }
0xb7: {  	[sflag:s6] =	ssyncset.done $0x0  }
.Ltmp1:
0xb8: {  	[sflag:s6] =	ssyncadd.s32 $0xFFFFC000;
	(pc) =	sbr.rel @p0 .LBB2_1-.Ltmp1, $4  }
0xb9: {  	[bflag:$0x0] =	sbarrier.arrive $0xFFFF  }
0xba: {  	[hbm:s22], [sflag:s5] =	dma.local [spmem:s7], $0x1880  }
0xbb: {  	_ =	swait.ge [sflag:s6], $0x1880  }
0xbc: {  	[sflag:s6] =	ssyncset.done $0x0  }
.LBB2_2:
0xbd: {  	[sflag:s6] =	ssyncadd.s32 $0xFFFFE780  }
0xbe: {  	_ =	sfence.sel $0x180000  }
0xbf: {  	[bflag:$0x0] =	sbarrier.arrive $0xFFFF  }
0xc0: {  	p0 =	sne.s32 s1, $0x0;
	_ =	strace $0x90000053  }
0xc1: {  	s0 =	sadd.s32 @!p0 $0x100000, s0;
	[bflag:$0x2] =	sbarrier.arrive $0xFFFF  }
0xc2: {  	[sflag:s0] =	ssyncadd.tile.s32 @!p0 $0x1;
	_ =	shalt  }
.Lfunc_end2:
_tile_overlayer_lowered:
.L_overlay_start_2:
0xc3: {  	(tag) =	ssettag $0x2  }
0xc4: {  	s0 =	rddreg [dreg:$0x0];
	s2 =	stileid.u32  }
0xc5: {  	s1 =	rddreg [dreg:$0x1];
	p0 =	sne.s32 s2, $0x0  }
0xc6: {  	s3 =	rddreg [dreg:$0x2];
	[bflag:$0x3] =	sbarrier.arrive $0xFFFF;
	s2 =	simm.s32 @!p0 $0x1C02  }
0xc7: {  	[timem:s3], [sflag:s2] =	dma.local @!p0 [hbm:s0], s1  }
0xc8: {  	s0 =	simm.s32 @!p0 $0x2  }
0xc9: {  	_ =	swait.ge @!p0 [sflag:s0], s1  }
0xca: {  	s1 =	ssub.s32 @!p0 $0x0, s1;
	[sflag:s0] =	ssyncset.done @!p0 $0x0  }
0xcb: {  	[sflag:s0] =	ssyncadd.s32 @!p0 s1  }
0xcc: {  	[bflag:$0x3] =	sbarrier.arrive $0xFFFF  }
0xcd: {  	_ =	shalt  }

</sc_bundles>
